<compile_context>
chip_gen: v7x
topology: tpu7x:2x2x1
jax: 0.10.2.dev20260603
libtpu: 0.0.44.dev20260713+nightly
codegen_flags: <defaults>
</compile_context>

<pallas_src>
import functools

import jax
import jax.numpy as jnp
from jax import lax
from jax.experimental import pallas as pl
from jax.experimental.pallas import tpu as pltpu
from jax.experimental.pallas import tpu_sc as plsc

D = 32
BATCH = 16384
HIST = 50
NC = 2
NS = 16
NW = NC * NS
BPW = BATCH // NW
CB = 4
NBUF = 2
LPAD = 129
SCALE = float(D) ** 0.5


@functools.partial(
    pl.kernel,
    mesh=plsc.VectorSubcoreMesh(core_axis_name="c", subcore_axis_name="s"),
    out_type=jax.ShapeDtypeStruct((HIST, D // 8, BATCH // 128, 8, 128),
                                  jnp.float32),
    compiler_params=pltpu.CompilerParams(
        use_tc_tiling_on_sc=False, needs_layout_passes=False
    ),
    scratch_types=[
        pltpu.VMEM((HIST, CB, 128), jnp.int32),
        pltpu.VMEM((NBUF, CB, 128, D), jnp.float32),
        pltpu.VMEM((NBUF, D // 8, CB, 8, LPAD), jnp.float32),
    ]
    + [pltpu.SemaphoreType.DMA] * (2 * NBUF),
)
def _emb_lookup(idx_hbm, table_hbm, out_hbm, idx_v, rin, obuf, *sems):
    gsems = sems[:NBUF]
    osems = sems[NBUF:]
    wid = lax.axis_index("s") * NC + lax.axis_index("c")
    c0 = wid * CB
    iota = lax.iota(jnp.int32, 16)

    for c in range(CB):
        pltpu.sync_copy(
            idx_hbm.at[:, pl.ds((c0 + c) * 128, 128)], idx_v.at[:, c]
        )

    def gstart(h, slot):
        for c in range(CB):
            pltpu.async_copy(
                table_hbm.at[idx_v.at[h, c]], rin.at[slot, c], gsems[slot]
            )

    def gwait(slot):
        for c in range(CB):
            pltpu.make_async_copy(
                table_hbm.at[pl.ds(0, 128)], rin.at[slot, c], gsems[slot]
            ).wait()

    def ostart(h, slot):
        pltpu.async_copy(
            obuf.at[slot, :, :, :, pl.ds(0, 128)],
            out_hbm.at[h, :, pl.ds(c0, CB)],
            osems[slot],
        )

    def owait(slot):
        pltpu.make_async_copy(
            obuf.at[slot, :, :, :, pl.ds(0, 128)],
            out_hbm.at[0, :, pl.ds(c0, CB)],
            osems[slot],
        ).wait()

    bands = [jax.lax.shift_right_logical(iota, 3) + 2 * t for t in range(2)]
    subl = jax.lax.bitwise_and(iota, jnp.full((16,), 7, jnp.int32))
    cvs = [jnp.full((16,), c, jnp.int32) for c in range(CB)]

    def transpose_scale(slot):
        def row_body(l, _):
            lv = jnp.full((16,), l, jnp.int32)
            for c in range(CB):
                for t in range(2):
                    v = rin[slot, c, l, pl.ds(16 * t, 16)] * SCALE
                    plsc.store_scatter(
                        obuf.at[slot], [bands[t], cvs[c], subl, lv], v
                    )
            return ()

        lax.fori_loop(0, 128, row_body, ())

    for slot in range(NBUF):
        gstart(slot, slot)
    for slot in range(NBUF):
        gwait(slot)
        transpose_scale(slot)
        ostart(slot, slot)
        gstart(slot + NBUF, slot)

    def pair(g, _):
        for slot in range(NBUF):
            h = NBUF * g + slot
            gwait(slot)
            owait(slot)
            transpose_scale(slot)
            ostart(h, slot)
            gstart(h + NBUF, slot)
        return ()

    lax.fori_loop(1, HIST // NBUF - 1, pair, ())

    for slot in range(NBUF):
        h = HIST - NBUF + slot
        gwait(slot)
        owait(slot)
        transpose_scale(slot)
        ostart(h, slot)
    for slot in range(NBUF):
        owait(slot)


VOCAB = 1000000
TCOLS = 4096
TGRID = (VOCAB + TCOLS - 1) // TCOLS


def _detile_body(tabt_ref, out_ref):
    out_ref[...] = tabt_ref[...].T[None]


_detile_table = pl.pallas_call(
    _detile_body,
    grid=(TGRID,),
    in_specs=[pl.BlockSpec((D, TCOLS), lambda g: (0, g))],
    out_specs=pl.BlockSpec((1, TCOLS, D), lambda g: (g, 0, 0)),
    out_shape=jax.ShapeDtypeStruct((TGRID, TCOLS, D), jnp.float32),
)


def kernel(inputs, embeddings):
    idx = inputs.astype(jnp.int32).T
    tab = _detile_table(embeddings.T).reshape(TGRID * TCOLS, D)
    out5 = _emb_lookup(idx, tab)
    return out5.transpose(2, 4, 0, 1, 3).reshape(BATCH, HIST, D)

# --- scband reference (transcript-rebuilt; emitter-appended) ---
"""Pipeline reference for scband-embedding-403726926203 (READ-ONLY COPY).

The authoritative reference and input builder live on the scoring server;
editing this copy changes nothing except your own understanding.
"""

import jax, jax.numpy as jnp
import numpy as np

VOCAB_SIZE = 1000000
MODEL_DIM = 32
BATCH = 16384
HIST_LEN = 50

def setup_inputs(seed: int = 0) -> dict:
    key = jax.random.key(seed)
    k_idx, k_emb = jax.random.split(key)
    inputs = jax.random.randint(k_idx, (BATCH, HIST_LEN), 0, VOCAB_SIZE, dtype=jnp.int64) if jax.config.jax_enable_x64 else jax.random.randint(k_idx, (BATCH, HIST_LEN), 0, VOCAB_SIZE, dtype=jnp.int32)
    # glorot_uniform init for embeddings table
    limit = np.sqrt(6.0 / (VOCAB_SIZE + MODEL_DIM))
    embeddings = jax.random.uniform(k_emb, (VOCAB_SIZE, MODEL_DIM), dtype=jnp.float32, minval=-limit, maxval=limit)
    return {"inputs": inputs, "embeddings": embeddings}

def reference(inputs, embeddings):
    # Faithful translation of Embedding.call:
    #   cast to int32, gather, scale by sqrt(model_dim)
    idx = inputs.astype(jnp.int32)
    emb = jnp.take(embeddings, idx, axis=0)
    emb = emb * (MODEL_DIM ** 0.5)
    return emb

if __name__ == "__main__":
    import jax
    _d = setup_inputs()
    print(jax.jit(kernel)(*tuple(_d.values())))

</pallas_src>

<mosaic_0001>
#map = affine_map<(d0, d1) -> (0, 0)>
#map1 = affine_map<(d0, d1) -> (0, 0, 0, 0, 0)>
module attributes {stable_mosaic.version = 14 : i64} {
  func.func @_emb_lookup(%arg0: i32, %arg1: i32, %arg2: memref<50x16384xi32, #tpu.memory_space<hbm>>, %arg3: memref<1003520x32xf32, #tpu.memory_space<hbm>>, %arg4: memref<50x4x128x8x128xf32, #tpu.memory_space<hbm>>, %arg5: memref<50x4x128xi32, #tpu.memory_space<vmem>>, %arg6: memref<2x4x128x32xf32, #tpu.memory_space<vmem>>, %arg7: memref<2x4x4x8x129xf32, #tpu.memory_space<vmem>>, %arg8: memref<!tpu.dma_semaphore, #tpu.memory_space<semaphore_mem>>, %arg9: memref<!tpu.dma_semaphore, #tpu.memory_space<semaphore_mem>>, %arg10: memref<!tpu.dma_semaphore, #tpu.memory_space<semaphore_mem>>, %arg11: memref<!tpu.dma_semaphore, #tpu.memory_space<semaphore_mem>>) attributes {dimension_semantics = [#tpu.dimension_semantics<core_parallel>, #tpu.dimension_semantics<subcore_parallel>], iteration_bounds = array<i64: 2, 16>, scalar_prefetch = 0 : i64, scratch_operands = 7 : i64, tpu.core_type = #tpu.core_type<sc_vector_subcore>, window_params = [{transform_indices = #map}, {transform_indices = #map}, {transform_indices = #map1}]} {
    %mul3A = arith.constant 2 : i32
    %mul3A_0 = arith.muli %arg1, %mul3A : i32
    %add3A = arith.addi %mul3A_0, %arg0 : i32
    %mul3A_1 = arith.constant 4 : i32
    %mul3A_2 = arith.muli %add3A, %mul3A_1 : i32
    %iota3A = tpu.iota {dimensions = array<i32: 0>} : vector<16xi32>
    %add3A_3 = arith.constant 0 : i32
    %add3A_4 = arith.addi %mul3A_2, %add3A_3 : i32
    %mul3A_5 = arith.constant 128 : i32
    %mul3A_6 = arith.muli %add3A_4, %mul3A_5 : i32
    %run_scoped3A = arith.constant 0 : i32
    "tpu.region"() ({
      %run_scoped3A_736 = tpu.sem_alloc : memref<!tpu.dma_semaphore, #tpu.memory_space<semaphore_mem>>
      %dma_start3A_737 = arith.constant 0 : i32
      %dma_start3A_738 = arith.constant 0 : i32
      %dma_start3A_739 = tpu.memref_slice %arg5[%dma_start3A_737, %run_scoped3A, %dma_start3A_738] : memref<50x4x128xi32, #tpu.memory_space<vmem>> -> memref<50x1x128xi32, #tpu.memory_space<vmem>>
      %dma_start3A_740 = tpu.memref_squeeze %dma_start3A_739 : memref<50x1x128xi32, #tpu.memory_space<vmem>> -> memref<50x128xi32, #tpu.memory_space<vmem>>
      %dma_start3A_741 = arith.constant 0 : i32
      %dma_start3A_742 = tpu.memref_slice %arg2[%dma_start3A_741, %mul3A_6] : memref<50x16384xi32, #tpu.memory_space<hbm>> -> memref<50x128xi32, #tpu.memory_space<hbm>>
      %dma_start3A_743 = arith.constant 0 : i32
      %dma_start3A_744 = arith.constant 0 : i32
      %dma_start3A_745 = tpu.memref_slice %arg5[%dma_start3A_743, %run_scoped3A, %dma_start3A_744] : memref<50x4x128xi32, #tpu.memory_space<vmem>> -> memref<50x1x128xi32, #tpu.memory_space<vmem>>
      %dma_start3A_746 = tpu.memref_squeeze %dma_start3A_745 : memref<50x1x128xi32, #tpu.memory_space<vmem>> -> memref<50x128xi32, #tpu.memory_space<vmem>>
      %dma_start3A_747 = arith.constant 0 : i32
      %dma_start3A_748 = tpu.memref_slice %arg2[%dma_start3A_747, %mul3A_6] : memref<50x16384xi32, #tpu.memory_space<hbm>> -> memref<50x128xi32, #tpu.memory_space<hbm>>
      tpu.enqueue_dma source(%dma_start3A_748 : memref<50x128xi32, #tpu.memory_space<hbm>>) target(%dma_start3A_746 : memref<50x128xi32, #tpu.memory_space<vmem>>) target_semaphore(%run_scoped3A_736 : memref<!tpu.dma_semaphore, #tpu.memory_space<semaphore_mem>>)
      %dma_wait3A_749 = arith.constant 0 : i32
      %dma_wait3A_750 = arith.constant 0 : i32
      %dma_wait3A_751 = tpu.memref_slice %arg5[%dma_wait3A_749, %run_scoped3A, %dma_wait3A_750] : memref<50x4x128xi32, #tpu.memory_space<vmem>> -> memref<50x1x128xi32, #tpu.memory_space<vmem>>
      %dma_wait3A_752 = tpu.memref_squeeze %dma_wait3A_751 : memref<50x1x128xi32, #tpu.memory_space<vmem>> -> memref<50x128xi32, #tpu.memory_space<vmem>>
      %dma_wait3A_753 = arith.constant 0 : i32
      %dma_wait3A_754 = tpu.memref_slice %arg2[%dma_wait3A_753, %mul3A_6] : memref<50x16384xi32, #tpu.memory_space<hbm>> -> memref<50x128xi32, #tpu.memory_space<hbm>>
      %dma_wait3A_755 = arith.constant 0 : i32
      %dma_wait3A_756 = arith.constant 0 : i32
      %dma_wait3A_757 = tpu.memref_slice %arg5[%dma_wait3A_755, %run_scoped3A, %dma_wait3A_756] : memref<50x4x128xi32, #tpu.memory_space<vmem>> -> memref<50x1x128xi32, #tpu.memory_space<vmem>>
      %dma_wait3A_758 = tpu.memref_squeeze %dma_wait3A_757 : memref<50x1x128xi32, #tpu.memory_space<vmem>> -> memref<50x128xi32, #tpu.memory_space<vmem>>
      %dma_wait3A_759 = arith.constant 0 : i32
      %dma_wait3A_760 = tpu.memref_slice %arg2[%dma_wait3A_759, %mul3A_6] : memref<50x16384xi32, #tpu.memory_space<hbm>> -> memref<50x128xi32, #tpu.memory_space<hbm>>
      tpu.wait_dma2 semaphore(%run_scoped3A_736 : memref<!tpu.dma_semaphore, #tpu.memory_space<semaphore_mem>>) src(%dma_wait3A_760 : memref<50x128xi32, #tpu.memory_space<hbm>>) dst(%dma_wait3A_758 : memref<50x128xi32, #tpu.memory_space<vmem>>)
      tpu.yield
    }) : () -> ()
    %add3A_7 = arith.constant 1 : i32
    %add3A_8 = arith.addi %mul3A_2, %add3A_7 : i32
    %mul3A_9 = arith.constant 128 : i32
    %mul3A_10 = arith.muli %add3A_8, %mul3A_9 : i32
    %run_scoped3A_11 = arith.constant 1 : i32
    "tpu.region"() ({
      %run_scoped3A_736 = tpu.sem_alloc : memref<!tpu.dma_semaphore, #tpu.memory_space<semaphore_mem>>
      %dma_start3A_737 = arith.constant 0 : i32
      %dma_start3A_738 = arith.constant 0 : i32
      %dma_start3A_739 = tpu.memref_slice %arg5[%dma_start3A_737, %run_scoped3A_11, %dma_start3A_738] : memref<50x4x128xi32, #tpu.memory_space<vmem>> -> memref<50x1x128xi32, #tpu.memory_space<vmem>>
      %dma_start3A_740 = tpu.memref_squeeze %dma_start3A_739 : memref<50x1x128xi32, #tpu.memory_space<vmem>> -> memref<50x128xi32, #tpu.memory_space<vmem>>
      %dma_start3A_741 = arith.constant 0 : i32
      %dma_start3A_742 = tpu.memref_slice %arg2[%dma_start3A_741, %mul3A_10] : memref<50x16384xi32, #tpu.memory_space<hbm>> -> memref<50x128xi32, #tpu.memory_space<hbm>>
      %dma_start3A_743 = arith.constant 0 : i32
      %dma_start3A_744 = arith.constant 0 : i32
      %dma_start3A_745 = tpu.memref_slice %arg5[%dma_start3A_743, %run_scoped3A_11, %dma_start3A_744] : memref<50x4x128xi32, #tpu.memory_space<vmem>> -> memref<50x1x128xi32, #tpu.memory_space<vmem>>
      %dma_start3A_746 = tpu.memref_squeeze %dma_start3A_745 : memref<50x1x128xi32, #tpu.memory_space<vmem>> -> memref<50x128xi32, #tpu.memory_space<vmem>>
      %dma_start3A_747 = arith.constant 0 : i32
      %dma_start3A_748 = tpu.memref_slice %arg2[%dma_start3A_747, %mul3A_10] : memref<50x16384xi32, #tpu.memory_space<hbm>> -> memref<50x128xi32, #tpu.memory_space<hbm>>
      tpu.enqueue_dma source(%dma_start3A_748 : memref<50x128xi32, #tpu.memory_space<hbm>>) target(%dma_start3A_746 : memref<50x128xi32, #tpu.memory_space<vmem>>) target_semaphore(%run_scoped3A_736 : memref<!tpu.dma_semaphore, #tpu.memory_space<semaphore_mem>>)
      %dma_wait3A_749 = arith.constant 0 : i32
      %dma_wait3A_750 = arith.constant 0 : i32
      %dma_wait3A_751 = tpu.memref_slice %arg5[%dma_wait3A_749, %run_scoped3A_11, %dma_wait3A_750] : memref<50x4x128xi32, #tpu.memory_space<vmem>> -> memref<50x1x128xi32, #tpu.memory_space<vmem>>
      %dma_wait3A_752 = tpu.memref_squeeze %dma_wait3A_751 : memref<50x1x128xi32, #tpu.memory_space<vmem>> -> memref<50x128xi32, #tpu.memory_space<vmem>>
      %dma_wait3A_753 = arith.constant 0 : i32
      %dma_wait3A_754 = tpu.memref_slice %arg2[%dma_wait3A_753, %mul3A_10] : memref<50x16384xi32, #tpu.memory_space<hbm>> -> memref<50x128xi32, #tpu.memory_space<hbm>>
      %dma_wait3A_755 = arith.constant 0 : i32
      %dma_wait3A_756 = arith.constant 0 : i32
      %dma_wait3A_757 = tpu.memref_slice %arg5[%dma_wait3A_755, %run_scoped3A_11, %dma_wait3A_756] : memref<50x4x128xi32, #tpu.memory_space<vmem>> -> memref<50x1x128xi32, #tpu.memory_space<vmem>>
      %dma_wait3A_758 = tpu.memref_squeeze %dma_wait3A_757 : memref<50x1x128xi32, #tpu.memory_space<vmem>> -> memref<50x128xi32, #tpu.memory_space<vmem>>
      %dma_wait3A_759 = arith.constant 0 : i32
      %dma_wait3A_760 = tpu.memref_slice %arg2[%dma_wait3A_759, %mul3A_10] : memref<50x16384xi32, #tpu.memory_space<hbm>> -> memref<50x128xi32, #tpu.memory_space<hbm>>
      tpu.wait_dma2 semaphore(%run_scoped3A_736 : memref<!tpu.dma_semaphore, #tpu.memory_space<semaphore_mem>>) src(%dma_wait3A_760 : memref<50x128xi32, #tpu.memory_space<hbm>>) dst(%dma_wait3A_758 : memref<50x128xi32, #tpu.memory_space<vmem>>)
      tpu.yield
    }) : () -> ()
    %add3A_12 = arith.constant 2 : i32
    %add3A_13 = arith.addi %mul3A_2, %add3A_12 : i32
    %mul3A_14 = arith.constant 128 : i32
    %mul3A_15 = arith.muli %add3A_13, %mul3A_14 : i32
    %run_scoped3A_16 = arith.constant 2 : i32
    "tpu.region"() ({
      %run_scoped3A_736 = tpu.sem_alloc : memref<!tpu.dma_semaphore, #tpu.memory_space<semaphore_mem>>
      %dma_start3A_737 = arith.constant 0 : i32
      %dma_start3A_738 = arith.constant 0 : i32
      %dma_start3A_739 = tpu.memref_slice %arg5[%dma_start3A_737, %run_scoped3A_16, %dma_start3A_738] : memref<50x4x128xi32, #tpu.memory_space<vmem>> -> memref<50x1x128xi32, #tpu.memory_space<vmem>>
      %dma_start3A_740 = tpu.memref_squeeze %dma_start3A_739 : memref<50x1x128xi32, #tpu.memory_space<vmem>> -> memref<50x128xi32, #tpu.memory_space<vmem>>
      %dma_start3A_741 = arith.constant 0 : i32
      %dma_start3A_742 = tpu.memref_slice %arg2[%dma_start3A_741, %mul3A_15] : memref<50x16384xi32, #tpu.memory_space<hbm>> -> memref<50x128xi32, #tpu.memory_space<hbm>>
      %dma_start3A_743 = arith.constant 0 : i32
      %dma_start3A_744 = arith.constant 0 : i32
      %dma_start3A_745 = tpu.memref_slice %arg5[%dma_start3A_743, %run_scoped3A_16, %dma_start3A_744] : memref<50x4x128xi32, #tpu.memory_space<vmem>> -> memref<50x1x128xi32, #tpu.memory_space<vmem>>
      %dma_start3A_746 = tpu.memref_squeeze %dma_start3A_745 : memref<50x1x128xi32, #tpu.memory_space<vmem>> -> memref<50x128xi32, #tpu.memory_space<vmem>>
      %dma_start3A_747 = arith.constant 0 : i32
      %dma_start3A_748 = tpu.memref_slice %arg2[%dma_start3A_747, %mul3A_15] : memref<50x16384xi32, #tpu.memory_space<hbm>> -> memref<50x128xi32, #tpu.memory_space<hbm>>
      tpu.enqueue_dma source(%dma_start3A_748 : memref<50x128xi32, #tpu.memory_space<hbm>>) target(%dma_start3A_746 : memref<50x128xi32, #tpu.memory_space<vmem>>) target_semaphore(%run_scoped3A_736 : memref<!tpu.dma_semaphore, #tpu.memory_space<semaphore_mem>>)
      %dma_wait3A_749 = arith.constant 0 : i32
      %dma_wait3A_750 = arith.constant 0 : i32
      %dma_wait3A_751 = tpu.memref_slice %arg5[%dma_wait3A_749, %run_scoped3A_16, %dma_wait3A_750] : memref<50x4x128xi32, #tpu.memory_space<vmem>> -> memref<50x1x128xi32, #tpu.memory_space<vmem>>
      %dma_wait3A_752 = tpu.memref_squeeze %dma_wait3A_751 : memref<50x1x128xi32, #tpu.memory_space<vmem>> -> memref<50x128xi32, #tpu.memory_space<vmem>>
      %dma_wait3A_753 = arith.constant 0 : i32
      %dma_wait3A_754 = tpu.memref_slice %arg2[%dma_wait3A_753, %mul3A_15] : memref<50x16384xi32, #tpu.memory_space<hbm>> -> memref<50x128xi32, #tpu.memory_space<hbm>>
      %dma_wait3A_755 = arith.constant 0 : i32
      %dma_wait3A_756 = arith.constant 0 : i32
      %dma_wait3A_757 = tpu.memref_slice %arg5[%dma_wait3A_755, %run_scoped3A_16, %dma_wait3A_756] : memref<50x4x128xi32, #tpu.memory_space<vmem>> -> memref<50x1x128xi32, #tpu.memory_space<vmem>>
      %dma_wait3A_758 = tpu.memref_squeeze %dma_wait3A_757 : memref<50x1x128xi32, #tpu.memory_space<vmem>> -> memref<50x128xi32, #tpu.memory_space<vmem>>
      %dma_wait3A_759 = arith.constant 0 : i32
      %dma_wait3A_760 = tpu.memref_slice %arg2[%dma_wait3A_759, %mul3A_15] : memref<50x16384xi32, #tpu.memory_space<hbm>> -> memref<50x128xi32, #tpu.memory_space<hbm>>
      tpu.wait_dma2 semaphore(%run_scoped3A_736 : memref<!tpu.dma_semaphore, #tpu.memory_space<semaphore_mem>>) src(%dma_wait3A_760 : memref<50x128xi32, #tpu.memory_space<hbm>>) dst(%dma_wait3A_758 : memref<50x128xi32, #tpu.memory_space<vmem>>)
      tpu.yield
    }) : () -> ()
    %add3A_17 = arith.constant 3 : i32
    %add3A_18 = arith.addi %mul3A_2, %add3A_17 : i32
    %mul3A_19 = arith.constant 128 : i32
    %mul3A_20 = arith.muli %add3A_18, %mul3A_19 : i32
    %run_scoped3A_21 = arith.constant 3 : i32
    "tpu.region"() ({
      %run_scoped3A_736 = tpu.sem_alloc : memref<!tpu.dma_semaphore, #tpu.memory_space<semaphore_mem>>
      %dma_start3A_737 = arith.constant 0 : i32
      %dma_start3A_738 = arith.constant 0 : i32
      %dma_start3A_739 = tpu.memref_slice %arg5[%dma_start3A_737, %run_scoped3A_21, %dma_start3A_738] : memref<50x4x128xi32, #tpu.memory_space<vmem>> -> memref<50x1x128xi32, #tpu.memory_space<vmem>>
      %dma_start3A_740 = tpu.memref_squeeze %dma_start3A_739 : memref<50x1x128xi32, #tpu.memory_space<vmem>> -> memref<50x128xi32, #tpu.memory_space<vmem>>
      %dma_start3A_741 = arith.constant 0 : i32
      %dma_start3A_742 = tpu.memref_slice %arg2[%dma_start3A_741, %mul3A_20] : memref<50x16384xi32, #tpu.memory_space<hbm>> -> memref<50x128xi32, #tpu.memory_space<hbm>>
      %dma_start3A_743 = arith.constant 0 : i32
      %dma_start3A_744 = arith.constant 0 : i32
      %dma_start3A_745 = tpu.memref_slice %arg5[%dma_start3A_743, %run_scoped3A_21, %dma_start3A_744] : memref<50x4x128xi32, #tpu.memory_space<vmem>> -> memref<50x1x128xi32, #tpu.memory_space<vmem>>
      %dma_start3A_746 = tpu.memref_squeeze %dma_start3A_745 : memref<50x1x128xi32, #tpu.memory_space<vmem>> -> memref<50x128xi32, #tpu.memory_space<vmem>>
      %dma_start3A_747 = arith.constant 0 : i32
      %dma_start3A_748 = tpu.memref_slice %arg2[%dma_start3A_747, %mul3A_20] : memref<50x16384xi32, #tpu.memory_space<hbm>> -> memref<50x128xi32, #tpu.memory_space<hbm>>
      tpu.enqueue_dma source(%dma_start3A_748 : memref<50x128xi32, #tpu.memory_space<hbm>>) target(%dma_start3A_746 : memref<50x128xi32, #tpu.memory_space<vmem>>) target_semaphore(%run_scoped3A_736 : memref<!tpu.dma_semaphore, #tpu.memory_space<semaphore_mem>>)
      %dma_wait3A_749 = arith.constant 0 : i32
      %dma_wait3A_750 = arith.constant 0 : i32
      %dma_wait3A_751 = tpu.memref_slice %arg5[%dma_wait3A_749, %run_scoped3A_21, %dma_wait3A_750] : memref<50x4x128xi32, #tpu.memory_space<vmem>> -> memref<50x1x128xi32, #tpu.memory_space<vmem>>
      %dma_wait3A_752 = tpu.memref_squeeze %dma_wait3A_751 : memref<50x1x128xi32, #tpu.memory_space<vmem>> -> memref<50x128xi32, #tpu.memory_space<vmem>>
      %dma_wait3A_753 = arith.constant 0 : i32
      %dma_wait3A_754 = tpu.memref_slice %arg2[%dma_wait3A_753, %mul3A_20] : memref<50x16384xi32, #tpu.memory_space<hbm>> -> memref<50x128xi32, #tpu.memory_space<hbm>>
      %dma_wait3A_755 = arith.constant 0 : i32
      %dma_wait3A_756 = arith.constant 0 : i32
      %dma_wait3A_757 = tpu.memref_slice %arg5[%dma_wait3A_755, %run_scoped3A_21, %dma_wait3A_756] : memref<50x4x128xi32, #tpu.memory_space<vmem>> -> memref<50x1x128xi32, #tpu.memory_space<vmem>>
      %dma_wait3A_758 = tpu.memref_squeeze %dma_wait3A_757 : memref<50x1x128xi32, #tpu.memory_space<vmem>> -> memref<50x128xi32, #tpu.memory_space<vmem>>
      %dma_wait3A_759 = arith.constant 0 : i32
      %dma_wait3A_760 = tpu.memref_slice %arg2[%dma_wait3A_759, %mul3A_20] : memref<50x16384xi32, #tpu.memory_space<hbm>> -> memref<50x128xi32, #tpu.memory_space<hbm>>
      tpu.wait_dma2 semaphore(%run_scoped3A_736 : memref<!tpu.dma_semaphore, #tpu.memory_space<semaphore_mem>>) src(%dma_wait3A_760 : memref<50x128xi32, #tpu.memory_space<hbm>>) dst(%dma_wait3A_758 : memref<50x128xi32, #tpu.memory_space<vmem>>)
      tpu.yield
    }) : () -> ()
    %shift_right_logical3A = arith.constant 3 : i32
    %shift_right_logical3A_22 = vector.broadcast %shift_right_logical3A : i32 to vector<16xi32>
    %shift_right_logical3A_23 = arith.shrui %iota3A, %shift_right_logical3A_22 : vector<16xi32>
    %add3A_24 = arith.constant 0 : i32
    %add3A_25 = vector.broadcast %add3A_24 : i32 to vector<16xi32>
    %add3A_26 = arith.addi %shift_right_logical3A_23, %add3A_25 : vector<16xi32>
    %shift_right_logical3A_27 = arith.constant 3 : i32
    %shift_right_logical3A_28 = vector.broadcast %shift_right_logical3A_27 : i32 to vector<16xi32>
    %shift_right_logical3A_29 = arith.shrui %iota3A, %shift_right_logical3A_28 : vector<16xi32>
    %add3A_30 = arith.constant 2 : i32
    %add3A_31 = vector.broadcast %add3A_30 : i32 to vector<16xi32>
    %add3A_32 = arith.addi %shift_right_logical3A_29, %add3A_31 : vector<16xi32>
    %broadcast_in_dim3A = arith.constant 7 : i32
    %broadcast_in_dim3A_33 = vector.broadcast %broadcast_in_dim3A : i32 to vector<16xi32>
    %and3A = arith.andi %iota3A, %broadcast_in_dim3A_33 : vector<16xi32>
    %broadcast_in_dim3A_34 = arith.constant 0 : i32
    %broadcast_in_dim3A_35 = vector.broadcast %broadcast_in_dim3A_34 : i32 to vector<16xi32>
    %broadcast_in_dim3A_36 = arith.constant 1 : i32
    %broadcast_in_dim3A_37 = vector.broadcast %broadcast_in_dim3A_36 : i32 to vector<16xi32>
    %broadcast_in_dim3A_38 = arith.constant 2 : i32
    %broadcast_in_dim3A_39 = vector.broadcast %broadcast_in_dim3A_38 : i32 to vector<16xi32>
    %broadcast_in_dim3A_40 = arith.constant 3 : i32
    %broadcast_in_dim3A_41 = vector.broadcast %broadcast_in_dim3A_40 : i32 to vector<16xi32>
    %dma_start3A = arith.constant 0 : i32
    %dma_start3A_42 = arith.constant 0 : i32
    %dma_start3A_43 = arith.constant 0 : i32
    %dma_start3A_44 = arith.constant 0 : i32
    %dma_start3A_45 = arith.constant 0 : i32
    %dma_start3A_46 = arith.constant 0 : i32
    %dma_start3A_47 = tpu.memref_slice %arg6[%dma_start3A_43, %dma_start3A_44, %dma_start3A_45, %dma_start3A_46] : memref<2x4x128x32xf32, #tpu.memory_space<vmem>> -> memref<1x1x128x32xf32, #tpu.memory_space<vmem>>
    %dma_start3A_48 = tpu.memref_squeeze %dma_start3A_47 : memref<1x1x128x32xf32, #tpu.memory_space<vmem>> -> memref<128x32xf32, #tpu.memory_space<vmem>>
    %dma_start3A_49 = arith.constant 0 : i32
    %dma_start3A_50 = tpu.memref_slice %arg5[%dma_start3A, %dma_start3A_42, %dma_start3A_49] : memref<50x4x128xi32, #tpu.memory_space<vmem>> -> memref<1x1x128xi32, #tpu.memory_space<vmem>>
    %dma_start3A_51 = tpu.memref_squeeze %dma_start3A_50 : memref<1x1x128xi32, #tpu.memory_space<vmem>> -> memref<128xi32, #tpu.memory_space<vmem>>
    %dma_start3A_52 = arith.constant 0 : i32
    %dma_start3A_53 = arith.constant 0 : i32
    %dma_start3A_54 = tpu.memref_slice %arg3[%dma_start3A_52, %dma_start3A_53] : memref<1003520x32xf32, #tpu.memory_space<hbm>> -> memref<1003520x32xf32, #tpu.memory_space<hbm>>
    tpu.enqueue_indirect_dma source(%dma_start3A_54 : memref<1003520x32xf32, #tpu.memory_space<hbm>>) target(%dma_start3A_48 : memref<128x32xf32, #tpu.memory_space<vmem>>) offsets(%dma_start3A_51 : memref<128xi32, #tpu.memory_space<vmem>>) semaphore(%arg8 : memref<!tpu.dma_semaphore, #tpu.memory_space<semaphore_mem>>)
    %dma_start3A_55 = arith.constant 0 : i32
    %dma_start3A_56 = arith.constant 1 : i32
    %dma_start3A_57 = arith.constant 0 : i32
    %dma_start3A_58 = arith.constant 1 : i32
    %dma_start3A_59 = arith.constant 0 : i32
    %dma_start3A_60 = arith.constant 0 : i32
    %dma_start3A_61 = tpu.memref_slice %arg6[%dma_start3A_57, %dma_start3A_58, %dma_start3A_59, %dma_start3A_60] : memref<2x4x128x32xf32, #tpu.memory_space<vmem>> -> memref<1x1x128x32xf32, #tpu.memory_space<vmem>>
    %dma_start3A_62 = tpu.memref_squeeze %dma_start3A_61 : memref<1x1x128x32xf32, #tpu.memory_space<vmem>> -> memref<128x32xf32, #tpu.memory_space<vmem>>
    %dma_start3A_63 = arith.constant 0 : i32
    %dma_start3A_64 = tpu.memref_slice %arg5[%dma_start3A_55, %dma_start3A_56, %dma_start3A_63] : memref<50x4x128xi32, #tpu.memory_space<vmem>> -> memref<1x1x128xi32, #tpu.memory_space<vmem>>
    %dma_start3A_65 = tpu.memref_squeeze %dma_start3A_64 : memref<1x1x128xi32, #tpu.memory_space<vmem>> -> memref<128xi32, #tpu.memory_space<vmem>>
    %dma_start3A_66 = arith.constant 0 : i32
    %dma_start3A_67 = arith.constant 0 : i32
    %dma_start3A_68 = tpu.memref_slice %arg3[%dma_start3A_66, %dma_start3A_67] : memref<1003520x32xf32, #tpu.memory_space<hbm>> -> memref<1003520x32xf32, #tpu.memory_space<hbm>>
    tpu.enqueue_indirect_dma source(%dma_start3A_68 : memref<1003520x32xf32, #tpu.memory_space<hbm>>) target(%dma_start3A_62 : memref<128x32xf32, #tpu.memory_space<vmem>>) offsets(%dma_start3A_65 : memref<128xi32, #tpu.memory_space<vmem>>) semaphore(%arg8 : memref<!tpu.dma_semaphore, #tpu.memory_space<semaphore_mem>>)
    %dma_start3A_69 = arith.constant 0 : i32
    %dma_start3A_70 = arith.constant 2 : i32
    %dma_start3A_71 = arith.constant 0 : i32
    %dma_start3A_72 = arith.constant 2 : i32
    %dma_start3A_73 = arith.constant 0 : i32
    %dma_start3A_74 = arith.constant 0 : i32
    %dma_start3A_75 = tpu.memref_slice %arg6[%dma_start3A_71, %dma_start3A_72, %dma_start3A_73, %dma_start3A_74] : memref<2x4x128x32xf32, #tpu.memory_space<vmem>> -> memref<1x1x128x32xf32, #tpu.memory_space<vmem>>
    %dma_start3A_76 = tpu.memref_squeeze %dma_start3A_75 : memref<1x1x128x32xf32, #tpu.memory_space<vmem>> -> memref<128x32xf32, #tpu.memory_space<vmem>>
    %dma_start3A_77 = arith.constant 0 : i32
    %dma_start3A_78 = tpu.memref_slice %arg5[%dma_start3A_69, %dma_start3A_70, %dma_start3A_77] : memref<50x4x128xi32, #tpu.memory_space<vmem>> -> memref<1x1x128xi32, #tpu.memory_space<vmem>>
    %dma_start3A_79 = tpu.memref_squeeze %dma_start3A_78 : memref<1x1x128xi32, #tpu.memory_space<vmem>> -> memref<128xi32, #tpu.memory_space<vmem>>
    %dma_start3A_80 = arith.constant 0 : i32
    %dma_start3A_81 = arith.constant 0 : i32
    %dma_start3A_82 = tpu.memref_slice %arg3[%dma_start3A_80, %dma_start3A_81] : memref<1003520x32xf32, #tpu.memory_space<hbm>> -> memref<1003520x32xf32, #tpu.memory_space<hbm>>
    tpu.enqueue_indirect_dma source(%dma_start3A_82 : memref<1003520x32xf32, #tpu.memory_space<hbm>>) target(%dma_start3A_76 : memref<128x32xf32, #tpu.memory_space<vmem>>) offsets(%dma_start3A_79 : memref<128xi32, #tpu.memory_space<vmem>>) semaphore(%arg8 : memref<!tpu.dma_semaphore, #tpu.memory_space<semaphore_mem>>)
    %dma_start3A_83 = arith.constant 0 : i32
    %dma_start3A_84 = arith.constant 3 : i32
    %dma_start3A_85 = arith.constant 0 : i32
    %dma_start3A_86 = arith.constant 3 : i32
    %dma_start3A_87 = arith.constant 0 : i32
    %dma_start3A_88 = arith.constant 0 : i32
    %dma_start3A_89 = tpu.memref_slice %arg6[%dma_start3A_85, %dma_start3A_86, %dma_start3A_87, %dma_start3A_88] : memref<2x4x128x32xf32, #tpu.memory_space<vmem>> -> memref<1x1x128x32xf32, #tpu.memory_space<vmem>>
    %dma_start3A_90 = tpu.memref_squeeze %dma_start3A_89 : memref<1x1x128x32xf32, #tpu.memory_space<vmem>> -> memref<128x32xf32, #tpu.memory_space<vmem>>
    %dma_start3A_91 = arith.constant 0 : i32
    %dma_start3A_92 = tpu.memref_slice %arg5[%dma_start3A_83, %dma_start3A_84, %dma_start3A_91] : memref<50x4x128xi32, #tpu.memory_space<vmem>> -> memref<1x1x128xi32, #tpu.memory_space<vmem>>
    %dma_start3A_93 = tpu.memref_squeeze %dma_start3A_92 : memref<1x1x128xi32, #tpu.memory_space<vmem>> -> memref<128xi32, #tpu.memory_space<vmem>>
    %dma_start3A_94 = arith.constant 0 : i32
    %dma_start3A_95 = arith.constant 0 : i32
    %dma_start3A_96 = tpu.memref_slice %arg3[%dma_start3A_94, %dma_start3A_95] : memref<1003520x32xf32, #tpu.memory_space<hbm>> -> memref<1003520x32xf32, #tpu.memory_space<hbm>>
    tpu.enqueue_indirect_dma source(%dma_start3A_96 : memref<1003520x32xf32, #tpu.memory_space<hbm>>) target(%dma_start3A_90 : memref<128x32xf32, #tpu.memory_space<vmem>>) offsets(%dma_start3A_93 : memref<128xi32, #tpu.memory_space<vmem>>) semaphore(%arg8 : memref<!tpu.dma_semaphore, #tpu.memory_space<semaphore_mem>>)
    %dma_start3A_97 = arith.constant 1 : i32
    %dma_start3A_98 = arith.constant 0 : i32
    %dma_start3A_99 = arith.constant 1 : i32
    %dma_start3A_100 = arith.constant 0 : i32
    %dma_start3A_101 = arith.constant 0 : i32
    %dma_start3A_102 = arith.constant 0 : i32
    %dma_start3A_103 = tpu.memref_slice %arg6[%dma_start3A_99, %dma_start3A_100, %dma_start3A_101, %dma_start3A_102] : memref<2x4x128x32xf32, #tpu.memory_space<vmem>> -> memref<1x1x128x32xf32, #tpu.memory_space<vmem>>
    %dma_start3A_104 = tpu.memref_squeeze %dma_start3A_103 : memref<1x1x128x32xf32, #tpu.memory_space<vmem>> -> memref<128x32xf32, #tpu.memory_space<vmem>>
    %dma_start3A_105 = arith.constant 0 : i32
    %dma_start3A_106 = tpu.memref_slice %arg5[%dma_start3A_97, %dma_start3A_98, %dma_start3A_105] : memref<50x4x128xi32, #tpu.memory_space<vmem>> -> memref<1x1x128xi32, #tpu.memory_space<vmem>>
    %dma_start3A_107 = tpu.memref_squeeze %dma_start3A_106 : memref<1x1x128xi32, #tpu.memory_space<vmem>> -> memref<128xi32, #tpu.memory_space<vmem>>
    %dma_start3A_108 = arith.constant 0 : i32
    %dma_start3A_109 = arith.constant 0 : i32
    %dma_start3A_110 = tpu.memref_slice %arg3[%dma_start3A_108, %dma_start3A_109] : memref<1003520x32xf32, #tpu.memory_space<hbm>> -> memref<1003520x32xf32, #tpu.memory_space<hbm>>
    tpu.enqueue_indirect_dma source(%dma_start3A_110 : memref<1003520x32xf32, #tpu.memory_space<hbm>>) target(%dma_start3A_104 : memref<128x32xf32, #tpu.memory_space<vmem>>) offsets(%dma_start3A_107 : memref<128xi32, #tpu.memory_space<vmem>>) semaphore(%arg9 : memref<!tpu.dma_semaphore, #tpu.memory_space<semaphore_mem>>)
    %dma_start3A_111 = arith.constant 1 : i32
    %dma_start3A_112 = arith.constant 1 : i32
    %dma_start3A_113 = arith.constant 1 : i32
    %dma_start3A_114 = arith.constant 1 : i32
    %dma_start3A_115 = arith.constant 0 : i32
    %dma_start3A_116 = arith.constant 0 : i32
    %dma_start3A_117 = tpu.memref_slice %arg6[%dma_start3A_113, %dma_start3A_114, %dma_start3A_115, %dma_start3A_116] : memref<2x4x128x32xf32, #tpu.memory_space<vmem>> -> memref<1x1x128x32xf32, #tpu.memory_space<vmem>>
    %dma_start3A_118 = tpu.memref_squeeze %dma_start3A_117 : memref<1x1x128x32xf32, #tpu.memory_space<vmem>> -> memref<128x32xf32, #tpu.memory_space<vmem>>
    %dma_start3A_119 = arith.constant 0 : i32
    %dma_start3A_120 = tpu.memref_slice %arg5[%dma_start3A_111, %dma_start3A_112, %dma_start3A_119] : memref<50x4x128xi32, #tpu.memory_space<vmem>> -> memref<1x1x128xi32, #tpu.memory_space<vmem>>
    %dma_start3A_121 = tpu.memref_squeeze %dma_start3A_120 : memref<1x1x128xi32, #tpu.memory_space<vmem>> -> memref<128xi32, #tpu.memory_space<vmem>>
    %dma_start3A_122 = arith.constant 0 : i32
    %dma_start3A_123 = arith.constant 0 : i32
    %dma_start3A_124 = tpu.memref_slice %arg3[%dma_start3A_122, %dma_start3A_123] : memref<1003520x32xf32, #tpu.memory_space<hbm>> -> memref<1003520x32xf32, #tpu.memory_space<hbm>>
    tpu.enqueue_indirect_dma source(%dma_start3A_124 : memref<1003520x32xf32, #tpu.memory_space<hbm>>) target(%dma_start3A_118 : memref<128x32xf32, #tpu.memory_space<vmem>>) offsets(%dma_start3A_121 : memref<128xi32, #tpu.memory_space<vmem>>) semaphore(%arg9 : memref<!tpu.dma_semaphore, #tpu.memory_space<semaphore_mem>>)
    %dma_start3A_125 = arith.constant 1 : i32
    %dma_start3A_126 = arith.constant 2 : i32
    %dma_start3A_127 = arith.constant 1 : i32
    %dma_start3A_128 = arith.constant 2 : i32
    %dma_start3A_129 = arith.constant 0 : i32
    %dma_start3A_130 = arith.constant 0 : i32
    %dma_start3A_131 = tpu.memref_slice %arg6[%dma_start3A_127, %dma_start3A_128, %dma_start3A_129, %dma_start3A_130] : memref<2x4x128x32xf32, #tpu.memory_space<vmem>> -> memref<1x1x128x32xf32, #tpu.memory_space<vmem>>
    %dma_start3A_132 = tpu.memref_squeeze %dma_start3A_131 : memref<1x1x128x32xf32, #tpu.memory_space<vmem>> -> memref<128x32xf32, #tpu.memory_space<vmem>>
    %dma_start3A_133 = arith.constant 0 : i32
    %dma_start3A_134 = tpu.memref_slice %arg5[%dma_start3A_125, %dma_start3A_126, %dma_start3A_133] : memref<50x4x128xi32, #tpu.memory_space<vmem>> -> memref<1x1x128xi32, #tpu.memory_space<vmem>>
    %dma_start3A_135 = tpu.memref_squeeze %dma_start3A_134 : memref<1x1x128xi32, #tpu.memory_space<vmem>> -> memref<128xi32, #tpu.memory_space<vmem>>
    %dma_start3A_136 = arith.constant 0 : i32
    %dma_start3A_137 = arith.constant 0 : i32
    %dma_start3A_138 = tpu.memref_slice %arg3[%dma_start3A_136, %dma_start3A_137] : memref<1003520x32xf32, #tpu.memory_space<hbm>> -> memref<1003520x32xf32, #tpu.memory_space<hbm>>
    tpu.enqueue_indirect_dma source(%dma_start3A_138 : memref<1003520x32xf32, #tpu.memory_space<hbm>>) target(%dma_start3A_132 : memref<128x32xf32, #tpu.memory_space<vmem>>) offsets(%dma_start3A_135 : memref<128xi32, #tpu.memory_space<vmem>>) semaphore(%arg9 : memref<!tpu.dma_semaphore, #tpu.memory_space<semaphore_mem>>)
    %dma_start3A_139 = arith.constant 1 : i32
    %dma_start3A_140 = arith.constant 3 : i32
    %dma_start3A_141 = arith.constant 1 : i32
    %dma_start3A_142 = arith.constant 3 : i32
    %dma_start3A_143 = arith.constant 0 : i32
    %dma_start3A_144 = arith.constant 0 : i32
    %dma_start3A_145 = tpu.memref_slice %arg6[%dma_start3A_141, %dma_start3A_142, %dma_start3A_143, %dma_start3A_144] : memref<2x4x128x32xf32, #tpu.memory_space<vmem>> -> memref<1x1x128x32xf32, #tpu.memory_space<vmem>>
    %dma_start3A_146 = tpu.memref_squeeze %dma_start3A_145 : memref<1x1x128x32xf32, #tpu.memory_space<vmem>> -> memref<128x32xf32, #tpu.memory_space<vmem>>
    %dma_start3A_147 = arith.constant 0 : i32
    %dma_start3A_148 = tpu.memref_slice %arg5[%dma_start3A_139, %dma_start3A_140, %dma_start3A_147] : memref<50x4x128xi32, #tpu.memory_space<vmem>> -> memref<1x1x128xi32, #tpu.memory_space<vmem>>
    %dma_start3A_149 = tpu.memref_squeeze %dma_start3A_148 : memref<1x1x128xi32, #tpu.memory_space<vmem>> -> memref<128xi32, #tpu.memory_space<vmem>>
    %dma_start3A_150 = arith.constant 0 : i32
    %dma_start3A_151 = arith.constant 0 : i32
    %dma_start3A_152 = tpu.memref_slice %arg3[%dma_start3A_150, %dma_start3A_151] : memref<1003520x32xf32, #tpu.memory_space<hbm>> -> memref<1003520x32xf32, #tpu.memory_space<hbm>>
    tpu.enqueue_indirect_dma source(%dma_start3A_152 : memref<1003520x32xf32, #tpu.memory_space<hbm>>) target(%dma_start3A_146 : memref<128x32xf32, #tpu.memory_space<vmem>>) offsets(%dma_start3A_149 : memref<128xi32, #tpu.memory_space<vmem>>) semaphore(%arg9 : memref<!tpu.dma_semaphore, #tpu.memory_space<semaphore_mem>>)
    %dma_wait3A = arith.constant 0 : i32
    %dma_wait3A_153 = arith.constant 0 : i32
    %dma_wait3A_154 = arith.constant 0 : i32
    %dma_wait3A_155 = arith.constant 0 : i32
    %dma_wait3A_156 = tpu.memref_slice %arg6[%dma_wait3A, %dma_wait3A_153, %dma_wait3A_154, %dma_wait3A_155] : memref<2x4x128x32xf32, #tpu.memory_space<vmem>> -> memref<1x1x128x32xf32, #tpu.memory_space<vmem>>
    %dma_wait3A_157 = tpu.memref_squeeze %dma_wait3A_156 : memref<1x1x128x32xf32, #tpu.memory_space<vmem>> -> memref<128x32xf32, #tpu.memory_space<vmem>>
    %dma_wait3A_158 = arith.constant 0 : i32
    %dma_wait3A_159 = arith.constant 0 : i32
    %dma_wait3A_160 = tpu.memref_slice %arg3[%dma_wait3A_158, %dma_wait3A_159] : memref<1003520x32xf32, #tpu.memory_space<hbm>> -> memref<128x32xf32, #tpu.memory_space<hbm>>
    %dma_wait3A_161 = arith.constant 0 : i32
    %dma_wait3A_162 = arith.constant 0 : i32
    %dma_wait3A_163 = tpu.memref_slice %arg6[%dma_wait3A, %dma_wait3A_153, %dma_wait3A_161, %dma_wait3A_162] : memref<2x4x128x32xf32, #tpu.memory_space<vmem>> -> memref<1x1x128x32xf32, #tpu.memory_space<vmem>>
    %dma_wait3A_164 = tpu.memref_squeeze %dma_wait3A_163 : memref<1x1x128x32xf32, #tpu.memory_space<vmem>> -> memref<128x32xf32, #tpu.memory_space<vmem>>
    %dma_wait3A_165 = arith.constant 0 : i32
    %dma_wait3A_166 = arith.constant 0 : i32
    %dma_wait3A_167 = tpu.memref_slice %arg3[%dma_wait3A_165, %dma_wait3A_166] : memref<1003520x32xf32, #tpu.memory_space<hbm>> -> memref<128x32xf32, #tpu.memory_space<hbm>>
    tpu.wait_dma2 semaphore(%arg8 : memref<!tpu.dma_semaphore, #tpu.memory_space<semaphore_mem>>) src(%dma_wait3A_167 : memref<128x32xf32, #tpu.memory_space<hbm>>) dst(%dma_wait3A_164 : memref<128x32xf32, #tpu.memory_space<vmem>>)
    %dma_wait3A_168 = arith.constant 0 : i32
    %dma_wait3A_169 = arith.constant 1 : i32
    %dma_wait3A_170 = arith.constant 0 : i32
    %dma_wait3A_171 = arith.constant 0 : i32
    %dma_wait3A_172 = tpu.memref_slice %arg6[%dma_wait3A_168, %dma_wait3A_169, %dma_wait3A_170, %dma_wait3A_171] : memref<2x4x128x32xf32, #tpu.memory_space<vmem>> -> memref<1x1x128x32xf32, #tpu.memory_space<vmem>>
    %dma_wait3A_173 = tpu.memref_squeeze %dma_wait3A_172 : memref<1x1x128x32xf32, #tpu.memory_space<vmem>> -> memref<128x32xf32, #tpu.memory_space<vmem>>
    %dma_wait3A_174 = arith.constant 0 : i32
    %dma_wait3A_175 = arith.constant 0 : i32
    %dma_wait3A_176 = tpu.memref_slice %arg3[%dma_wait3A_174, %dma_wait3A_175] : memref<1003520x32xf32, #tpu.memory_space<hbm>> -> memref<128x32xf32, #tpu.memory_space<hbm>>
    %dma_wait3A_177 = arith.constant 0 : i32
    %dma_wait3A_178 = arith.constant 0 : i32
    %dma_wait3A_179 = tpu.memref_slice %arg6[%dma_wait3A_168, %dma_wait3A_169, %dma_wait3A_177, %dma_wait3A_178] : memref<2x4x128x32xf32, #tpu.memory_space<vmem>> -> memref<1x1x128x32xf32, #tpu.memory_space<vmem>>
    %dma_wait3A_180 = tpu.memref_squeeze %dma_wait3A_179 : memref<1x1x128x32xf32, #tpu.memory_space<vmem>> -> memref<128x32xf32, #tpu.memory_space<vmem>>
    %dma_wait3A_181 = arith.constant 0 : i32
    %dma_wait3A_182 = arith.constant 0 : i32
    %dma_wait3A_183 = tpu.memref_slice %arg3[%dma_wait3A_181, %dma_wait3A_182] : memref<1003520x32xf32, #tpu.memory_space<hbm>> -> memref<128x32xf32, #tpu.memory_space<hbm>>
    tpu.wait_dma2 semaphore(%arg8 : memref<!tpu.dma_semaphore, #tpu.memory_space<semaphore_mem>>) src(%dma_wait3A_183 : memref<128x32xf32, #tpu.memory_space<hbm>>) dst(%dma_wait3A_180 : memref<128x32xf32, #tpu.memory_space<vmem>>)
    %dma_wait3A_184 = arith.constant 0 : i32
    %dma_wait3A_185 = arith.constant 2 : i32
    %dma_wait3A_186 = arith.constant 0 : i32
    %dma_wait3A_187 = arith.constant 0 : i32
    %dma_wait3A_188 = tpu.memref_slice %arg6[%dma_wait3A_184, %dma_wait3A_185, %dma_wait3A_186, %dma_wait3A_187] : memref<2x4x128x32xf32, #tpu.memory_space<vmem>> -> memref<1x1x128x32xf32, #tpu.memory_space<vmem>>
    %dma_wait3A_189 = tpu.memref_squeeze %dma_wait3A_188 : memref<1x1x128x32xf32, #tpu.memory_space<vmem>> -> memref<128x32xf32, #tpu.memory_space<vmem>>
    %dma_wait3A_190 = arith.constant 0 : i32
    %dma_wait3A_191 = arith.constant 0 : i32
    %dma_wait3A_192 = tpu.memref_slice %arg3[%dma_wait3A_190, %dma_wait3A_191] : memref<1003520x32xf32, #tpu.memory_space<hbm>> -> memref<128x32xf32, #tpu.memory_space<hbm>>
    %dma_wait3A_193 = arith.constant 0 : i32
    %dma_wait3A_194 = arith.constant 0 : i32
    %dma_wait3A_195 = tpu.memref_slice %arg6[%dma_wait3A_184, %dma_wait3A_185, %dma_wait3A_193, %dma_wait3A_194] : memref<2x4x128x32xf32, #tpu.memory_space<vmem>> -> memref<1x1x128x32xf32, #tpu.memory_space<vmem>>
    %dma_wait3A_196 = tpu.memref_squeeze %dma_wait3A_195 : memref<1x1x128x32xf32, #tpu.memory_space<vmem>> -> memref<128x32xf32, #tpu.memory_space<vmem>>
    %dma_wait3A_197 = arith.constant 0 : i32
    %dma_wait3A_198 = arith.constant 0 : i32
    %dma_wait3A_199 = tpu.memref_slice %arg3[%dma_wait3A_197, %dma_wait3A_198] : memref<1003520x32xf32, #tpu.memory_space<hbm>> -> memref<128x32xf32, #tpu.memory_space<hbm>>
    tpu.wait_dma2 semaphore(%arg8 : memref<!tpu.dma_semaphore, #tpu.memory_space<semaphore_mem>>) src(%dma_wait3A_199 : memref<128x32xf32, #tpu.memory_space<hbm>>) dst(%dma_wait3A_196 : memref<128x32xf32, #tpu.memory_space<vmem>>)
    %dma_wait3A_200 = arith.constant 0 : i32
    %dma_wait3A_201 = arith.constant 3 : i32
    %dma_wait3A_202 = arith.constant 0 : i32
    %dma_wait3A_203 = arith.constant 0 : i32
    %dma_wait3A_204 = tpu.memref_slice %arg6[%dma_wait3A_200, %dma_wait3A_201, %dma_wait3A_202, %dma_wait3A_203] : memref<2x4x128x32xf32, #tpu.memory_space<vmem>> -> memref<1x1x128x32xf32, #tpu.memory_space<vmem>>
    %dma_wait3A_205 = tpu.memref_squeeze %dma_wait3A_204 : memref<1x1x128x32xf32, #tpu.memory_space<vmem>> -> memref<128x32xf32, #tpu.memory_space<vmem>>
    %dma_wait3A_206 = arith.constant 0 : i32
    %dma_wait3A_207 = arith.constant 0 : i32
    %dma_wait3A_208 = tpu.memref_slice %arg3[%dma_wait3A_206, %dma_wait3A_207] : memref<1003520x32xf32, #tpu.memory_space<hbm>> -> memref<128x32xf32, #tpu.memory_space<hbm>>
    %dma_wait3A_209 = arith.constant 0 : i32
    %dma_wait3A_210 = arith.constant 0 : i32
    %dma_wait3A_211 = tpu.memref_slice %arg6[%dma_wait3A_200, %dma_wait3A_201, %dma_wait3A_209, %dma_wait3A_210] : memref<2x4x128x32xf32, #tpu.memory_space<vmem>> -> memref<1x1x128x32xf32, #tpu.memory_space<vmem>>
    %dma_wait3A_212 = tpu.memref_squeeze %dma_wait3A_211 : memref<1x1x128x32xf32, #tpu.memory_space<vmem>> -> memref<128x32xf32, #tpu.memory_space<vmem>>
    %dma_wait3A_213 = arith.constant 0 : i32
    %dma_wait3A_214 = arith.constant 0 : i32
    %dma_wait3A_215 = tpu.memref_slice %arg3[%dma_wait3A_213, %dma_wait3A_214] : memref<1003520x32xf32, #tpu.memory_space<hbm>> -> memref<128x32xf32, #tpu.memory_space<hbm>>
    tpu.wait_dma2 semaphore(%arg8 : memref<!tpu.dma_semaphore, #tpu.memory_space<semaphore_mem>>) src(%dma_wait3A_215 : memref<128x32xf32, #tpu.memory_space<hbm>>) dst(%dma_wait3A_212 : memref<128x32xf32, #tpu.memory_space<vmem>>)
    %scan3A = arith.constant 0 : i32
    %scan3A_216 = arith.constant 128 : i32
    %scan3A_217 = arith.addi %scan3A, %scan3A_216 : i32
    %scan3A_218 = arith.constant 1 : i32
    scf.for %scan3A_736 = %scan3A to %scan3A_217 step %scan3A_218  : i32 {
      %broadcast_in_dim3A_737 = vector.broadcast %scan3A_736 : i32 to vector<16xi32>
      %get3A = arith.constant 0 : i32
      %get3A_738 = arith.constant 0 : i32
      %get3A_739 = arith.index_cast %get3A : i32 to index
      %get3A_740 = arith.index_cast %get3A_738 : i32 to index
      %get3A_741 = arith.index_cast %scan3A_736 : i32 to index
      %get3A_742 = arith.constant 0 : index
      %get3A_743 = tpu.vector_load %arg6[%get3A_739, %get3A_740, %get3A_741, %get3A_742] {strides = array<i32>} : memref<2x4x128x32xf32, #tpu.memory_space<vmem>>, vector<16xf32>,
      %mul3A_744 = arith.constant 5.65685415 : f32
      %mul3A_745 = vector.broadcast %mul3A_744 : f32 to vector<16xf32>
      %mul3A_746 = arith.mulf %get3A_743, %mul3A_745 : vector<16xf32>
      %scatter3A = arith.constant 0 : i32
      %scatter3A_747 = arith.constant 0 : i32
      %scatter3A_748 = arith.constant 0 : i32
      %scatter3A_749 = arith.constant 0 : i32
      %scatter3A_750 = arith.constant 0 : i32
      %scatter3A_751 = tpu.memref_slice %arg7[%scatter3A, %scatter3A_747, %scatter3A_748, %scatter3A_749, %scatter3A_750] : memref<2x4x4x8x129xf32, #tpu.memory_space<vmem>> -> memref<1x4x4x8x129xf32, #tpu.memory_space<vmem>>
      %scatter3A_752 = tpu.memref_squeeze %scatter3A_751 : memref<1x4x4x8x129xf32, #tpu.memory_space<vmem>> -> memref<4x4x8x129xf32, #tpu.memory_space<vmem>>
      tpu.vector_store_idx %scatter3A_752[%add3A_26, %broadcast_in_dim3A_35, %and3A, %broadcast_in_dim3A_737], %mul3A_746 : memref<4x4x8x129xf32, #tpu.memory_space<vmem>>[vector<16xi32>, vector<16xi32>, vector<16xi32>, vector<16xi32>], vector<16xf32>,
      %get3A_753 = arith.constant 0 : i32
      %get3A_754 = arith.constant 0 : i32
      %get3A_755 = arith.index_cast %get3A_753 : i32 to index
      %get3A_756 = arith.index_cast %get3A_754 : i32 to index
      %get3A_757 = arith.index_cast %scan3A_736 : i32 to index
      %get3A_758 = arith.constant 16 : index
      %get3A_759 = tpu.vector_load %arg6[%get3A_755, %get3A_756, %get3A_757, %get3A_758] {strides = array<i32>} : memref<2x4x128x32xf32, #tpu.memory_space<vmem>>, vector<16xf32>,
      %mul3A_760 = arith.constant 5.65685415 : f32
      %mul3A_761 = vector.broadcast %mul3A_760 : f32 to vector<16xf32>
      %mul3A_762 = arith.mulf %get3A_759, %mul3A_761 : vector<16xf32>
      %scatter3A_763 = arith.constant 0 : i32
      %scatter3A_764 = arith.constant 0 : i32
      %scatter3A_765 = arith.constant 0 : i32
      %scatter3A_766 = arith.constant 0 : i32
      %scatter3A_767 = arith.constant 0 : i32
      %scatter3A_768 = tpu.memref_slice %arg7[%scatter3A_763, %scatter3A_764, %scatter3A_765, %scatter3A_766, %scatter3A_767] : memref<2x4x4x8x129xf32, #tpu.memory_space<vmem>> -> memref<1x4x4x8x129xf32, #tpu.memory_space<vmem>>
      %scatter3A_769 = tpu.memref_squeeze %scatter3A_768 : memref<1x4x4x8x129xf32, #tpu.memory_space<vmem>> -> memref<4x4x8x129xf32, #tpu.memory_space<vmem>>
      tpu.vector_store_idx %scatter3A_769[%add3A_32, %broadcast_in_dim3A_35, %and3A, %broadcast_in_dim3A_737], %mul3A_762 : memref<4x4x8x129xf32, #tpu.memory_space<vmem>>[vector<16xi32>, vector<16xi32>, vector<16xi32>, vector<16xi32>], vector<16xf32>,
      %get3A_770 = arith.constant 0 : i32
      %get3A_771 = arith.constant 1 : i32
      %get3A_772 = arith.index_cast %get3A_770 : i32 to index
      %get3A_773 = arith.index_cast %get3A_771 : i32 to index
      %get3A_774 = arith.index_cast %scan3A_736 : i32 to index
      %get3A_775 = arith.constant 0 : index
      %get3A_776 = tpu.vector_load %arg6[%get3A_772, %get3A_773, %get3A_774, %get3A_775] {strides = array<i32>} : memref<2x4x128x32xf32, #tpu.memory_space<vmem>>, vector<16xf32>,
      %mul3A_777 = arith.constant 5.65685415 : f32
      %mul3A_778 = vector.broadcast %mul3A_777 : f32 to vector<16xf32>
      %mul3A_779 = arith.mulf %get3A_776, %mul3A_778 : vector<16xf32>
      %scatter3A_780 = arith.constant 0 : i32
      %scatter3A_781 = arith.constant 0 : i32
      %scatter3A_782 = arith.constant 0 : i32
      %scatter3A_783 = arith.constant 0 : i32
      %scatter3A_784 = arith.constant 0 : i32
      %scatter3A_785 = tpu.memref_slice %arg7[%scatter3A_780, %scatter3A_781, %scatter3A_782, %scatter3A_783, %scatter3A_784] : memref<2x4x4x8x129xf32, #tpu.memory_space<vmem>> -> memref<1x4x4x8x129xf32, #tpu.memory_space<vmem>>
      %scatter3A_786 = tpu.memref_squeeze %scatter3A_785 : memref<1x4x4x8x129xf32, #tpu.memory_space<vmem>> -> memref<4x4x8x129xf32, #tpu.memory_space<vmem>>
      tpu.vector_store_idx %scatter3A_786[%add3A_26, %broadcast_in_dim3A_37, %and3A, %broadcast_in_dim3A_737], %mul3A_779 : memref<4x4x8x129xf32, #tpu.memory_space<vmem>>[vector<16xi32>, vector<16xi32>, vector<16xi32>, vector<16xi32>], vector<16xf32>,
      %get3A_787 = arith.constant 0 : i32
      %get3A_788 = arith.constant 1 : i32
      %get3A_789 = arith.index_cast %get3A_787 : i32 to index
      %get3A_790 = arith.index_cast %get3A_788 : i32 to index
      %get3A_791 = arith.index_cast %scan3A_736 : i32 to index
      %get3A_792 = arith.constant 16 : index
      %get3A_793 = tpu.vector_load %arg6[%get3A_789, %get3A_790, %get3A_791, %get3A_792] {strides = array<i32>} : memref<2x4x128x32xf32, #tpu.memory_space<vmem>>, vector<16xf32>,
      %mul3A_794 = arith.constant 5.65685415 : f32
      %mul3A_795 = vector.broadcast %mul3A_794 : f32 to vector<16xf32>
      %mul3A_796 = arith.mulf %get3A_793, %mul3A_795 : vector<16xf32>
      %scatter3A_797 = arith.constant 0 : i32
      %scatter3A_798 = arith.constant 0 : i32
      %scatter3A_799 = arith.constant 0 : i32
      %scatter3A_800 = arith.constant 0 : i32
      %scatter3A_801 = arith.constant 0 : i32
      %scatter3A_802 = tpu.memref_slice %arg7[%scatter3A_797, %scatter3A_798, %scatter3A_799, %scatter3A_800, %scatter3A_801] : memref<2x4x4x8x129xf32, #tpu.memory_space<vmem>> -> memref<1x4x4x8x129xf32, #tpu.memory_space<vmem>>
      %scatter3A_803 = tpu.memref_squeeze %scatter3A_802 : memref<1x4x4x8x129xf32, #tpu.memory_space<vmem>> -> memref<4x4x8x129xf32, #tpu.memory_space<vmem>>
      tpu.vector_store_idx %scatter3A_803[%add3A_32, %broadcast_in_dim3A_37, %and3A, %broadcast_in_dim3A_737], %mul3A_796 : memref<4x4x8x129xf32, #tpu.memory_space<vmem>>[vector<16xi32>, vector<16xi32>, vector<16xi32>, vector<16xi32>], vector<16xf32>,
      %get3A_804 = arith.constant 0 : i32
      %get3A_805 = arith.constant 2 : i32
      %get3A_806 = arith.index_cast %get3A_804 : i32 to index
      %get3A_807 = arith.index_cast %get3A_805 : i32 to index
      %get3A_808 = arith.index_cast %scan3A_736 : i32 to index
      %get3A_809 = arith.constant 0 : index
      %get3A_810 = tpu.vector_load %arg6[%get3A_806, %get3A_807, %get3A_808, %get3A_809] {strides = array<i32>} : memref<2x4x128x32xf32, #tpu.memory_space<vmem>>, vector<16xf32>,
      %mul3A_811 = arith.constant 5.65685415 : f32
      %mul3A_812 = vector.broadcast %mul3A_811 : f32 to vector<16xf32>
      %mul3A_813 = arith.mulf %get3A_810, %mul3A_812 : vector<16xf32>
      %scatter3A_814 = arith.constant 0 : i32
      %scatter3A_815 = arith.constant 0 : i32
      %scatter3A_816 = arith.constant 0 : i32
      %scatter3A_817 = arith.constant 0 : i32
      %scatter3A_818 = arith.constant 0 : i32
      %scatter3A_819 = tpu.memref_slice %arg7[%scatter3A_814, %scatter3A_815, %scatter3A_816, %scatter3A_817, %scatter3A_818] : memref<2x4x4x8x129xf32, #tpu.memory_space<vmem>> -> memref<1x4x4x8x129xf32, #tpu.memory_space<vmem>>
      %scatter3A_820 = tpu.memref_squeeze %scatter3A_819 : memref<1x4x4x8x129xf32, #tpu.memory_space<vmem>> -> memref<4x4x8x129xf32, #tpu.memory_space<vmem>>
      tpu.vector_store_idx %scatter3A_820[%add3A_26, %broadcast_in_dim3A_39, %and3A, %broadcast_in_dim3A_737], %mul3A_813 : memref<4x4x8x129xf32, #tpu.memory_space<vmem>>[vector<16xi32>, vector<16xi32>, vector<16xi32>, vector<16xi32>], vector<16xf32>,
      %get3A_821 = arith.constant 0 : i32
      %get3A_822 = arith.constant 2 : i32
      %get3A_823 = arith.index_cast %get3A_821 : i32 to index
      %get3A_824 = arith.index_cast %get3A_822 : i32 to index
      %get3A_825 = arith.index_cast %scan3A_736 : i32 to index
      %get3A_826 = arith.constant 16 : index
      %get3A_827 = tpu.vector_load %arg6[%get3A_823, %get3A_824, %get3A_825, %get3A_826] {strides = array<i32>} : memref<2x4x128x32xf32, #tpu.memory_space<vmem>>, vector<16xf32>,
      %mul3A_828 = arith.constant 5.65685415 : f32
      %mul3A_829 = vector.broadcast %mul3A_828 : f32 to vector<16xf32>
      %mul3A_830 = arith.mulf %get3A_827, %mul3A_829 : vector<16xf32>
      %scatter3A_831 = arith.constant 0 : i32
      %scatter3A_832 = arith.constant 0 : i32
      %scatter3A_833 = arith.constant 0 : i32
      %scatter3A_834 = arith.constant 0 : i32
      %scatter3A_835 = arith.constant 0 : i32
      %scatter3A_836 = tpu.memref_slice %arg7[%scatter3A_831, %scatter3A_832, %scatter3A_833, %scatter3A_834, %scatter3A_835] : memref<2x4x4x8x129xf32, #tpu.memory_space<vmem>> -> memref<1x4x4x8x129xf32, #tpu.memory_space<vmem>>
      %scatter3A_837 = tpu.memref_squeeze %scatter3A_836 : memref<1x4x4x8x129xf32, #tpu.memory_space<vmem>> -> memref<4x4x8x129xf32, #tpu.memory_space<vmem>>
      tpu.vector_store_idx %scatter3A_837[%add3A_32, %broadcast_in_dim3A_39, %and3A, %broadcast_in_dim3A_737], %mul3A_830 : memref<4x4x8x129xf32, #tpu.memory_space<vmem>>[vector<16xi32>, vector<16xi32>, vector<16xi32>, vector<16xi32>], vector<16xf32>,
      %get3A_838 = arith.constant 0 : i32
      %get3A_839 = arith.constant 3 : i32
      %get3A_840 = arith.index_cast %get3A_838 : i32 to index
      %get3A_841 = arith.index_cast %get3A_839 : i32 to index
      %get3A_842 = arith.index_cast %scan3A_736 : i32 to index
      %get3A_843 = arith.constant 0 : index
      %get3A_844 = tpu.vector_load %arg6[%get3A_840, %get3A_841, %get3A_842, %get3A_843] {strides = array<i32>} : memref<2x4x128x32xf32, #tpu.memory_space<vmem>>, vector<16xf32>,
      %mul3A_845 = arith.constant 5.65685415 : f32
      %mul3A_846 = vector.broadcast %mul3A_845 : f32 to vector<16xf32>
      %mul3A_847 = arith.mulf %get3A_844, %mul3A_846 : vector<16xf32>
      %scatter3A_848 = arith.constant 0 : i32
      %scatter3A_849 = arith.constant 0 : i32
      %scatter3A_850 = arith.constant 0 : i32
      %scatter3A_851 = arith.constant 0 : i32
      %scatter3A_852 = arith.constant 0 : i32
      %scatter3A_853 = tpu.memref_slice %arg7[%scatter3A_848, %scatter3A_849, %scatter3A_850, %scatter3A_851, %scatter3A_852] : memref<2x4x4x8x129xf32, #tpu.memory_space<vmem>> -> memref<1x4x4x8x129xf32, #tpu.memory_space<vmem>>
      %scatter3A_854 = tpu.memref_squeeze %scatter3A_853 : memref<1x4x4x8x129xf32, #tpu.memory_space<vmem>> -> memref<4x4x8x129xf32, #tpu.memory_space<vmem>>
      tpu.vector_store_idx %scatter3A_854[%add3A_26, %broadcast_in_dim3A_41, %and3A, %broadcast_in_dim3A_737], %mul3A_847 : memref<4x4x8x129xf32, #tpu.memory_space<vmem>>[vector<16xi32>, vector<16xi32>, vector<16xi32>, vector<16xi32>], vector<16xf32>,
      %get3A_855 = arith.constant 0 : i32
      %get3A_856 = arith.constant 3 : i32
      %get3A_857 = arith.index_cast %get3A_855 : i32 to index
      %get3A_858 = arith.index_cast %get3A_856 : i32 to index
      %get3A_859 = arith.index_cast %scan3A_736 : i32 to index
      %get3A_860 = arith.constant 16 : index
      %get3A_861 = tpu.vector_load %arg6[%get3A_857, %get3A_858, %get3A_859, %get3A_860] {strides = array<i32>} : memref<2x4x128x32xf32, #tpu.memory_space<vmem>>, vector<16xf32>,
      %mul3A_862 = arith.constant 5.65685415 : f32
      %mul3A_863 = vector.broadcast %mul3A_862 : f32 to vector<16xf32>
      %mul3A_864 = arith.mulf %get3A_861, %mul3A_863 : vector<16xf32>
      %scatter3A_865 = arith.constant 0 : i32
      %scatter3A_866 = arith.constant 0 : i32
      %scatter3A_867 = arith.constant 0 : i32
      %scatter3A_868 = arith.constant 0 : i32
      %scatter3A_869 = arith.constant 0 : i32
      %scatter3A_870 = tpu.memref_slice %arg7[%scatter3A_865, %scatter3A_866, %scatter3A_867, %scatter3A_868, %scatter3A_869] : memref<2x4x4x8x129xf32, #tpu.memory_space<vmem>> -> memref<1x4x4x8x129xf32, #tpu.memory_space<vmem>>
      %scatter3A_871 = tpu.memref_squeeze %scatter3A_870 : memref<1x4x4x8x129xf32, #tpu.memory_space<vmem>> -> memref<4x4x8x129xf32, #tpu.memory_space<vmem>>
      tpu.vector_store_idx %scatter3A_871[%add3A_32, %broadcast_in_dim3A_41, %and3A, %broadcast_in_dim3A_737], %mul3A_864 : memref<4x4x8x129xf32, #tpu.memory_space<vmem>>[vector<16xi32>, vector<16xi32>, vector<16xi32>, vector<16xi32>], vector<16xf32>,
    }
    %scan3A_219 = arith.constant 128 : i32
    %dma_start3A_220 = arith.constant 0 : i32
    %dma_start3A_221 = arith.constant 0 : i32
    %dma_start3A_222 = arith.constant 0 : i32
    %dma_start3A_223 = arith.constant 0 : i32
    %dma_start3A_224 = arith.constant 0 : i32
    %dma_start3A_225 = arith.constant 0 : i32
    %dma_start3A_226 = tpu.memref_slice %arg7[%dma_start3A_220, %dma_start3A_222, %dma_start3A_223, %dma_start3A_224, %dma_start3A_225] : memref<2x4x4x8x129xf32, #tpu.memory_space<vmem>> -> memref<1x4x4x8x128xf32, #tpu.memory_space<vmem>>
    %dma_start3A_227 = tpu.memref_squeeze %dma_start3A_226 : memref<1x4x4x8x128xf32, #tpu.memory_space<vmem>> -> memref<4x4x8x128xf32, #tpu.memory_space<vmem>>
    %dma_start3A_228 = arith.constant 0 : i32
    %dma_start3A_229 = arith.constant 0 : i32
    %dma_start3A_230 = arith.constant 0 : i32
    %dma_start3A_231 = tpu.memref_slice %arg4[%dma_start3A_221, %dma_start3A_228, %mul3A_2, %dma_start3A_229, %dma_start3A_230] : memref<50x4x128x8x128xf32, #tpu.memory_space<hbm>> -> memref<1x4x4x8x128xf32, #tpu.memory_space<hbm>>
    %dma_start3A_232 = tpu.memref_squeeze %dma_start3A_231 : memref<1x4x4x8x128xf32, #tpu.memory_space<hbm>> -> memref<4x4x8x128xf32, #tpu.memory_space<hbm>>
    %dma_start3A_233 = arith.constant 0 : i32
    %dma_start3A_234 = arith.constant 0 : i32
    %dma_start3A_235 = arith.constant 0 : i32
    %dma_start3A_236 = tpu.memref_slice %arg4[%dma_start3A_221, %dma_start3A_233, %mul3A_2, %dma_start3A_234, %dma_start3A_235] : memref<50x4x128x8x128xf32, #tpu.memory_space<hbm>> -> memref<1x4x4x8x128xf32, #tpu.memory_space<hbm>>
    %dma_start3A_237 = tpu.memref_squeeze %dma_start3A_236 : memref<1x4x4x8x128xf32, #tpu.memory_space<hbm>> -> memref<4x4x8x128xf32, #tpu.memory_space<hbm>>
    %dma_start3A_238 = arith.constant 0 : i32
    %dma_start3A_239 = arith.constant 0 : i32
    %dma_start3A_240 = arith.constant 0 : i32
    %dma_start3A_241 = arith.constant 0 : i32
    %dma_start3A_242 = tpu.memref_slice %arg7[%dma_start3A_220, %dma_start3A_238, %dma_start3A_239, %dma_start3A_240, %dma_start3A_241] : memref<2x4x4x8x129xf32, #tpu.memory_space<vmem>> -> memref<1x4x4x8x128xf32, #tpu.memory_space<vmem>>
    %dma_start3A_243 = tpu.memref_squeeze %dma_start3A_242 : memref<1x4x4x8x128xf32, #tpu.memory_space<vmem>> -> memref<4x4x8x128xf32, #tpu.memory_space<vmem>>
    tpu.enqueue_dma source(%dma_start3A_243 : memref<4x4x8x128xf32, #tpu.memory_space<vmem>>) target(%dma_start3A_237 : memref<4x4x8x128xf32, #tpu.memory_space<hbm>>) target_semaphore(%arg10 : memref<!tpu.dma_semaphore, #tpu.memory_space<semaphore_mem>>)
    %dma_start3A_244 = arith.constant 2 : i32
    %dma_start3A_245 = arith.constant 0 : i32
    %dma_start3A_246 = arith.constant 0 : i32
    %dma_start3A_247 = arith.constant 0 : i32
    %dma_start3A_248 = arith.constant 0 : i32
    %dma_start3A_249 = arith.constant 0 : i32
    %dma_start3A_250 = tpu.memref_slice %arg6[%dma_start3A_246, %dma_start3A_247, %dma_start3A_248, %dma_start3A_249] : memref<2x4x128x32xf32, #tpu.memory_space<vmem>> -> memref<1x1x128x32xf32, #tpu.memory_space<vmem>>
    %dma_start3A_251 = tpu.memref_squeeze %dma_start3A_250 : memref<1x1x128x32xf32, #tpu.memory_space<vmem>> -> memref<128x32xf32, #tpu.memory_space<vmem>>
    %dma_start3A_252 = arith.constant 0 : i32
    %dma_start3A_253 = tpu.memref_slice %arg5[%dma_start3A_244, %dma_start3A_245, %dma_start3A_252] : memref<50x4x128xi32, #tpu.memory_space<vmem>> -> memref<1x1x128xi32, #tpu.memory_space<vmem>>
    %dma_start3A_254 = tpu.memref_squeeze %dma_start3A_253 : memref<1x1x128xi32, #tpu.memory_space<vmem>> -> memref<128xi32, #tpu.memory_space<vmem>>
    %dma_start3A_255 = arith.constant 0 : i32
    %dma_start3A_256 = arith.constant 0 : i32
    %dma_start3A_257 = tpu.memref_slice %arg3[%dma_start3A_255, %dma_start3A_256] : memref<1003520x32xf32, #tpu.memory_space<hbm>> -> memref<1003520x32xf32, #tpu.memory_space<hbm>>
    tpu.enqueue_indirect_dma source(%dma_start3A_257 : memref<1003520x32xf32, #tpu.memory_space<hbm>>) target(%dma_start3A_251 : memref<128x32xf32, #tpu.memory_space<vmem>>) offsets(%dma_start3A_254 : memref<128xi32, #tpu.memory_space<vmem>>) semaphore(%arg8 : memref<!tpu.dma_semaphore, #tpu.memory_space<semaphore_mem>>)
    %dma_start3A_258 = arith.constant 2 : i32
    %dma_start3A_259 = arith.constant 1 : i32
    %dma_start3A_260 = arith.constant 0 : i32
    %dma_start3A_261 = arith.constant 1 : i32
    %dma_start3A_262 = arith.constant 0 : i32
    %dma_start3A_263 = arith.constant 0 : i32
    %dma_start3A_264 = tpu.memref_slice %arg6[%dma_start3A_260, %dma_start3A_261, %dma_start3A_262, %dma_start3A_263] : memref<2x4x128x32xf32, #tpu.memory_space<vmem>> -> memref<1x1x128x32xf32, #tpu.memory_space<vmem>>
    %dma_start3A_265 = tpu.memref_squeeze %dma_start3A_264 : memref<1x1x128x32xf32, #tpu.memory_space<vmem>> -> memref<128x32xf32, #tpu.memory_space<vmem>>
    %dma_start3A_266 = arith.constant 0 : i32
    %dma_start3A_267 = tpu.memref_slice %arg5[%dma_start3A_258, %dma_start3A_259, %dma_start3A_266] : memref<50x4x128xi32, #tpu.memory_space<vmem>> -> memref<1x1x128xi32, #tpu.memory_space<vmem>>
    %dma_start3A_268 = tpu.memref_squeeze %dma_start3A_267 : memref<1x1x128xi32, #tpu.memory_space<vmem>> -> memref<128xi32, #tpu.memory_space<vmem>>
    %dma_start3A_269 = arith.constant 0 : i32
    %dma_start3A_270 = arith.constant 0 : i32
    %dma_start3A_271 = tpu.memref_slice %arg3[%dma_start3A_269, %dma_start3A_270] : memref<1003520x32xf32, #tpu.memory_space<hbm>> -> memref<1003520x32xf32, #tpu.memory_space<hbm>>
    tpu.enqueue_indirect_dma source(%dma_start3A_271 : memref<1003520x32xf32, #tpu.memory_space<hbm>>) target(%dma_start3A_265 : memref<128x32xf32, #tpu.memory_space<vmem>>) offsets(%dma_start3A_268 : memref<128xi32, #tpu.memory_space<vmem>>) semaphore(%arg8 : memref<!tpu.dma_semaphore, #tpu.memory_space<semaphore_mem>>)
    %dma_start3A_272 = arith.constant 2 : i32
    %dma_start3A_273 = arith.constant 2 : i32
    %dma_start3A_274 = arith.constant 0 : i32
    %dma_start3A_275 = arith.constant 2 : i32
    %dma_start3A_276 = arith.constant 0 : i32
    %dma_start3A_277 = arith.constant 0 : i32
    %dma_start3A_278 = tpu.memref_slice %arg6[%dma_start3A_274, %dma_start3A_275, %dma_start3A_276, %dma_start3A_277] : memref<2x4x128x32xf32, #tpu.memory_space<vmem>> -> memref<1x1x128x32xf32, #tpu.memory_space<vmem>>
    %dma_start3A_279 = tpu.memref_squeeze %dma_start3A_278 : memref<1x1x128x32xf32, #tpu.memory_space<vmem>> -> memref<128x32xf32, #tpu.memory_space<vmem>>
    %dma_start3A_280 = arith.constant 0 : i32
    %dma_start3A_281 = tpu.memref_slice %arg5[%dma_start3A_272, %dma_start3A_273, %dma_start3A_280] : memref<50x4x128xi32, #tpu.memory_space<vmem>> -> memref<1x1x128xi32, #tpu.memory_space<vmem>>
    %dma_start3A_282 = tpu.memref_squeeze %dma_start3A_281 : memref<1x1x128xi32, #tpu.memory_space<vmem>> -> memref<128xi32, #tpu.memory_space<vmem>>
    %dma_start3A_283 = arith.constant 0 : i32
    %dma_start3A_284 = arith.constant 0 : i32
    %dma_start3A_285 = tpu.memref_slice %arg3[%dma_start3A_283, %dma_start3A_284] : memref<1003520x32xf32, #tpu.memory_space<hbm>> -> memref<1003520x32xf32, #tpu.memory_space<hbm>>
    tpu.enqueue_indirect_dma source(%dma_start3A_285 : memref<1003520x32xf32, #tpu.memory_space<hbm>>) target(%dma_start3A_279 : memref<128x32xf32, #tpu.memory_space<vmem>>) offsets(%dma_start3A_282 : memref<128xi32, #tpu.memory_space<vmem>>) semaphore(%arg8 : memref<!tpu.dma_semaphore, #tpu.memory_space<semaphore_mem>>)
    %dma_start3A_286 = arith.constant 2 : i32
    %dma_start3A_287 = arith.constant 3 : i32
    %dma_start3A_288 = arith.constant 0 : i32
    %dma_start3A_289 = arith.constant 3 : i32
    %dma_start3A_290 = arith.constant 0 : i32
    %dma_start3A_291 = arith.constant 0 : i32
    %dma_start3A_292 = tpu.memref_slice %arg6[%dma_start3A_288, %dma_start3A_289, %dma_start3A_290, %dma_start3A_291] : memref<2x4x128x32xf32, #tpu.memory_space<vmem>> -> memref<1x1x128x32xf32, #tpu.memory_space<vmem>>
    %dma_start3A_293 = tpu.memref_squeeze %dma_start3A_292 : memref<1x1x128x32xf32, #tpu.memory_space<vmem>> -> memref<128x32xf32, #tpu.memory_space<vmem>>
    %dma_start3A_294 = arith.constant 0 : i32
    %dma_start3A_295 = tpu.memref_slice %arg5[%dma_start3A_286, %dma_start3A_287, %dma_start3A_294] : memref<50x4x128xi32, #tpu.memory_space<vmem>> -> memref<1x1x128xi32, #tpu.memory_space<vmem>>
    %dma_start3A_296 = tpu.memref_squeeze %dma_start3A_295 : memref<1x1x128xi32, #tpu.memory_space<vmem>> -> memref<128xi32, #tpu.memory_space<vmem>>
    %dma_start3A_297 = arith.constant 0 : i32
    %dma_start3A_298 = arith.constant 0 : i32
    %dma_start3A_299 = tpu.memref_slice %arg3[%dma_start3A_297, %dma_start3A_298] : memref<1003520x32xf32, #tpu.memory_space<hbm>> -> memref<1003520x32xf32, #tpu.memory_space<hbm>>
    tpu.enqueue_indirect_dma source(%dma_start3A_299 : memref<1003520x32xf32, #tpu.memory_space<hbm>>) target(%dma_start3A_293 : memref<128x32xf32, #tpu.memory_space<vmem>>) offsets(%dma_start3A_296 : memref<128xi32, #tpu.memory_space<vmem>>) semaphore(%arg8 : memref<!tpu.dma_semaphore, #tpu.memory_space<semaphore_mem>>)
    %dma_wait3A_300 = arith.constant 1 : i32
    %dma_wait3A_301 = arith.constant 0 : i32
    %dma_wait3A_302 = arith.constant 0 : i32
    %dma_wait3A_303 = arith.constant 0 : i32
    %dma_wait3A_304 = tpu.memref_slice %arg6[%dma_wait3A_300, %dma_wait3A_301, %dma_wait3A_302, %dma_wait3A_303] : memref<2x4x128x32xf32, #tpu.memory_space<vmem>> -> memref<1x1x128x32xf32, #tpu.memory_space<vmem>>
    %dma_wait3A_305 = tpu.memref_squeeze %dma_wait3A_304 : memref<1x1x128x32xf32, #tpu.memory_space<vmem>> -> memref<128x32xf32, #tpu.memory_space<vmem>>
    %dma_wait3A_306 = arith.constant 0 : i32
    %dma_wait3A_307 = arith.constant 0 : i32
    %dma_wait3A_308 = tpu.memref_slice %arg3[%dma_wait3A_306, %dma_wait3A_307] : memref<1003520x32xf32, #tpu.memory_space<hbm>> -> memref<128x32xf32, #tpu.memory_space<hbm>>
    %dma_wait3A_309 = arith.constant 0 : i32
    %dma_wait3A_310 = arith.constant 0 : i32
    %dma_wait3A_311 = tpu.memref_slice %arg6[%dma_wait3A_300, %dma_wait3A_301, %dma_wait3A_309, %dma_wait3A_310] : memref<2x4x128x32xf32, #tpu.memory_space<vmem>> -> memref<1x1x128x32xf32, #tpu.memory_space<vmem>>
    %dma_wait3A_312 = tpu.memref_squeeze %dma_wait3A_311 : memref<1x1x128x32xf32, #tpu.memory_space<vmem>> -> memref<128x32xf32, #tpu.memory_space<vmem>>
    %dma_wait3A_313 = arith.constant 0 : i32
    %dma_wait3A_314 = arith.constant 0 : i32
    %dma_wait3A_315 = tpu.memref_slice %arg3[%dma_wait3A_313, %dma_wait3A_314] : memref<1003520x32xf32, #tpu.memory_space<hbm>> -> memref<128x32xf32, #tpu.memory_space<hbm>>
    tpu.wait_dma2 semaphore(%arg9 : memref<!tpu.dma_semaphore, #tpu.memory_space<semaphore_mem>>) src(%dma_wait3A_315 : memref<128x32xf32, #tpu.memory_space<hbm>>) dst(%dma_wait3A_312 : memref<128x32xf32, #tpu.memory_space<vmem>>)
    %dma_wait3A_316 = arith.constant 1 : i32
    %dma_wait3A_317 = arith.constant 1 : i32
    %dma_wait3A_318 = arith.constant 0 : i32
    %dma_wait3A_319 = arith.constant 0 : i32
    %dma_wait3A_320 = tpu.memref_slice %arg6[%dma_wait3A_316, %dma_wait3A_317, %dma_wait3A_318, %dma_wait3A_319] : memref<2x4x128x32xf32, #tpu.memory_space<vmem>> -> memref<1x1x128x32xf32, #tpu.memory_space<vmem>>
    %dma_wait3A_321 = tpu.memref_squeeze %dma_wait3A_320 : memref<1x1x128x32xf32, #tpu.memory_space<vmem>> -> memref<128x32xf32, #tpu.memory_space<vmem>>
    %dma_wait3A_322 = arith.constant 0 : i32
    %dma_wait3A_323 = arith.constant 0 : i32
    %dma_wait3A_324 = tpu.memref_slice %arg3[%dma_wait3A_322, %dma_wait3A_323] : memref<1003520x32xf32, #tpu.memory_space<hbm>> -> memref<128x32xf32, #tpu.memory_space<hbm>>
    %dma_wait3A_325 = arith.constant 0 : i32
    %dma_wait3A_326 = arith.constant 0 : i32
    %dma_wait3A_327 = tpu.memref_slice %arg6[%dma_wait3A_316, %dma_wait3A_317, %dma_wait3A_325, %dma_wait3A_326] : memref<2x4x128x32xf32, #tpu.memory_space<vmem>> -> memref<1x1x128x32xf32, #tpu.memory_space<vmem>>
    %dma_wait3A_328 = tpu.memref_squeeze %dma_wait3A_327 : memref<1x1x128x32xf32, #tpu.memory_space<vmem>> -> memref<128x32xf32, #tpu.memory_space<vmem>>
    %dma_wait3A_329 = arith.constant 0 : i32
    %dma_wait3A_330 = arith.constant 0 : i32
    %dma_wait3A_331 = tpu.memref_slice %arg3[%dma_wait3A_329, %dma_wait3A_330] : memref<1003520x32xf32, #tpu.memory_space<hbm>> -> memref<128x32xf32, #tpu.memory_space<hbm>>
    tpu.wait_dma2 semaphore(%arg9 : memref<!tpu.dma_semaphore, #tpu.memory_space<semaphore_mem>>) src(%dma_wait3A_331 : memref<128x32xf32, #tpu.memory_space<hbm>>) dst(%dma_wait3A_328 : memref<128x32xf32, #tpu.memory_space<vmem>>)
    %dma_wait3A_332 = arith.constant 1 : i32
    %dma_wait3A_333 = arith.constant 2 : i32
    %dma_wait3A_334 = arith.constant 0 : i32
    %dma_wait3A_335 = arith.constant 0 : i32
    %dma_wait3A_336 = tpu.memref_slice %arg6[%dma_wait3A_332, %dma_wait3A_333, %dma_wait3A_334, %dma_wait3A_335] : memref<2x4x128x32xf32, #tpu.memory_space<vmem>> -> memref<1x1x128x32xf32, #tpu.memory_space<vmem>>
    %dma_wait3A_337 = tpu.memref_squeeze %dma_wait3A_336 : memref<1x1x128x32xf32, #tpu.memory_space<vmem>> -> memref<128x32xf32, #tpu.memory_space<vmem>>
    %dma_wait3A_338 = arith.constant 0 : i32
    %dma_wait3A_339 = arith.constant 0 : i32
    %dma_wait3A_340 = tpu.memref_slice %arg3[%dma_wait3A_338, %dma_wait3A_339] : memref<1003520x32xf32, #tpu.memory_space<hbm>> -> memref<128x32xf32, #tpu.memory_space<hbm>>
    %dma_wait3A_341 = arith.constant 0 : i32
    %dma_wait3A_342 = arith.constant 0 : i32
    %dma_wait3A_343 = tpu.memref_slice %arg6[%dma_wait3A_332, %dma_wait3A_333, %dma_wait3A_341, %dma_wait3A_342] : memref<2x4x128x32xf32, #tpu.memory_space<vmem>> -> memref<1x1x128x32xf32, #tpu.memory_space<vmem>>
    %dma_wait3A_344 = tpu.memref_squeeze %dma_wait3A_343 : memref<1x1x128x32xf32, #tpu.memory_space<vmem>> -> memref<128x32xf32, #tpu.memory_space<vmem>>
    %dma_wait3A_345 = arith.constant 0 : i32
    %dma_wait3A_346 = arith.constant 0 : i32
    %dma_wait3A_347 = tpu.memref_slice %arg3[%dma_wait3A_345, %dma_wait3A_346] : memref<1003520x32xf32, #tpu.memory_space<hbm>> -> memref<128x32xf32, #tpu.memory_space<hbm>>
    tpu.wait_dma2 semaphore(%arg9 : memref<!tpu.dma_semaphore, #tpu.memory_space<semaphore_mem>>) src(%dma_wait3A_347 : memref<128x32xf32, #tpu.memory_space<hbm>>) dst(%dma_wait3A_344 : memref<128x32xf32, #tpu.memory_space<vmem>>)
    %dma_wait3A_348 = arith.constant 1 : i32
    %dma_wait3A_349 = arith.constant 3 : i32
    %dma_wait3A_350 = arith.constant 0 : i32
    %dma_wait3A_351 = arith.constant 0 : i32
    %dma_wait3A_352 = tpu.memref_slice %arg6[%dma_wait3A_348, %dma_wait3A_349, %dma_wait3A_350, %dma_wait3A_351] : memref<2x4x128x32xf32, #tpu.memory_space<vmem>> -> memref<1x1x128x32xf32, #tpu.memory_space<vmem>>
    %dma_wait3A_353 = tpu.memref_squeeze %dma_wait3A_352 : memref<1x1x128x32xf32, #tpu.memory_space<vmem>> -> memref<128x32xf32, #tpu.memory_space<vmem>>
    %dma_wait3A_354 = arith.constant 0 : i32
    %dma_wait3A_355 = arith.constant 0 : i32
    %dma_wait3A_356 = tpu.memref_slice %arg3[%dma_wait3A_354, %dma_wait3A_355] : memref<1003520x32xf32, #tpu.memory_space<hbm>> -> memref<128x32xf32, #tpu.memory_space<hbm>>
    %dma_wait3A_357 = arith.constant 0 : i32
    %dma_wait3A_358 = arith.constant 0 : i32
    %dma_wait3A_359 = tpu.memref_slice %arg6[%dma_wait3A_348, %dma_wait3A_349, %dma_wait3A_357, %dma_wait3A_358] : memref<2x4x128x32xf32, #tpu.memory_space<vmem>> -> memref<1x1x128x32xf32, #tpu.memory_space<vmem>>
    %dma_wait3A_360 = tpu.memref_squeeze %dma_wait3A_359 : memref<1x1x128x32xf32, #tpu.memory_space<vmem>> -> memref<128x32xf32, #tpu.memory_space<vmem>>
    %dma_wait3A_361 = arith.constant 0 : i32
    %dma_wait3A_362 = arith.constant 0 : i32
    %dma_wait3A_363 = tpu.memref_slice %arg3[%dma_wait3A_361, %dma_wait3A_362] : memref<1003520x32xf32, #tpu.memory_space<hbm>> -> memref<128x32xf32, #tpu.memory_space<hbm>>
    tpu.wait_dma2 semaphore(%arg9 : memref<!tpu.dma_semaphore, #tpu.memory_space<semaphore_mem>>) src(%dma_wait3A_363 : memref<128x32xf32, #tpu.memory_space<hbm>>) dst(%dma_wait3A_360 : memref<128x32xf32, #tpu.memory_space<vmem>>)
    %scan3A_364 = arith.constant 0 : i32
    %scan3A_365 = arith.constant 128 : i32
    %scan3A_366 = arith.addi %scan3A_364, %scan3A_365 : i32
    %scan3A_367 = arith.constant 1 : i32
    scf.for %scan3A_736 = %scan3A_364 to %scan3A_366 step %scan3A_367  : i32 {
      %broadcast_in_dim3A_737 = vector.broadcast %scan3A_736 : i32 to vector<16xi32>
      %get3A = arith.constant 1 : i32
      %get3A_738 = arith.constant 0 : i32
      %get3A_739 = arith.index_cast %get3A : i32 to index
      %get3A_740 = arith.index_cast %get3A_738 : i32 to index
      %get3A_741 = arith.index_cast %scan3A_736 : i32 to index
      %get3A_742 = arith.constant 0 : index
      %get3A_743 = tpu.vector_load %arg6[%get3A_739, %get3A_740, %get3A_741, %get3A_742] {strides = array<i32>} : memref<2x4x128x32xf32, #tpu.memory_space<vmem>>, vector<16xf32>,
      %mul3A_744 = arith.constant 5.65685415 : f32
      %mul3A_745 = vector.broadcast %mul3A_744 : f32 to vector<16xf32>
      %mul3A_746 = arith.mulf %get3A_743, %mul3A_745 : vector<16xf32>
      %scatter3A = arith.constant 1 : i32
      %scatter3A_747 = arith.constant 0 : i32
      %scatter3A_748 = arith.constant 0 : i32
      %scatter3A_749 = arith.constant 0 : i32
      %scatter3A_750 = arith.constant 0 : i32
      %scatter3A_751 = tpu.memref_slice %arg7[%scatter3A, %scatter3A_747, %scatter3A_748, %scatter3A_749, %scatter3A_750] : memref<2x4x4x8x129xf32, #tpu.memory_space<vmem>> -> memref<1x4x4x8x129xf32, #tpu.memory_space<vmem>>
      %scatter3A_752 = tpu.memref_squeeze %scatter3A_751 : memref<1x4x4x8x129xf32, #tpu.memory_space<vmem>> -> memref<4x4x8x129xf32, #tpu.memory_space<vmem>>
      tpu.vector_store_idx %scatter3A_752[%add3A_26, %broadcast_in_dim3A_35, %and3A, %broadcast_in_dim3A_737], %mul3A_746 : memref<4x4x8x129xf32, #tpu.memory_space<vmem>>[vector<16xi32>, vector<16xi32>, vector<16xi32>, vector<16xi32>], vector<16xf32>,
      %get3A_753 = arith.constant 1 : i32
      %get3A_754 = arith.constant 0 : i32
      %get3A_755 = arith.index_cast %get3A_753 : i32 to index
      %get3A_756 = arith.index_cast %get3A_754 : i32 to index
      %get3A_757 = arith.index_cast %scan3A_736 : i32 to index
      %get3A_758 = arith.constant 16 : index
      %get3A_759 = tpu.vector_load %arg6[%get3A_755, %get3A_756, %get3A_757, %get3A_758] {strides = array<i32>} : memref<2x4x128x32xf32, #tpu.memory_space<vmem>>, vector<16xf32>,
      %mul3A_760 = arith.constant 5.65685415 : f32
      %mul3A_761 = vector.broadcast %mul3A_760 : f32 to vector<16xf32>
      %mul3A_762 = arith.mulf %get3A_759, %mul3A_761 : vector<16xf32>
      %scatter3A_763 = arith.constant 1 : i32
      %scatter3A_764 = arith.constant 0 : i32
      %scatter3A_765 = arith.constant 0 : i32
      %scatter3A_766 = arith.constant 0 : i32
      %scatter3A_767 = arith.constant 0 : i32
      %scatter3A_768 = tpu.memref_slice %arg7[%scatter3A_763, %scatter3A_764, %scatter3A_765, %scatter3A_766, %scatter3A_767] : memref<2x4x4x8x129xf32, #tpu.memory_space<vmem>> -> memref<1x4x4x8x129xf32, #tpu.memory_space<vmem>>
      %scatter3A_769 = tpu.memref_squeeze %scatter3A_768 : memref<1x4x4x8x129xf32, #tpu.memory_space<vmem>> -> memref<4x4x8x129xf32, #tpu.memory_space<vmem>>
      tpu.vector_store_idx %scatter3A_769[%add3A_32, %broadcast_in_dim3A_35, %and3A, %broadcast_in_dim3A_737], %mul3A_762 : memref<4x4x8x129xf32, #tpu.memory_space<vmem>>[vector<16xi32>, vector<16xi32>, vector<16xi32>, vector<16xi32>], vector<16xf32>,
      %get3A_770 = arith.constant 1 : i32
      %get3A_771 = arith.constant 1 : i32
      %get3A_772 = arith.index_cast %get3A_770 : i32 to index
      %get3A_773 = arith.index_cast %get3A_771 : i32 to index
      %get3A_774 = arith.index_cast %scan3A_736 : i32 to index
      %get3A_775 = arith.constant 0 : index
      %get3A_776 = tpu.vector_load %arg6[%get3A_772, %get3A_773, %get3A_774, %get3A_775] {strides = array<i32>} : memref<2x4x128x32xf32, #tpu.memory_space<vmem>>, vector<16xf32>,
      %mul3A_777 = arith.constant 5.65685415 : f32
      %mul3A_778 = vector.broadcast %mul3A_777 : f32 to vector<16xf32>
      %mul3A_779 = arith.mulf %get3A_776, %mul3A_778 : vector<16xf32>
      %scatter3A_780 = arith.constant 1 : i32
      %scatter3A_781 = arith.constant 0 : i32
      %scatter3A_782 = arith.constant 0 : i32
      %scatter3A_783 = arith.constant 0 : i32
      %scatter3A_784 = arith.constant 0 : i32
      %scatter3A_785 = tpu.memref_slice %arg7[%scatter3A_780, %scatter3A_781, %scatter3A_782, %scatter3A_783, %scatter3A_784] : memref<2x4x4x8x129xf32, #tpu.memory_space<vmem>> -> memref<1x4x4x8x129xf32, #tpu.memory_space<vmem>>
      %scatter3A_786 = tpu.memref_squeeze %scatter3A_785 : memref<1x4x4x8x129xf32, #tpu.memory_space<vmem>> -> memref<4x4x8x129xf32, #tpu.memory_space<vmem>>
      tpu.vector_store_idx %scatter3A_786[%add3A_26, %broadcast_in_dim3A_37, %and3A, %broadcast_in_dim3A_737], %mul3A_779 : memref<4x4x8x129xf32, #tpu.memory_space<vmem>>[vector<16xi32>, vector<16xi32>, vector<16xi32>, vector<16xi32>], vector<16xf32>,
      %get3A_787 = arith.constant 1 : i32
      %get3A_788 = arith.constant 1 : i32
      %get3A_789 = arith.index_cast %get3A_787 : i32 to index
      %get3A_790 = arith.index_cast %get3A_788 : i32 to index
      %get3A_791 = arith.index_cast %scan3A_736 : i32 to index
      %get3A_792 = arith.constant 16 : index
      %get3A_793 = tpu.vector_load %arg6[%get3A_789, %get3A_790, %get3A_791, %get3A_792] {strides = array<i32>} : memref<2x4x128x32xf32, #tpu.memory_space<vmem>>, vector<16xf32>,
      %mul3A_794 = arith.constant 5.65685415 : f32
      %mul3A_795 = vector.broadcast %mul3A_794 : f32 to vector<16xf32>
      %mul3A_796 = arith.mulf %get3A_793, %mul3A_795 : vector<16xf32>
      %scatter3A_797 = arith.constant 1 : i32
      %scatter3A_798 = arith.constant 0 : i32
      %scatter3A_799 = arith.constant 0 : i32
      %scatter3A_800 = arith.constant 0 : i32
      %scatter3A_801 = arith.constant 0 : i32
      %scatter3A_802 = tpu.memref_slice %arg7[%scatter3A_797, %scatter3A_798, %scatter3A_799, %scatter3A_800, %scatter3A_801] : memref<2x4x4x8x129xf32, #tpu.memory_space<vmem>> -> memref<1x4x4x8x129xf32, #tpu.memory_space<vmem>>
      %scatter3A_803 = tpu.memref_squeeze %scatter3A_802 : memref<1x4x4x8x129xf32, #tpu.memory_space<vmem>> -> memref<4x4x8x129xf32, #tpu.memory_space<vmem>>
      tpu.vector_store_idx %scatter3A_803[%add3A_32, %broadcast_in_dim3A_37, %and3A, %broadcast_in_dim3A_737], %mul3A_796 : memref<4x4x8x129xf32, #tpu.memory_space<vmem>>[vector<16xi32>, vector<16xi32>, vector<16xi32>, vector<16xi32>], vector<16xf32>,
      %get3A_804 = arith.constant 1 : i32
      %get3A_805 = arith.constant 2 : i32
      %get3A_806 = arith.index_cast %get3A_804 : i32 to index
      %get3A_807 = arith.index_cast %get3A_805 : i32 to index
      %get3A_808 = arith.index_cast %scan3A_736 : i32 to index
      %get3A_809 = arith.constant 0 : index
      %get3A_810 = tpu.vector_load %arg6[%get3A_806, %get3A_807, %get3A_808, %get3A_809] {strides = array<i32>} : memref<2x4x128x32xf32, #tpu.memory_space<vmem>>, vector<16xf32>,
      %mul3A_811 = arith.constant 5.65685415 : f32
      %mul3A_812 = vector.broadcast %mul3A_811 : f32 to vector<16xf32>
      %mul3A_813 = arith.mulf %get3A_810, %mul3A_812 : vector<16xf32>
      %scatter3A_814 = arith.constant 1 : i32
      %scatter3A_815 = arith.constant 0 : i32
      %scatter3A_816 = arith.constant 0 : i32
      %scatter3A_817 = arith.constant 0 : i32
      %scatter3A_818 = arith.constant 0 : i32
      %scatter3A_819 = tpu.memref_slice %arg7[%scatter3A_814, %scatter3A_815, %scatter3A_816, %scatter3A_817, %scatter3A_818] : memref<2x4x4x8x129xf32, #tpu.memory_space<vmem>> -> memref<1x4x4x8x129xf32, #tpu.memory_space<vmem>>
      %scatter3A_820 = tpu.memref_squeeze %scatter3A_819 : memref<1x4x4x8x129xf32, #tpu.memory_space<vmem>> -> memref<4x4x8x129xf32, #tpu.memory_space<vmem>>
      tpu.vector_store_idx %scatter3A_820[%add3A_26, %broadcast_in_dim3A_39, %and3A, %broadcast_in_dim3A_737], %mul3A_813 : memref<4x4x8x129xf32, #tpu.memory_space<vmem>>[vector<16xi32>, vector<16xi32>, vector<16xi32>, vector<16xi32>], vector<16xf32>,
      %get3A_821 = arith.constant 1 : i32
      %get3A_822 = arith.constant 2 : i32
      %get3A_823 = arith.index_cast %get3A_821 : i32 to index
      %get3A_824 = arith.index_cast %get3A_822 : i32 to index
      %get3A_825 = arith.index_cast %scan3A_736 : i32 to index
      %get3A_826 = arith.constant 16 : index
      %get3A_827 = tpu.vector_load %arg6[%get3A_823, %get3A_824, %get3A_825, %get3A_826] {strides = array<i32>} : memref<2x4x128x32xf32, #tpu.memory_space<vmem>>, vector<16xf32>,
      %mul3A_828 = arith.constant 5.65685415 : f32
      %mul3A_829 = vector.broadcast %mul3A_828 : f32 to vector<16xf32>
      %mul3A_830 = arith.mulf %get3A_827, %mul3A_829 : vector<16xf32>
      %scatter3A_831 = arith.constant 1 : i32
      %scatter3A_832 = arith.constant 0 : i32
      %scatter3A_833 = arith.constant 0 : i32
      %scatter3A_834 = arith.constant 0 : i32
      %scatter3A_835 = arith.constant 0 : i32
      %scatter3A_836 = tpu.memref_slice %arg7[%scatter3A_831, %scatter3A_832, %scatter3A_833, %scatter3A_834, %scatter3A_835] : memref<2x4x4x8x129xf32, #tpu.memory_space<vmem>> -> memref<1x4x4x8x129xf32, #tpu.memory_space<vmem>>
      %scatter3A_837 = tpu.memref_squeeze %scatter3A_836 : memref<1x4x4x8x129xf32, #tpu.memory_space<vmem>> -> memref<4x4x8x129xf32, #tpu.memory_space<vmem>>
      tpu.vector_store_idx %scatter3A_837[%add3A_32, %broadcast_in_dim3A_39, %and3A, %broadcast_in_dim3A_737], %mul3A_830 : memref<4x4x8x129xf32, #tpu.memory_space<vmem>>[vector<16xi32>, vector<16xi32>, vector<16xi32>, vector<16xi32>], vector<16xf32>,
      %get3A_838 = arith.constant 1 : i32
      %get3A_839 = arith.constant 3 : i32
      %get3A_840 = arith.index_cast %get3A_838 : i32 to index
      %get3A_841 = arith.index_cast %get3A_839 : i32 to index
      %get3A_842 = arith.index_cast %scan3A_736 : i32 to index
      %get3A_843 = arith.constant 0 : index
      %get3A_844 = tpu.vector_load %arg6[%get3A_840, %get3A_841, %get3A_842, %get3A_843] {strides = array<i32>} : memref<2x4x128x32xf32, #tpu.memory_space<vmem>>, vector<16xf32>,
      %mul3A_845 = arith.constant 5.65685415 : f32
      %mul3A_846 = vector.broadcast %mul3A_845 : f32 to vector<16xf32>
      %mul3A_847 = arith.mulf %get3A_844, %mul3A_846 : vector<16xf32>
      %scatter3A_848 = arith.constant 1 : i32
      %scatter3A_849 = arith.constant 0 : i32
      %scatter3A_850 = arith.constant 0 : i32
      %scatter3A_851 = arith.constant 0 : i32
      %scatter3A_852 = arith.constant 0 : i32
      %scatter3A_853 = tpu.memref_slice %arg7[%scatter3A_848, %scatter3A_849, %scatter3A_850, %scatter3A_851, %scatter3A_852] : memref<2x4x4x8x129xf32, #tpu.memory_space<vmem>> -> memref<1x4x4x8x129xf32, #tpu.memory_space<vmem>>
      %scatter3A_854 = tpu.memref_squeeze %scatter3A_853 : memref<1x4x4x8x129xf32, #tpu.memory_space<vmem>> -> memref<4x4x8x129xf32, #tpu.memory_space<vmem>>
      tpu.vector_store_idx %scatter3A_854[%add3A_26, %broadcast_in_dim3A_41, %and3A, %broadcast_in_dim3A_737], %mul3A_847 : memref<4x4x8x129xf32, #tpu.memory_space<vmem>>[vector<16xi32>, vector<16xi32>, vector<16xi32>, vector<16xi32>], vector<16xf32>,
      %get3A_855 = arith.constant 1 : i32
      %get3A_856 = arith.constant 3 : i32
      %get3A_857 = arith.index_cast %get3A_855 : i32 to index
      %get3A_858 = arith.index_cast %get3A_856 : i32 to index
      %get3A_859 = arith.index_cast %scan3A_736 : i32 to index
      %get3A_860 = arith.constant 16 : index
      %get3A_861 = tpu.vector_load %arg6[%get3A_857, %get3A_858, %get3A_859, %get3A_860] {strides = array<i32>} : memref<2x4x128x32xf32, #tpu.memory_space<vmem>>, vector<16xf32>,
      %mul3A_862 = arith.constant 5.65685415 : f32
      %mul3A_863 = vector.broadcast %mul3A_862 : f32 to vector<16xf32>
      %mul3A_864 = arith.mulf %get3A_861, %mul3A_863 : vector<16xf32>
      %scatter3A_865 = arith.constant 1 : i32
      %scatter3A_866 = arith.constant 0 : i32
      %scatter3A_867 = arith.constant 0 : i32
      %scatter3A_868 = arith.constant 0 : i32
      %scatter3A_869 = arith.constant 0 : i32
      %scatter3A_870 = tpu.memref_slice %arg7[%scatter3A_865, %scatter3A_866, %scatter3A_867, %scatter3A_868, %scatter3A_869] : memref<2x4x4x8x129xf32, #tpu.memory_space<vmem>> -> memref<1x4x4x8x129xf32, #tpu.memory_space<vmem>>
      %scatter3A_871 = tpu.memref_squeeze %scatter3A_870 : memref<1x4x4x8x129xf32, #tpu.memory_space<vmem>> -> memref<4x4x8x129xf32, #tpu.memory_space<vmem>>
      tpu.vector_store_idx %scatter3A_871[%add3A_32, %broadcast_in_dim3A_41, %and3A, %broadcast_in_dim3A_737], %mul3A_864 : memref<4x4x8x129xf32, #tpu.memory_space<vmem>>[vector<16xi32>, vector<16xi32>, vector<16xi32>, vector<16xi32>], vector<16xf32>,
    }
    %scan3A_368 = arith.constant 128 : i32
    %dma_start3A_369 = arith.constant 1 : i32
    %dma_start3A_370 = arith.constant 1 : i32
    %dma_start3A_371 = arith.constant 0 : i32
    %dma_start3A_372 = arith.constant 0 : i32
    %dma_start3A_373 = arith.constant 0 : i32
    %dma_start3A_374 = arith.constant 0 : i32
    %dma_start3A_375 = tpu.memref_slice %arg7[%dma_start3A_369, %dma_start3A_371, %dma_start3A_372, %dma_start3A_373, %dma_start3A_374] : memref<2x4x4x8x129xf32, #tpu.memory_space<vmem>> -> memref<1x4x4x8x128xf32, #tpu.memory_space<vmem>>
    %dma_start3A_376 = tpu.memref_squeeze %dma_start3A_375 : memref<1x4x4x8x128xf32, #tpu.memory_space<vmem>> -> memref<4x4x8x128xf32, #tpu.memory_space<vmem>>
    %dma_start3A_377 = arith.constant 0 : i32
    %dma_start3A_378 = arith.constant 0 : i32
    %dma_start3A_379 = arith.constant 0 : i32
    %dma_start3A_380 = tpu.memref_slice %arg4[%dma_start3A_370, %dma_start3A_377, %mul3A_2, %dma_start3A_378, %dma_start3A_379] : memref<50x4x128x8x128xf32, #tpu.memory_space<hbm>> -> memref<1x4x4x8x128xf32, #tpu.memory_space<hbm>>
    %dma_start3A_381 = tpu.memref_squeeze %dma_start3A_380 : memref<1x4x4x8x128xf32, #tpu.memory_space<hbm>> -> memref<4x4x8x128xf32, #tpu.memory_space<hbm>>
    %dma_start3A_382 = arith.constant 0 : i32
    %dma_start3A_383 = arith.constant 0 : i32
    %dma_start3A_384 = arith.constant 0 : i32
    %dma_start3A_385 = tpu.memref_slice %arg4[%dma_start3A_370, %dma_start3A_382, %mul3A_2, %dma_start3A_383, %dma_start3A_384] : memref<50x4x128x8x128xf32, #tpu.memory_space<hbm>> -> memref<1x4x4x8x128xf32, #tpu.memory_space<hbm>>
    %dma_start3A_386 = tpu.memref_squeeze %dma_start3A_385 : memref<1x4x4x8x128xf32, #tpu.memory_space<hbm>> -> memref<4x4x8x128xf32, #tpu.memory_space<hbm>>
    %dma_start3A_387 = arith.constant 0 : i32
    %dma_start3A_388 = arith.constant 0 : i32
    %dma_start3A_389 = arith.constant 0 : i32
    %dma_start3A_390 = arith.constant 0 : i32
    %dma_start3A_391 = tpu.memref_slice %arg7[%dma_start3A_369, %dma_start3A_387, %dma_start3A_388, %dma_start3A_389, %dma_start3A_390] : memref<2x4x4x8x129xf32, #tpu.memory_space<vmem>> -> memref<1x4x4x8x128xf32, #tpu.memory_space<vmem>>
    %dma_start3A_392 = tpu.memref_squeeze %dma_start3A_391 : memref<1x4x4x8x128xf32, #tpu.memory_space<vmem>> -> memref<4x4x8x128xf32, #tpu.memory_space<vmem>>
    tpu.enqueue_dma source(%dma_start3A_392 : memref<4x4x8x128xf32, #tpu.memory_space<vmem>>) target(%dma_start3A_386 : memref<4x4x8x128xf32, #tpu.memory_space<hbm>>) target_semaphore(%arg11 : memref<!tpu.dma_semaphore, #tpu.memory_space<semaphore_mem>>)
    %dma_start3A_393 = arith.constant 3 : i32
    %dma_start3A_394 = arith.constant 0 : i32
    %dma_start3A_395 = arith.constant 1 : i32
    %dma_start3A_396 = arith.constant 0 : i32
    %dma_start3A_397 = arith.constant 0 : i32
    %dma_start3A_398 = arith.constant 0 : i32
    %dma_start3A_399 = tpu.memref_slice %arg6[%dma_start3A_395, %dma_start3A_396, %dma_start3A_397, %dma_start3A_398] : memref<2x4x128x32xf32, #tpu.memory_space<vmem>> -> memref<1x1x128x32xf32, #tpu.memory_space<vmem>>
    %dma_start3A_400 = tpu.memref_squeeze %dma_start3A_399 : memref<1x1x128x32xf32, #tpu.memory_space<vmem>> -> memref<128x32xf32, #tpu.memory_space<vmem>>
    %dma_start3A_401 = arith.constant 0 : i32
    %dma_start3A_402 = tpu.memref_slice %arg5[%dma_start3A_393, %dma_start3A_394, %dma_start3A_401] : memref<50x4x128xi32, #tpu.memory_space<vmem>> -> memref<1x1x128xi32, #tpu.memory_space<vmem>>
    %dma_start3A_403 = tpu.memref_squeeze %dma_start3A_402 : memref<1x1x128xi32, #tpu.memory_space<vmem>> -> memref<128xi32, #tpu.memory_space<vmem>>
    %dma_start3A_404 = arith.constant 0 : i32
    %dma_start3A_405 = arith.constant 0 : i32
    %dma_start3A_406 = tpu.memref_slice %arg3[%dma_start3A_404, %dma_start3A_405] : memref<1003520x32xf32, #tpu.memory_space<hbm>> -> memref<1003520x32xf32, #tpu.memory_space<hbm>>
    tpu.enqueue_indirect_dma source(%dma_start3A_406 : memref<1003520x32xf32, #tpu.memory_space<hbm>>) target(%dma_start3A_400 : memref<128x32xf32, #tpu.memory_space<vmem>>) offsets(%dma_start3A_403 : memref<128xi32, #tpu.memory_space<vmem>>) semaphore(%arg9 : memref<!tpu.dma_semaphore, #tpu.memory_space<semaphore_mem>>)
    %dma_start3A_407 = arith.constant 3 : i32
    %dma_start3A_408 = arith.constant 1 : i32
    %dma_start3A_409 = arith.constant 1 : i32
    %dma_start3A_410 = arith.constant 1 : i32
    %dma_start3A_411 = arith.constant 0 : i32
    %dma_start3A_412 = arith.constant 0 : i32
    %dma_start3A_413 = tpu.memref_slice %arg6[%dma_start3A_409, %dma_start3A_410, %dma_start3A_411, %dma_start3A_412] : memref<2x4x128x32xf32, #tpu.memory_space<vmem>> -> memref<1x1x128x32xf32, #tpu.memory_space<vmem>>
    %dma_start3A_414 = tpu.memref_squeeze %dma_start3A_413 : memref<1x1x128x32xf32, #tpu.memory_space<vmem>> -> memref<128x32xf32, #tpu.memory_space<vmem>>
    %dma_start3A_415 = arith.constant 0 : i32
    %dma_start3A_416 = tpu.memref_slice %arg5[%dma_start3A_407, %dma_start3A_408, %dma_start3A_415] : memref<50x4x128xi32, #tpu.memory_space<vmem>> -> memref<1x1x128xi32, #tpu.memory_space<vmem>>
    %dma_start3A_417 = tpu.memref_squeeze %dma_start3A_416 : memref<1x1x128xi32, #tpu.memory_space<vmem>> -> memref<128xi32, #tpu.memory_space<vmem>>
    %dma_start3A_418 = arith.constant 0 : i32
    %dma_start3A_419 = arith.constant 0 : i32
    %dma_start3A_420 = tpu.memref_slice %arg3[%dma_start3A_418, %dma_start3A_419] : memref<1003520x32xf32, #tpu.memory_space<hbm>> -> memref<1003520x32xf32, #tpu.memory_space<hbm>>
    tpu.enqueue_indirect_dma source(%dma_start3A_420 : memref<1003520x32xf32, #tpu.memory_space<hbm>>) target(%dma_start3A_414 : memref<128x32xf32, #tpu.memory_space<vmem>>) offsets(%dma_start3A_417 : memref<128xi32, #tpu.memory_space<vmem>>) semaphore(%arg9 : memref<!tpu.dma_semaphore, #tpu.memory_space<semaphore_mem>>)
    %dma_start3A_421 = arith.constant 3 : i32
    %dma_start3A_422 = arith.constant 2 : i32
    %dma_start3A_423 = arith.constant 1 : i32
    %dma_start3A_424 = arith.constant 2 : i32
    %dma_start3A_425 = arith.constant 0 : i32
    %dma_start3A_426 = arith.constant 0 : i32
    %dma_start3A_427 = tpu.memref_slice %arg6[%dma_start3A_423, %dma_start3A_424, %dma_start3A_425, %dma_start3A_426] : memref<2x4x128x32xf32, #tpu.memory_space<vmem>> -> memref<1x1x128x32xf32, #tpu.memory_space<vmem>>
    %dma_start3A_428 = tpu.memref_squeeze %dma_start3A_427 : memref<1x1x128x32xf32, #tpu.memory_space<vmem>> -> memref<128x32xf32, #tpu.memory_space<vmem>>
    %dma_start3A_429 = arith.constant 0 : i32
    %dma_start3A_430 = tpu.memref_slice %arg5[%dma_start3A_421, %dma_start3A_422, %dma_start3A_429] : memref<50x4x128xi32, #tpu.memory_space<vmem>> -> memref<1x1x128xi32, #tpu.memory_space<vmem>>
    %dma_start3A_431 = tpu.memref_squeeze %dma_start3A_430 : memref<1x1x128xi32, #tpu.memory_space<vmem>> -> memref<128xi32, #tpu.memory_space<vmem>>
    %dma_start3A_432 = arith.constant 0 : i32
    %dma_start3A_433 = arith.constant 0 : i32
    %dma_start3A_434 = tpu.memref_slice %arg3[%dma_start3A_432, %dma_start3A_433] : memref<1003520x32xf32, #tpu.memory_space<hbm>> -> memref<1003520x32xf32, #tpu.memory_space<hbm>>
    tpu.enqueue_indirect_dma source(%dma_start3A_434 : memref<1003520x32xf32, #tpu.memory_space<hbm>>) target(%dma_start3A_428 : memref<128x32xf32, #tpu.memory_space<vmem>>) offsets(%dma_start3A_431 : memref<128xi32, #tpu.memory_space<vmem>>) semaphore(%arg9 : memref<!tpu.dma_semaphore, #tpu.memory_space<semaphore_mem>>)
    %dma_start3A_435 = arith.constant 3 : i32
    %dma_start3A_436 = arith.constant 3 : i32
    %dma_start3A_437 = arith.constant 1 : i32
    %dma_start3A_438 = arith.constant 3 : i32
    %dma_start3A_439 = arith.constant 0 : i32
    %dma_start3A_440 = arith.constant 0 : i32
    %dma_start3A_441 = tpu.memref_slice %arg6[%dma_start3A_437, %dma_start3A_438, %dma_start3A_439, %dma_start3A_440] : memref<2x4x128x32xf32, #tpu.memory_space<vmem>> -> memref<1x1x128x32xf32, #tpu.memory_space<vmem>>
    %dma_start3A_442 = tpu.memref_squeeze %dma_start3A_441 : memref<1x1x128x32xf32, #tpu.memory_space<vmem>> -> memref<128x32xf32, #tpu.memory_space<vmem>>
    %dma_start3A_443 = arith.constant 0 : i32
    %dma_start3A_444 = tpu.memref_slice %arg5[%dma_start3A_435, %dma_start3A_436, %dma_start3A_443] : memref<50x4x128xi32, #tpu.memory_space<vmem>> -> memref<1x1x128xi32, #tpu.memory_space<vmem>>
    %dma_start3A_445 = tpu.memref_squeeze %dma_start3A_444 : memref<1x1x128xi32, #tpu.memory_space<vmem>> -> memref<128xi32, #tpu.memory_space<vmem>>
    %dma_start3A_446 = arith.constant 0 : i32
    %dma_start3A_447 = arith.constant 0 : i32
    %dma_start3A_448 = tpu.memref_slice %arg3[%dma_start3A_446, %dma_start3A_447] : memref<1003520x32xf32, #tpu.memory_space<hbm>> -> memref<1003520x32xf32, #tpu.memory_space<hbm>>
    tpu.enqueue_indirect_dma source(%dma_start3A_448 : memref<1003520x32xf32, #tpu.memory_space<hbm>>) target(%dma_start3A_442 : memref<128x32xf32, #tpu.memory_space<vmem>>) offsets(%dma_start3A_445 : memref<128xi32, #tpu.memory_space<vmem>>) semaphore(%arg9 : memref<!tpu.dma_semaphore, #tpu.memory_space<semaphore_mem>>)
    %scan3A_449 = arith.constant 1 : i32
    %scan3A_450 = arith.constant 23 : i32
    %scan3A_451 = arith.addi %scan3A_449, %scan3A_450 : i32
    %scan3A_452 = arith.constant 1 : i32
    scf.for %scan3A_736 = %scan3A_449 to %scan3A_451 step %scan3A_452  : i32 {
      %mul3A_737 = arith.constant 2 : i32
      %mul3A_738 = arith.muli %mul3A_737, %scan3A_736 : i32
      %add3A_739 = arith.constant 0 : i32
      %add3A_740 = arith.addi %mul3A_738, %add3A_739 : i32
      %dma_wait3A_741 = arith.constant 0 : i32
      %dma_wait3A_742 = arith.constant 0 : i32
      %dma_wait3A_743 = arith.constant 0 : i32
      %dma_wait3A_744 = arith.constant 0 : i32
      %dma_wait3A_745 = tpu.memref_slice %arg6[%dma_wait3A_741, %dma_wait3A_742, %dma_wait3A_743, %dma_wait3A_744] : memref<2x4x128x32xf32, #tpu.memory_space<vmem>> -> memref<1x1x128x32xf32, #tpu.memory_space<vmem>>
      %dma_wait3A_746 = tpu.memref_squeeze %dma_wait3A_745 : memref<1x1x128x32xf32, #tpu.memory_space<vmem>> -> memref<128x32xf32, #tpu.memory_space<vmem>>
      %dma_wait3A_747 = arith.constant 0 : i32
      %dma_wait3A_748 = arith.constant 0 : i32
      %dma_wait3A_749 = tpu.memref_slice %arg3[%dma_wait3A_747, %dma_wait3A_748] : memref<1003520x32xf32, #tpu.memory_space<hbm>> -> memref<128x32xf32, #tpu.memory_space<hbm>>
      %dma_wait3A_750 = arith.constant 0 : i32
      %dma_wait3A_751 = arith.constant 0 : i32
      %dma_wait3A_752 = tpu.memref_slice %arg6[%dma_wait3A_741, %dma_wait3A_742, %dma_wait3A_750, %dma_wait3A_751] : memref<2x4x128x32xf32, #tpu.memory_space<vmem>> -> memref<1x1x128x32xf32, #tpu.memory_space<vmem>>
      %dma_wait3A_753 = tpu.memref_squeeze %dma_wait3A_752 : memref<1x1x128x32xf32, #tpu.memory_space<vmem>> -> memref<128x32xf32, #tpu.memory_space<vmem>>
      %dma_wait3A_754 = arith.constant 0 : i32
      %dma_wait3A_755 = arith.constant 0 : i32
      %dma_wait3A_756 = tpu.memref_slice %arg3[%dma_wait3A_754, %dma_wait3A_755] : memref<1003520x32xf32, #tpu.memory_space<hbm>> -> memref<128x32xf32, #tpu.memory_space<hbm>>
      tpu.wait_dma2 semaphore(%arg8 : memref<!tpu.dma_semaphore, #tpu.memory_space<semaphore_mem>>) src(%dma_wait3A_756 : memref<128x32xf32, #tpu.memory_space<hbm>>) dst(%dma_wait3A_753 : memref<128x32xf32, #tpu.memory_space<vmem>>)
      %dma_wait3A_757 = arith.constant 0 : i32
      %dma_wait3A_758 = arith.constant 1 : i32
      %dma_wait3A_759 = arith.constant 0 : i32
      %dma_wait3A_760 = arith.constant 0 : i32
      %dma_wait3A_761 = tpu.memref_slice %arg6[%dma_wait3A_757, %dma_wait3A_758, %dma_wait3A_759, %dma_wait3A_760] : memref<2x4x128x32xf32, #tpu.memory_space<vmem>> -> memref<1x1x128x32xf32, #tpu.memory_space<vmem>>
      %dma_wait3A_762 = tpu.memref_squeeze %dma_wait3A_761 : memref<1x1x128x32xf32, #tpu.memory_space<vmem>> -> memref<128x32xf32, #tpu.memory_space<vmem>>
      %dma_wait3A_763 = arith.constant 0 : i32
      %dma_wait3A_764 = arith.constant 0 : i32
      %dma_wait3A_765 = tpu.memref_slice %arg3[%dma_wait3A_763, %dma_wait3A_764] : memref<1003520x32xf32, #tpu.memory_space<hbm>> -> memref<128x32xf32, #tpu.memory_space<hbm>>
      %dma_wait3A_766 = arith.constant 0 : i32
      %dma_wait3A_767 = arith.constant 0 : i32
      %dma_wait3A_768 = tpu.memref_slice %arg6[%dma_wait3A_757, %dma_wait3A_758, %dma_wait3A_766, %dma_wait3A_767] : memref<2x4x128x32xf32, #tpu.memory_space<vmem>> -> memref<1x1x128x32xf32, #tpu.memory_space<vmem>>
      %dma_wait3A_769 = tpu.memref_squeeze %dma_wait3A_768 : memref<1x1x128x32xf32, #tpu.memory_space<vmem>> -> memref<128x32xf32, #tpu.memory_space<vmem>>
      %dma_wait3A_770 = arith.constant 0 : i32
      %dma_wait3A_771 = arith.constant 0 : i32
      %dma_wait3A_772 = tpu.memref_slice %arg3[%dma_wait3A_770, %dma_wait3A_771] : memref<1003520x32xf32, #tpu.memory_space<hbm>> -> memref<128x32xf32, #tpu.memory_space<hbm>>
      tpu.wait_dma2 semaphore(%arg8 : memref<!tpu.dma_semaphore, #tpu.memory_space<semaphore_mem>>) src(%dma_wait3A_772 : memref<128x32xf32, #tpu.memory_space<hbm>>) dst(%dma_wait3A_769 : memref<128x32xf32, #tpu.memory_space<vmem>>)
      %dma_wait3A_773 = arith.constant 0 : i32
      %dma_wait3A_774 = arith.constant 2 : i32
      %dma_wait3A_775 = arith.constant 0 : i32
      %dma_wait3A_776 = arith.constant 0 : i32
      %dma_wait3A_777 = tpu.memref_slice %arg6[%dma_wait3A_773, %dma_wait3A_774, %dma_wait3A_775, %dma_wait3A_776] : memref<2x4x128x32xf32, #tpu.memory_space<vmem>> -> memref<1x1x128x32xf32, #tpu.memory_space<vmem>>
      %dma_wait3A_778 = tpu.memref_squeeze %dma_wait3A_777 : memref<1x1x128x32xf32, #tpu.memory_space<vmem>> -> memref<128x32xf32, #tpu.memory_space<vmem>>
      %dma_wait3A_779 = arith.constant 0 : i32
      %dma_wait3A_780 = arith.constant 0 : i32
      %dma_wait3A_781 = tpu.memref_slice %arg3[%dma_wait3A_779, %dma_wait3A_780] : memref<1003520x32xf32, #tpu.memory_space<hbm>> -> memref<128x32xf32, #tpu.memory_space<hbm>>
      %dma_wait3A_782 = arith.constant 0 : i32
      %dma_wait3A_783 = arith.constant 0 : i32
      %dma_wait3A_784 = tpu.memref_slice %arg6[%dma_wait3A_773, %dma_wait3A_774, %dma_wait3A_782, %dma_wait3A_783] : memref<2x4x128x32xf32, #tpu.memory_space<vmem>> -> memref<1x1x128x32xf32, #tpu.memory_space<vmem>>
      %dma_wait3A_785 = tpu.memref_squeeze %dma_wait3A_784 : memref<1x1x128x32xf32, #tpu.memory_space<vmem>> -> memref<128x32xf32, #tpu.memory_space<vmem>>
      %dma_wait3A_786 = arith.constant 0 : i32
      %dma_wait3A_787 = arith.constant 0 : i32
      %dma_wait3A_788 = tpu.memref_slice %arg3[%dma_wait3A_786, %dma_wait3A_787] : memref<1003520x32xf32, #tpu.memory_space<hbm>> -> memref<128x32xf32, #tpu.memory_space<hbm>>
      tpu.wait_dma2 semaphore(%arg8 : memref<!tpu.dma_semaphore, #tpu.memory_space<semaphore_mem>>) src(%dma_wait3A_788 : memref<128x32xf32, #tpu.memory_space<hbm>>) dst(%dma_wait3A_785 : memref<128x32xf32, #tpu.memory_space<vmem>>)
      %dma_wait3A_789 = arith.constant 0 : i32
      %dma_wait3A_790 = arith.constant 3 : i32
      %dma_wait3A_791 = arith.constant 0 : i32
      %dma_wait3A_792 = arith.constant 0 : i32
      %dma_wait3A_793 = tpu.memref_slice %arg6[%dma_wait3A_789, %dma_wait3A_790, %dma_wait3A_791, %dma_wait3A_792] : memref<2x4x128x32xf32, #tpu.memory_space<vmem>> -> memref<1x1x128x32xf32, #tpu.memory_space<vmem>>
      %dma_wait3A_794 = tpu.memref_squeeze %dma_wait3A_793 : memref<1x1x128x32xf32, #tpu.memory_space<vmem>> -> memref<128x32xf32, #tpu.memory_space<vmem>>
      %dma_wait3A_795 = arith.constant 0 : i32
      %dma_wait3A_796 = arith.constant 0 : i32
      %dma_wait3A_797 = tpu.memref_slice %arg3[%dma_wait3A_795, %dma_wait3A_796] : memref<1003520x32xf32, #tpu.memory_space<hbm>> -> memref<128x32xf32, #tpu.memory_space<hbm>>
      %dma_wait3A_798 = arith.constant 0 : i32
      %dma_wait3A_799 = arith.constant 0 : i32
      %dma_wait3A_800 = tpu.memref_slice %arg6[%dma_wait3A_789, %dma_wait3A_790, %dma_wait3A_798, %dma_wait3A_799] : memref<2x4x128x32xf32, #tpu.memory_space<vmem>> -> memref<1x1x128x32xf32, #tpu.memory_space<vmem>>
      %dma_wait3A_801 = tpu.memref_squeeze %dma_wait3A_800 : memref<1x1x128x32xf32, #tpu.memory_space<vmem>> -> memref<128x32xf32, #tpu.memory_space<vmem>>
      %dma_wait3A_802 = arith.constant 0 : i32
      %dma_wait3A_803 = arith.constant 0 : i32
      %dma_wait3A_804 = tpu.memref_slice %arg3[%dma_wait3A_802, %dma_wait3A_803] : memref<1003520x32xf32, #tpu.memory_space<hbm>> -> memref<128x32xf32, #tpu.memory_space<hbm>>
      tpu.wait_dma2 semaphore(%arg8 : memref<!tpu.dma_semaphore, #tpu.memory_space<semaphore_mem>>) src(%dma_wait3A_804 : memref<128x32xf32, #tpu.memory_space<hbm>>) dst(%dma_wait3A_801 : memref<128x32xf32, #tpu.memory_space<vmem>>)
      %dma_wait3A_805 = arith.constant 0 : i32
      %dma_wait3A_806 = arith.constant 0 : i32
      %dma_wait3A_807 = arith.constant 0 : i32
      %dma_wait3A_808 = arith.constant 0 : i32
      %dma_wait3A_809 = arith.constant 0 : i32
      %dma_wait3A_810 = arith.constant 0 : i32
      %dma_wait3A_811 = tpu.memref_slice %arg7[%dma_wait3A_805, %dma_wait3A_807, %dma_wait3A_808, %dma_wait3A_809, %dma_wait3A_810] : memref<2x4x4x8x129xf32, #tpu.memory_space<vmem>> -> memref<1x4x4x8x128xf32, #tpu.memory_space<vmem>>
      %dma_wait3A_812 = tpu.memref_squeeze %dma_wait3A_811 : memref<1x4x4x8x128xf32, #tpu.memory_space<vmem>> -> memref<4x4x8x128xf32, #tpu.memory_space<vmem>>
      %dma_wait3A_813 = arith.constant 0 : i32
      %dma_wait3A_814 = arith.constant 0 : i32
      %dma_wait3A_815 = arith.constant 0 : i32
      %dma_wait3A_816 = tpu.memref_slice %arg4[%dma_wait3A_806, %dma_wait3A_813, %mul3A_2, %dma_wait3A_814, %dma_wait3A_815] : memref<50x4x128x8x128xf32, #tpu.memory_space<hbm>> -> memref<1x4x4x8x128xf32, #tpu.memory_space<hbm>>
      %dma_wait3A_817 = tpu.memref_squeeze %dma_wait3A_816 : memref<1x4x4x8x128xf32, #tpu.memory_space<hbm>> -> memref<4x4x8x128xf32, #tpu.memory_space<hbm>>
      %dma_wait3A_818 = arith.constant 0 : i32
      %dma_wait3A_819 = arith.constant 0 : i32
      %dma_wait3A_820 = arith.constant 0 : i32
      %dma_wait3A_821 = tpu.memref_slice %arg4[%dma_wait3A_806, %dma_wait3A_818, %mul3A_2, %dma_wait3A_819, %dma_wait3A_820] : memref<50x4x128x8x128xf32, #tpu.memory_space<hbm>> -> memref<1x4x4x8x128xf32, #tpu.memory_space<hbm>>
      %dma_wait3A_822 = tpu.memref_squeeze %dma_wait3A_821 : memref<1x4x4x8x128xf32, #tpu.memory_space<hbm>> -> memref<4x4x8x128xf32, #tpu.memory_space<hbm>>
      %dma_wait3A_823 = arith.constant 0 : i32
      %dma_wait3A_824 = arith.constant 0 : i32
      %dma_wait3A_825 = arith.constant 0 : i32
      %dma_wait3A_826 = arith.constant 0 : i32
      %dma_wait3A_827 = tpu.memref_slice %arg7[%dma_wait3A_805, %dma_wait3A_823, %dma_wait3A_824, %dma_wait3A_825, %dma_wait3A_826] : memref<2x4x4x8x129xf32, #tpu.memory_space<vmem>> -> memref<1x4x4x8x128xf32, #tpu.memory_space<vmem>>
      %dma_wait3A_828 = tpu.memref_squeeze %dma_wait3A_827 : memref<1x4x4x8x128xf32, #tpu.memory_space<vmem>> -> memref<4x4x8x128xf32, #tpu.memory_space<vmem>>
      tpu.wait_dma2 semaphore(%arg10 : memref<!tpu.dma_semaphore, #tpu.memory_space<semaphore_mem>>) src(%dma_wait3A_828 : memref<4x4x8x128xf32, #tpu.memory_space<vmem>>) dst(%dma_wait3A_822 : memref<4x4x8x128xf32, #tpu.memory_space<hbm>>)
      %scan3A_829 = arith.constant 0 : i32
      %scan3A_830 = arith.constant 128 : i32
      %scan3A_831 = arith.addi %scan3A_829, %scan3A_830 : i32
      %scan3A_832 = arith.constant 1 : i32
      scf.for %scan3A_1085 = %scan3A_829 to %scan3A_831 step %scan3A_832  : i32 {
        %broadcast_in_dim3A_1086 = vector.broadcast %scan3A_1085 : i32 to vector<16xi32>
        %get3A = arith.constant 0 : i32
        %get3A_1087 = arith.constant 0 : i32
        %get3A_1088 = arith.index_cast %get3A : i32 to index
        %get3A_1089 = arith.index_cast %get3A_1087 : i32 to index
        %get3A_1090 = arith.index_cast %scan3A_1085 : i32 to index
        %get3A_1091 = arith.constant 0 : index
        %get3A_1092 = tpu.vector_load %arg6[%get3A_1088, %get3A_1089, %get3A_1090, %get3A_1091] {strides = array<i32>} : memref<2x4x128x32xf32, #tpu.memory_space<vmem>>, vector<16xf32>,
        %mul3A_1093 = arith.constant 5.65685415 : f32
        %mul3A_1094 = vector.broadcast %mul3A_1093 : f32 to vector<16xf32>
        %mul3A_1095 = arith.mulf %get3A_1092, %mul3A_1094 : vector<16xf32>
        %scatter3A = arith.constant 0 : i32
        %scatter3A_1096 = arith.constant 0 : i32
        %scatter3A_1097 = arith.constant 0 : i32
        %scatter3A_1098 = arith.constant 0 : i32
        %scatter3A_1099 = arith.constant 0 : i32
        %scatter3A_1100 = tpu.memref_slice %arg7[%scatter3A, %scatter3A_1096, %scatter3A_1097, %scatter3A_1098, %scatter3A_1099] : memref<2x4x4x8x129xf32, #tpu.memory_space<vmem>> -> memref<1x4x4x8x129xf32, #tpu.memory_space<vmem>>
        %scatter3A_1101 = tpu.memref_squeeze %scatter3A_1100 : memref<1x4x4x8x129xf32, #tpu.memory_space<vmem>> -> memref<4x4x8x129xf32, #tpu.memory_space<vmem>>
        tpu.vector_store_idx %scatter3A_1101[%add3A_26, %broadcast_in_dim3A_35, %and3A, %broadcast_in_dim3A_1086], %mul3A_1095 : memref<4x4x8x129xf32, #tpu.memory_space<vmem>>[vector<16xi32>, vector<16xi32>, vector<16xi32>, vector<16xi32>], vector<16xf32>,
        %get3A_1102 = arith.constant 0 : i32
        %get3A_1103 = arith.constant 0 : i32
        %get3A_1104 = arith.index_cast %get3A_1102 : i32 to index
        %get3A_1105 = arith.index_cast %get3A_1103 : i32 to index
        %get3A_1106 = arith.index_cast %scan3A_1085 : i32 to index
        %get3A_1107 = arith.constant 16 : index
        %get3A_1108 = tpu.vector_load %arg6[%get3A_1104, %get3A_1105, %get3A_1106, %get3A_1107] {strides = array<i32>} : memref<2x4x128x32xf32, #tpu.memory_space<vmem>>, vector<16xf32>,
        %mul3A_1109 = arith.constant 5.65685415 : f32
        %mul3A_1110 = vector.broadcast %mul3A_1109 : f32 to vector<16xf32>
        %mul3A_1111 = arith.mulf %get3A_1108, %mul3A_1110 : vector<16xf32>
        %scatter3A_1112 = arith.constant 0 : i32
        %scatter3A_1113 = arith.constant 0 : i32
        %scatter3A_1114 = arith.constant 0 : i32
        %scatter3A_1115 = arith.constant 0 : i32
        %scatter3A_1116 = arith.constant 0 : i32
        %scatter3A_1117 = tpu.memref_slice %arg7[%scatter3A_1112, %scatter3A_1113, %scatter3A_1114, %scatter3A_1115, %scatter3A_1116] : memref<2x4x4x8x129xf32, #tpu.memory_space<vmem>> -> memref<1x4x4x8x129xf32, #tpu.memory_space<vmem>>
        %scatter3A_1118 = tpu.memref_squeeze %scatter3A_1117 : memref<1x4x4x8x129xf32, #tpu.memory_space<vmem>> -> memref<4x4x8x129xf32, #tpu.memory_space<vmem>>
        tpu.vector_store_idx %scatter3A_1118[%add3A_32, %broadcast_in_dim3A_35, %and3A, %broadcast_in_dim3A_1086], %mul3A_1111 : memref<4x4x8x129xf32, #tpu.memory_space<vmem>>[vector<16xi32>, vector<16xi32>, vector<16xi32>, vector<16xi32>], vector<16xf32>,
        %get3A_1119 = arith.constant 0 : i32
        %get3A_1120 = arith.constant 1 : i32
        %get3A_1121 = arith.index_cast %get3A_1119 : i32 to index
        %get3A_1122 = arith.index_cast %get3A_1120 : i32 to index
        %get3A_1123 = arith.index_cast %scan3A_1085 : i32 to index
        %get3A_1124 = arith.constant 0 : index
        %get3A_1125 = tpu.vector_load %arg6[%get3A_1121, %get3A_1122, %get3A_1123, %get3A_1124] {strides = array<i32>} : memref<2x4x128x32xf32, #tpu.memory_space<vmem>>, vector<16xf32>,
        %mul3A_1126 = arith.constant 5.65685415 : f32
        %mul3A_1127 = vector.broadcast %mul3A_1126 : f32 to vector<16xf32>
        %mul3A_1128 = arith.mulf %get3A_1125, %mul3A_1127 : vector<16xf32>
        %scatter3A_1129 = arith.constant 0 : i32
        %scatter3A_1130 = arith.constant 0 : i32
        %scatter3A_1131 = arith.constant 0 : i32
        %scatter3A_1132 = arith.constant 0 : i32
        %scatter3A_1133 = arith.constant 0 : i32
        %scatter3A_1134 = tpu.memref_slice %arg7[%scatter3A_1129, %scatter3A_1130, %scatter3A_1131, %scatter3A_1132, %scatter3A_1133] : memref<2x4x4x8x129xf32, #tpu.memory_space<vmem>> -> memref<1x4x4x8x129xf32, #tpu.memory_space<vmem>>
        %scatter3A_1135 = tpu.memref_squeeze %scatter3A_1134 : memref<1x4x4x8x129xf32, #tpu.memory_space<vmem>> -> memref<4x4x8x129xf32, #tpu.memory_space<vmem>>
        tpu.vector_store_idx %scatter3A_1135[%add3A_26, %broadcast_in_dim3A_37, %and3A, %broadcast_in_dim3A_1086], %mul3A_1128 : memref<4x4x8x129xf32, #tpu.memory_space<vmem>>[vector<16xi32>, vector<16xi32>, vector<16xi32>, vector<16xi32>], vector<16xf32>,
        %get3A_1136 = arith.constant 0 : i32
        %get3A_1137 = arith.constant 1 : i32
        %get3A_1138 = arith.index_cast %get3A_1136 : i32 to index
        %get3A_1139 = arith.index_cast %get3A_1137 : i32 to index
        %get3A_1140 = arith.index_cast %scan3A_1085 : i32 to index
        %get3A_1141 = arith.constant 16 : index
        %get3A_1142 = tpu.vector_load %arg6[%get3A_1138, %get3A_1139, %get3A_1140, %get3A_1141] {strides = array<i32>} : memref<2x4x128x32xf32, #tpu.memory_space<vmem>>, vector<16xf32>,
        %mul3A_1143 = arith.constant 5.65685415 : f32
        %mul3A_1144 = vector.broadcast %mul3A_1143 : f32 to vector<16xf32>
        %mul3A_1145 = arith.mulf %get3A_1142, %mul3A_1144 : vector<16xf32>
        %scatter3A_1146 = arith.constant 0 : i32
        %scatter3A_1147 = arith.constant 0 : i32
        %scatter3A_1148 = arith.constant 0 : i32
        %scatter3A_1149 = arith.constant 0 : i32
        %scatter3A_1150 = arith.constant 0 : i32
        %scatter3A_1151 = tpu.memref_slice %arg7[%scatter3A_1146, %scatter3A_1147, %scatter3A_1148, %scatter3A_1149, %scatter3A_1150] : memref<2x4x4x8x129xf32, #tpu.memory_space<vmem>> -> memref<1x4x4x8x129xf32, #tpu.memory_space<vmem>>
        %scatter3A_1152 = tpu.memref_squeeze %scatter3A_1151 : memref<1x4x4x8x129xf32, #tpu.memory_space<vmem>> -> memref<4x4x8x129xf32, #tpu.memory_space<vmem>>
        tpu.vector_store_idx %scatter3A_1152[%add3A_32, %broadcast_in_dim3A_37, %and3A, %broadcast_in_dim3A_1086], %mul3A_1145 : memref<4x4x8x129xf32, #tpu.memory_space<vmem>>[vector<16xi32>, vector<16xi32>, vector<16xi32>, vector<16xi32>], vector<16xf32>,
        %get3A_1153 = arith.constant 0 : i32
        %get3A_1154 = arith.constant 2 : i32
        %get3A_1155 = arith.index_cast %get3A_1153 : i32 to index
        %get3A_1156 = arith.index_cast %get3A_1154 : i32 to index
        %get3A_1157 = arith.index_cast %scan3A_1085 : i32 to index
        %get3A_1158 = arith.constant 0 : index
        %get3A_1159 = tpu.vector_load %arg6[%get3A_1155, %get3A_1156, %get3A_1157, %get3A_1158] {strides = array<i32>} : memref<2x4x128x32xf32, #tpu.memory_space<vmem>>, vector<16xf32>,
        %mul3A_1160 = arith.constant 5.65685415 : f32
        %mul3A_1161 = vector.broadcast %mul3A_1160 : f32 to vector<16xf32>
        %mul3A_1162 = arith.mulf %get3A_1159, %mul3A_1161 : vector<16xf32>
        %scatter3A_1163 = arith.constant 0 : i32
        %scatter3A_1164 = arith.constant 0 : i32
        %scatter3A_1165 = arith.constant 0 : i32
        %scatter3A_1166 = arith.constant 0 : i32
        %scatter3A_1167 = arith.constant 0 : i32
        %scatter3A_1168 = tpu.memref_slice %arg7[%scatter3A_1163, %scatter3A_1164, %scatter3A_1165, %scatter3A_1166, %scatter3A_1167] : memref<2x4x4x8x129xf32, #tpu.memory_space<vmem>> -> memref<1x4x4x8x129xf32, #tpu.memory_space<vmem>>
        %scatter3A_1169 = tpu.memref_squeeze %scatter3A_1168 : memref<1x4x4x8x129xf32, #tpu.memory_space<vmem>> -> memref<4x4x8x129xf32, #tpu.memory_space<vmem>>
        tpu.vector_store_idx %scatter3A_1169[%add3A_26, %broadcast_in_dim3A_39, %and3A, %broadcast_in_dim3A_1086], %mul3A_1162 : memref<4x4x8x129xf32, #tpu.memory_space<vmem>>[vector<16xi32>, vector<16xi32>, vector<16xi32>, vector<16xi32>], vector<16xf32>,
        %get3A_1170 = arith.constant 0 : i32
        %get3A_1171 = arith.constant 2 : i32
        %get3A_1172 = arith.index_cast %get3A_1170 : i32 to index
        %get3A_1173 = arith.index_cast %get3A_1171 : i32 to index
        %get3A_1174 = arith.index_cast %scan3A_1085 : i32 to index
        %get3A_1175 = arith.constant 16 : index
        %get3A_1176 = tpu.vector_load %arg6[%get3A_1172, %get3A_1173, %get3A_1174, %get3A_1175] {strides = array<i32>} : memref<2x4x128x32xf32, #tpu.memory_space<vmem>>, vector<16xf32>,
        %mul3A_1177 = arith.constant 5.65685415 : f32
        %mul3A_1178 = vector.broadcast %mul3A_1177 : f32 to vector<16xf32>
        %mul3A_1179 = arith.mulf %get3A_1176, %mul3A_1178 : vector<16xf32>
        %scatter3A_1180 = arith.constant 0 : i32
        %scatter3A_1181 = arith.constant 0 : i32
        %scatter3A_1182 = arith.constant 0 : i32
        %scatter3A_1183 = arith.constant 0 : i32
        %scatter3A_1184 = arith.constant 0 : i32
        %scatter3A_1185 = tpu.memref_slice %arg7[%scatter3A_1180, %scatter3A_1181, %scatter3A_1182, %scatter3A_1183, %scatter3A_1184] : memref<2x4x4x8x129xf32, #tpu.memory_space<vmem>> -> memref<1x4x4x8x129xf32, #tpu.memory_space<vmem>>
        %scatter3A_1186 = tpu.memref_squeeze %scatter3A_1185 : memref<1x4x4x8x129xf32, #tpu.memory_space<vmem>> -> memref<4x4x8x129xf32, #tpu.memory_space<vmem>>
        tpu.vector_store_idx %scatter3A_1186[%add3A_32, %broadcast_in_dim3A_39, %and3A, %broadcast_in_dim3A_1086], %mul3A_1179 : memref<4x4x8x129xf32, #tpu.memory_space<vmem>>[vector<16xi32>, vector<16xi32>, vector<16xi32>, vector<16xi32>], vector<16xf32>,
        %get3A_1187 = arith.constant 0 : i32
        %get3A_1188 = arith.constant 3 : i32
        %get3A_1189 = arith.index_cast %get3A_1187 : i32 to index
        %get3A_1190 = arith.index_cast %get3A_1188 : i32 to index
        %get3A_1191 = arith.index_cast %scan3A_1085 : i32 to index
        %get3A_1192 = arith.constant 0 : index
        %get3A_1193 = tpu.vector_load %arg6[%get3A_1189, %get3A_1190, %get3A_1191, %get3A_1192] {strides = array<i32>} : memref<2x4x128x32xf32, #tpu.memory_space<vmem>>, vector<16xf32>,
        %mul3A_1194 = arith.constant 5.65685415 : f32
        %mul3A_1195 = vector.broadcast %mul3A_1194 : f32 to vector<16xf32>
        %mul3A_1196 = arith.mulf %get3A_1193, %mul3A_1195 : vector<16xf32>
        %scatter3A_1197 = arith.constant 0 : i32
        %scatter3A_1198 = arith.constant 0 : i32
        %scatter3A_1199 = arith.constant 0 : i32
        %scatter3A_1200 = arith.constant 0 : i32
        %scatter3A_1201 = arith.constant 0 : i32
        %scatter3A_1202 = tpu.memref_slice %arg7[%scatter3A_1197, %scatter3A_1198, %scatter3A_1199, %scatter3A_1200, %scatter3A_1201] : memref<2x4x4x8x129xf32, #tpu.memory_space<vmem>> -> memref<1x4x4x8x129xf32, #tpu.memory_space<vmem>>
        %scatter3A_1203 = tpu.memref_squeeze %scatter3A_1202 : memref<1x4x4x8x129xf32, #tpu.memory_space<vmem>> -> memref<4x4x8x129xf32, #tpu.memory_space<vmem>>
        tpu.vector_store_idx %scatter3A_1203[%add3A_26, %broadcast_in_dim3A_41, %and3A, %broadcast_in_dim3A_1086], %mul3A_1196 : memref<4x4x8x129xf32, #tpu.memory_space<vmem>>[vector<16xi32>, vector<16xi32>, vector<16xi32>, vector<16xi32>], vector<16xf32>,
        %get3A_1204 = arith.constant 0 : i32
        %get3A_1205 = arith.constant 3 : i32
        %get3A_1206 = arith.index_cast %get3A_1204 : i32 to index
        %get3A_1207 = arith.index_cast %get3A_1205 : i32 to index
        %get3A_1208 = arith.index_cast %scan3A_1085 : i32 to index
        %get3A_1209 = arith.constant 16 : index
        %get3A_1210 = tpu.vector_load %arg6[%get3A_1206, %get3A_1207, %get3A_1208, %get3A_1209] {strides = array<i32>} : memref<2x4x128x32xf32, #tpu.memory_space<vmem>>, vector<16xf32>,
        %mul3A_1211 = arith.constant 5.65685415 : f32
        %mul3A_1212 = vector.broadcast %mul3A_1211 : f32 to vector<16xf32>
        %mul3A_1213 = arith.mulf %get3A_1210, %mul3A_1212 : vector<16xf32>
        %scatter3A_1214 = arith.constant 0 : i32
        %scatter3A_1215 = arith.constant 0 : i32
        %scatter3A_1216 = arith.constant 0 : i32
        %scatter3A_1217 = arith.constant 0 : i32
        %scatter3A_1218 = arith.constant 0 : i32
        %scatter3A_1219 = tpu.memref_slice %arg7[%scatter3A_1214, %scatter3A_1215, %scatter3A_1216, %scatter3A_1217, %scatter3A_1218] : memref<2x4x4x8x129xf32, #tpu.memory_space<vmem>> -> memref<1x4x4x8x129xf32, #tpu.memory_space<vmem>>
        %scatter3A_1220 = tpu.memref_squeeze %scatter3A_1219 : memref<1x4x4x8x129xf32, #tpu.memory_space<vmem>> -> memref<4x4x8x129xf32, #tpu.memory_space<vmem>>
        tpu.vector_store_idx %scatter3A_1220[%add3A_32, %broadcast_in_dim3A_41, %and3A, %broadcast_in_dim3A_1086], %mul3A_1213 : memref<4x4x8x129xf32, #tpu.memory_space<vmem>>[vector<16xi32>, vector<16xi32>, vector<16xi32>, vector<16xi32>], vector<16xf32>,
      }
      %scan3A_833 = arith.constant 128 : i32
      %dma_start3A_834 = arith.constant 0 : i32
      %dma_start3A_835 = arith.constant 0 : i32
      %dma_start3A_836 = arith.constant 0 : i32
      %dma_start3A_837 = arith.constant 0 : i32
      %dma_start3A_838 = arith.constant 0 : i32
      %dma_start3A_839 = tpu.memref_slice %arg7[%dma_start3A_834, %dma_start3A_835, %dma_start3A_836, %dma_start3A_837, %dma_start3A_838] : memref<2x4x4x8x129xf32, #tpu.memory_space<vmem>> -> memref<1x4x4x8x128xf32, #tpu.memory_space<vmem>>
      %dma_start3A_840 = tpu.memref_squeeze %dma_start3A_839 : memref<1x4x4x8x128xf32, #tpu.memory_space<vmem>> -> memref<4x4x8x128xf32, #tpu.memory_space<vmem>>
      %dma_start3A_841 = arith.constant 0 : i32
      %dma_start3A_842 = arith.constant 0 : i32
      %dma_start3A_843 = arith.constant 0 : i32
      %dma_start3A_844 = tpu.memref_slice %arg4[%add3A_740, %dma_start3A_841, %mul3A_2, %dma_start3A_842, %dma_start3A_843] : memref<50x4x128x8x128xf32, #tpu.memory_space<hbm>> -> memref<1x4x4x8x128xf32, #tpu.memory_space<hbm>>
      %dma_start3A_845 = tpu.memref_squeeze %dma_start3A_844 : memref<1x4x4x8x128xf32, #tpu.memory_space<hbm>> -> memref<4x4x8x128xf32, #tpu.memory_space<hbm>>
      %dma_start3A_846 = arith.constant 0 : i32
      %dma_start3A_847 = arith.constant 0 : i32
      %dma_start3A_848 = arith.constant 0 : i32
      %dma_start3A_849 = tpu.memref_slice %arg4[%add3A_740, %dma_start3A_846, %mul3A_2, %dma_start3A_847, %dma_start3A_848] : memref<50x4x128x8x128xf32, #tpu.memory_space<hbm>> -> memref<1x4x4x8x128xf32, #tpu.memory_space<hbm>>
      %dma_start3A_850 = tpu.memref_squeeze %dma_start3A_849 : memref<1x4x4x8x128xf32, #tpu.memory_space<hbm>> -> memref<4x4x8x128xf32, #tpu.memory_space<hbm>>
      %dma_start3A_851 = arith.constant 0 : i32
      %dma_start3A_852 = arith.constant 0 : i32
      %dma_start3A_853 = arith.constant 0 : i32
      %dma_start3A_854 = arith.constant 0 : i32
      %dma_start3A_855 = tpu.memref_slice %arg7[%dma_start3A_834, %dma_start3A_851, %dma_start3A_852, %dma_start3A_853, %dma_start3A_854] : memref<2x4x4x8x129xf32, #tpu.memory_space<vmem>> -> memref<1x4x4x8x128xf32, #tpu.memory_space<vmem>>
      %dma_start3A_856 = tpu.memref_squeeze %dma_start3A_855 : memref<1x4x4x8x128xf32, #tpu.memory_space<vmem>> -> memref<4x4x8x128xf32, #tpu.memory_space<vmem>>
      tpu.enqueue_dma source(%dma_start3A_856 : memref<4x4x8x128xf32, #tpu.memory_space<vmem>>) target(%dma_start3A_850 : memref<4x4x8x128xf32, #tpu.memory_space<hbm>>) target_semaphore(%arg10 : memref<!tpu.dma_semaphore, #tpu.memory_space<semaphore_mem>>)
      %add3A_857 = arith.constant 2 : i32
      %add3A_858 = arith.addi %add3A_740, %add3A_857 : i32
      %dma_start3A_859 = arith.constant 0 : i32
      %dma_start3A_860 = arith.constant 0 : i32
      %dma_start3A_861 = arith.constant 0 : i32
      %dma_start3A_862 = arith.constant 0 : i32
      %dma_start3A_863 = arith.constant 0 : i32
      %dma_start3A_864 = tpu.memref_slice %arg6[%dma_start3A_860, %dma_start3A_861, %dma_start3A_862, %dma_start3A_863] : memref<2x4x128x32xf32, #tpu.memory_space<vmem>> -> memref<1x1x128x32xf32, #tpu.memory_space<vmem>>
      %dma_start3A_865 = tpu.memref_squeeze %dma_start3A_864 : memref<1x1x128x32xf32, #tpu.memory_space<vmem>> -> memref<128x32xf32, #tpu.memory_space<vmem>>
      %dma_start3A_866 = arith.constant 0 : i32
      %dma_start3A_867 = tpu.memref_slice %arg5[%add3A_858, %dma_start3A_859, %dma_start3A_866] : memref<50x4x128xi32, #tpu.memory_space<vmem>> -> memref<1x1x128xi32, #tpu.memory_space<vmem>>
      %dma_start3A_868 = tpu.memref_squeeze %dma_start3A_867 : memref<1x1x128xi32, #tpu.memory_space<vmem>> -> memref<128xi32, #tpu.memory_space<vmem>>
      %dma_start3A_869 = arith.constant 0 : i32
      %dma_start3A_870 = arith.constant 0 : i32
      %dma_start3A_871 = tpu.memref_slice %arg3[%dma_start3A_869, %dma_start3A_870] : memref<1003520x32xf32, #tpu.memory_space<hbm>> -> memref<1003520x32xf32, #tpu.memory_space<hbm>>
      tpu.enqueue_indirect_dma source(%dma_start3A_871 : memref<1003520x32xf32, #tpu.memory_space<hbm>>) target(%dma_start3A_865 : memref<128x32xf32, #tpu.memory_space<vmem>>) offsets(%dma_start3A_868 : memref<128xi32, #tpu.memory_space<vmem>>) semaphore(%arg8 : memref<!tpu.dma_semaphore, #tpu.memory_space<semaphore_mem>>)
      %dma_start3A_872 = arith.constant 1 : i32
      %dma_start3A_873 = arith.constant 0 : i32
      %dma_start3A_874 = arith.constant 1 : i32
      %dma_start3A_875 = arith.constant 0 : i32
      %dma_start3A_876 = arith.constant 0 : i32
      %dma_start3A_877 = tpu.memref_slice %arg6[%dma_start3A_873, %dma_start3A_874, %dma_start3A_875, %dma_start3A_876] : memref<2x4x128x32xf32, #tpu.memory_space<vmem>> -> memref<1x1x128x32xf32, #tpu.memory_space<vmem>>
      %dma_start3A_878 = tpu.memref_squeeze %dma_start3A_877 : memref<1x1x128x32xf32, #tpu.memory_space<vmem>> -> memref<128x32xf32, #tpu.memory_space<vmem>>
      %dma_start3A_879 = arith.constant 0 : i32
      %dma_start3A_880 = tpu.memref_slice %arg5[%add3A_858, %dma_start3A_872, %dma_start3A_879] : memref<50x4x128xi32, #tpu.memory_space<vmem>> -> memref<1x1x128xi32, #tpu.memory_space<vmem>>
      %dma_start3A_881 = tpu.memref_squeeze %dma_start3A_880 : memref<1x1x128xi32, #tpu.memory_space<vmem>> -> memref<128xi32, #tpu.memory_space<vmem>>
      %dma_start3A_882 = arith.constant 0 : i32
      %dma_start3A_883 = arith.constant 0 : i32
      %dma_start3A_884 = tpu.memref_slice %arg3[%dma_start3A_882, %dma_start3A_883] : memref<1003520x32xf32, #tpu.memory_space<hbm>> -> memref<1003520x32xf32, #tpu.memory_space<hbm>>
      tpu.enqueue_indirect_dma source(%dma_start3A_884 : memref<1003520x32xf32, #tpu.memory_space<hbm>>) target(%dma_start3A_878 : memref<128x32xf32, #tpu.memory_space<vmem>>) offsets(%dma_start3A_881 : memref<128xi32, #tpu.memory_space<vmem>>) semaphore(%arg8 : memref<!tpu.dma_semaphore, #tpu.memory_space<semaphore_mem>>)
      %dma_start3A_885 = arith.constant 2 : i32
      %dma_start3A_886 = arith.constant 0 : i32
      %dma_start3A_887 = arith.constant 2 : i32
      %dma_start3A_888 = arith.constant 0 : i32
      %dma_start3A_889 = arith.constant 0 : i32
      %dma_start3A_890 = tpu.memref_slice %arg6[%dma_start3A_886, %dma_start3A_887, %dma_start3A_888, %dma_start3A_889] : memref<2x4x128x32xf32, #tpu.memory_space<vmem>> -> memref<1x1x128x32xf32, #tpu.memory_space<vmem>>
      %dma_start3A_891 = tpu.memref_squeeze %dma_start3A_890 : memref<1x1x128x32xf32, #tpu.memory_space<vmem>> -> memref<128x32xf32, #tpu.memory_space<vmem>>
      %dma_start3A_892 = arith.constant 0 : i32
      %dma_start3A_893 = tpu.memref_slice %arg5[%add3A_858, %dma_start3A_885, %dma_start3A_892] : memref<50x4x128xi32, #tpu.memory_space<vmem>> -> memref<1x1x128xi32, #tpu.memory_space<vmem>>
      %dma_start3A_894 = tpu.memref_squeeze %dma_start3A_893 : memref<1x1x128xi32, #tpu.memory_space<vmem>> -> memref<128xi32, #tpu.memory_space<vmem>>
      %dma_start3A_895 = arith.constant 0 : i32
      %dma_start3A_896 = arith.constant 0 : i32
      %dma_start3A_897 = tpu.memref_slice %arg3[%dma_start3A_895, %dma_start3A_896] : memref<1003520x32xf32, #tpu.memory_space<hbm>> -> memref<1003520x32xf32, #tpu.memory_space<hbm>>
      tpu.enqueue_indirect_dma source(%dma_start3A_897 : memref<1003520x32xf32, #tpu.memory_space<hbm>>) target(%dma_start3A_891 : memref<128x32xf32, #tpu.memory_space<vmem>>) offsets(%dma_start3A_894 : memref<128xi32, #tpu.memory_space<vmem>>) semaphore(%arg8 : memref<!tpu.dma_semaphore, #tpu.memory_space<semaphore_mem>>)
      %dma_start3A_898 = arith.constant 3 : i32
      %dma_start3A_899 = arith.constant 0 : i32
      %dma_start3A_900 = arith.constant 3 : i32
      %dma_start3A_901 = arith.constant 0 : i32
      %dma_start3A_902 = arith.constant 0 : i32
      %dma_start3A_903 = tpu.memref_slice %arg6[%dma_start3A_899, %dma_start3A_900, %dma_start3A_901, %dma_start3A_902] : memref<2x4x128x32xf32, #tpu.memory_space<vmem>> -> memref<1x1x128x32xf32, #tpu.memory_space<vmem>>
      %dma_start3A_904 = tpu.memref_squeeze %dma_start3A_903 : memref<1x1x128x32xf32, #tpu.memory_space<vmem>> -> memref<128x32xf32, #tpu.memory_space<vmem>>
      %dma_start3A_905 = arith.constant 0 : i32
      %dma_start3A_906 = tpu.memref_slice %arg5[%add3A_858, %dma_start3A_898, %dma_start3A_905] : memref<50x4x128xi32, #tpu.memory_space<vmem>> -> memref<1x1x128xi32, #tpu.memory_space<vmem>>
      %dma_start3A_907 = tpu.memref_squeeze %dma_start3A_906 : memref<1x1x128xi32, #tpu.memory_space<vmem>> -> memref<128xi32, #tpu.memory_space<vmem>>
      %dma_start3A_908 = arith.constant 0 : i32
      %dma_start3A_909 = arith.constant 0 : i32
      %dma_start3A_910 = tpu.memref_slice %arg3[%dma_start3A_908, %dma_start3A_909] : memref<1003520x32xf32, #tpu.memory_space<hbm>> -> memref<1003520x32xf32, #tpu.memory_space<hbm>>
      tpu.enqueue_indirect_dma source(%dma_start3A_910 : memref<1003520x32xf32, #tpu.memory_space<hbm>>) target(%dma_start3A_904 : memref<128x32xf32, #tpu.memory_space<vmem>>) offsets(%dma_start3A_907 : memref<128xi32, #tpu.memory_space<vmem>>) semaphore(%arg8 : memref<!tpu.dma_semaphore, #tpu.memory_space<semaphore_mem>>)
      %mul3A_911 = arith.constant 2 : i32
      %mul3A_912 = arith.muli %mul3A_911, %scan3A_736 : i32
      %add3A_913 = arith.constant 1 : i32
      %add3A_914 = arith.addi %mul3A_912, %add3A_913 : i32
      %dma_wait3A_915 = arith.constant 1 : i32
      %dma_wait3A_916 = arith.constant 0 : i32
      %dma_wait3A_917 = arith.constant 0 : i32
      %dma_wait3A_918 = arith.constant 0 : i32
      %dma_wait3A_919 = tpu.memref_slice %arg6[%dma_wait3A_915, %dma_wait3A_916, %dma_wait3A_917, %dma_wait3A_918] : memref<2x4x128x32xf32, #tpu.memory_space<vmem>> -> memref<1x1x128x32xf32, #tpu.memory_space<vmem>>
      %dma_wait3A_920 = tpu.memref_squeeze %dma_wait3A_919 : memref<1x1x128x32xf32, #tpu.memory_space<vmem>> -> memref<128x32xf32, #tpu.memory_space<vmem>>
      %dma_wait3A_921 = arith.constant 0 : i32
      %dma_wait3A_922 = arith.constant 0 : i32
      %dma_wait3A_923 = tpu.memref_slice %arg3[%dma_wait3A_921, %dma_wait3A_922] : memref<1003520x32xf32, #tpu.memory_space<hbm>> -> memref<128x32xf32, #tpu.memory_space<hbm>>
      %dma_wait3A_924 = arith.constant 0 : i32
      %dma_wait3A_925 = arith.constant 0 : i32
      %dma_wait3A_926 = tpu.memref_slice %arg6[%dma_wait3A_915, %dma_wait3A_916, %dma_wait3A_924, %dma_wait3A_925] : memref<2x4x128x32xf32, #tpu.memory_space<vmem>> -> memref<1x1x128x32xf32, #tpu.memory_space<vmem>>
      %dma_wait3A_927 = tpu.memref_squeeze %dma_wait3A_926 : memref<1x1x128x32xf32, #tpu.memory_space<vmem>> -> memref<128x32xf32, #tpu.memory_space<vmem>>
      %dma_wait3A_928 = arith.constant 0 : i32
      %dma_wait3A_929 = arith.constant 0 : i32
      %dma_wait3A_930 = tpu.memref_slice %arg3[%dma_wait3A_928, %dma_wait3A_929] : memref<1003520x32xf32, #tpu.memory_space<hbm>> -> memref<128x32xf32, #tpu.memory_space<hbm>>
      tpu.wait_dma2 semaphore(%arg9 : memref<!tpu.dma_semaphore, #tpu.memory_space<semaphore_mem>>) src(%dma_wait3A_930 : memref<128x32xf32, #tpu.memory_space<hbm>>) dst(%dma_wait3A_927 : memref<128x32xf32, #tpu.memory_space<vmem>>)
      %dma_wait3A_931 = arith.constant 1 : i32
      %dma_wait3A_932 = arith.constant 1 : i32
      %dma_wait3A_933 = arith.constant 0 : i32
      %dma_wait3A_934 = arith.constant 0 : i32
      %dma_wait3A_935 = tpu.memref_slice %arg6[%dma_wait3A_931, %dma_wait3A_932, %dma_wait3A_933, %dma_wait3A_934] : memref<2x4x128x32xf32, #tpu.memory_space<vmem>> -> memref<1x1x128x32xf32, #tpu.memory_space<vmem>>
      %dma_wait3A_936 = tpu.memref_squeeze %dma_wait3A_935 : memref<1x1x128x32xf32, #tpu.memory_space<vmem>> -> memref<128x32xf32, #tpu.memory_space<vmem>>
      %dma_wait3A_937 = arith.constant 0 : i32
      %dma_wait3A_938 = arith.constant 0 : i32
      %dma_wait3A_939 = tpu.memref_slice %arg3[%dma_wait3A_937, %dma_wait3A_938] : memref<1003520x32xf32, #tpu.memory_space<hbm>> -> memref<128x32xf32, #tpu.memory_space<hbm>>
      %dma_wait3A_940 = arith.constant 0 : i32
      %dma_wait3A_941 = arith.constant 0 : i32
      %dma_wait3A_942 = tpu.memref_slice %arg6[%dma_wait3A_931, %dma_wait3A_932, %dma_wait3A_940, %dma_wait3A_941] : memref<2x4x128x32xf32, #tpu.memory_space<vmem>> -> memref<1x1x128x32xf32, #tpu.memory_space<vmem>>
      %dma_wait3A_943 = tpu.memref_squeeze %dma_wait3A_942 : memref<1x1x128x32xf32, #tpu.memory_space<vmem>> -> memref<128x32xf32, #tpu.memory_space<vmem>>
      %dma_wait3A_944 = arith.constant 0 : i32
      %dma_wait3A_945 = arith.constant 0 : i32
      %dma_wait3A_946 = tpu.memref_slice %arg3[%dma_wait3A_944, %dma_wait3A_945] : memref<1003520x32xf32, #tpu.memory_space<hbm>> -> memref<128x32xf32, #tpu.memory_space<hbm>>
      tpu.wait_dma2 semaphore(%arg9 : memref<!tpu.dma_semaphore, #tpu.memory_space<semaphore_mem>>) src(%dma_wait3A_946 : memref<128x32xf32, #tpu.memory_space<hbm>>) dst(%dma_wait3A_943 : memref<128x32xf32, #tpu.memory_space<vmem>>)
      %dma_wait3A_947 = arith.constant 1 : i32
      %dma_wait3A_948 = arith.constant 2 : i32
      %dma_wait3A_949 = arith.constant 0 : i32
      %dma_wait3A_950 = arith.constant 0 : i32
      %dma_wait3A_951 = tpu.memref_slice %arg6[%dma_wait3A_947, %dma_wait3A_948, %dma_wait3A_949, %dma_wait3A_950] : memref<2x4x128x32xf32, #tpu.memory_space<vmem>> -> memref<1x1x128x32xf32, #tpu.memory_space<vmem>>
      %dma_wait3A_952 = tpu.memref_squeeze %dma_wait3A_951 : memref<1x1x128x32xf32, #tpu.memory_space<vmem>> -> memref<128x32xf32, #tpu.memory_space<vmem>>
      %dma_wait3A_953 = arith.constant 0 : i32
      %dma_wait3A_954 = arith.constant 0 : i32
      %dma_wait3A_955 = tpu.memref_slice %arg3[%dma_wait3A_953, %dma_wait3A_954] : memref<1003520x32xf32, #tpu.memory_space<hbm>> -> memref<128x32xf32, #tpu.memory_space<hbm>>
      %dma_wait3A_956 = arith.constant 0 : i32
      %dma_wait3A_957 = arith.constant 0 : i32
      %dma_wait3A_958 = tpu.memref_slice %arg6[%dma_wait3A_947, %dma_wait3A_948, %dma_wait3A_956, %dma_wait3A_957] : memref<2x4x128x32xf32, #tpu.memory_space<vmem>> -> memref<1x1x128x32xf32, #tpu.memory_space<vmem>>
      %dma_wait3A_959 = tpu.memref_squeeze %dma_wait3A_958 : memref<1x1x128x32xf32, #tpu.memory_space<vmem>> -> memref<128x32xf32, #tpu.memory_space<vmem>>
      %dma_wait3A_960 = arith.constant 0 : i32
      %dma_wait3A_961 = arith.constant 0 : i32
      %dma_wait3A_962 = tpu.memref_slice %arg3[%dma_wait3A_960, %dma_wait3A_961] : memref<1003520x32xf32, #tpu.memory_space<hbm>> -> memref<128x32xf32, #tpu.memory_space<hbm>>
      tpu.wait_dma2 semaphore(%arg9 : memref<!tpu.dma_semaphore, #tpu.memory_space<semaphore_mem>>) src(%dma_wait3A_962 : memref<128x32xf32, #tpu.memory_space<hbm>>) dst(%dma_wait3A_959 : memref<128x32xf32, #tpu.memory_space<vmem>>)
      %dma_wait3A_963 = arith.constant 1 : i32
      %dma_wait3A_964 = arith.constant 3 : i32
      %dma_wait3A_965 = arith.constant 0 : i32
      %dma_wait3A_966 = arith.constant 0 : i32
      %dma_wait3A_967 = tpu.memref_slice %arg6[%dma_wait3A_963, %dma_wait3A_964, %dma_wait3A_965, %dma_wait3A_966] : memref<2x4x128x32xf32, #tpu.memory_space<vmem>> -> memref<1x1x128x32xf32, #tpu.memory_space<vmem>>
      %dma_wait3A_968 = tpu.memref_squeeze %dma_wait3A_967 : memref<1x1x128x32xf32, #tpu.memory_space<vmem>> -> memref<128x32xf32, #tpu.memory_space<vmem>>
      %dma_wait3A_969 = arith.constant 0 : i32
      %dma_wait3A_970 = arith.constant 0 : i32
      %dma_wait3A_971 = tpu.memref_slice %arg3[%dma_wait3A_969, %dma_wait3A_970] : memref<1003520x32xf32, #tpu.memory_space<hbm>> -> memref<128x32xf32, #tpu.memory_space<hbm>>
      %dma_wait3A_972 = arith.constant 0 : i32
      %dma_wait3A_973 = arith.constant 0 : i32
      %dma_wait3A_974 = tpu.memref_slice %arg6[%dma_wait3A_963, %dma_wait3A_964, %dma_wait3A_972, %dma_wait3A_973] : memref<2x4x128x32xf32, #tpu.memory_space<vmem>> -> memref<1x1x128x32xf32, #tpu.memory_space<vmem>>
      %dma_wait3A_975 = tpu.memref_squeeze %dma_wait3A_974 : memref<1x1x128x32xf32, #tpu.memory_space<vmem>> -> memref<128x32xf32, #tpu.memory_space<vmem>>
      %dma_wait3A_976 = arith.constant 0 : i32
      %dma_wait3A_977 = arith.constant 0 : i32
      %dma_wait3A_978 = tpu.memref_slice %arg3[%dma_wait3A_976, %dma_wait3A_977] : memref<1003520x32xf32, #tpu.memory_space<hbm>> -> memref<128x32xf32, #tpu.memory_space<hbm>>
      tpu.wait_dma2 semaphore(%arg9 : memref<!tpu.dma_semaphore, #tpu.memory_space<semaphore_mem>>) src(%dma_wait3A_978 : memref<128x32xf32, #tpu.memory_space<hbm>>) dst(%dma_wait3A_975 : memref<128x32xf32, #tpu.memory_space<vmem>>)
      %dma_wait3A_979 = arith.constant 1 : i32
      %dma_wait3A_980 = arith.constant 0 : i32
      %dma_wait3A_981 = arith.constant 0 : i32
      %dma_wait3A_982 = arith.constant 0 : i32
      %dma_wait3A_983 = arith.constant 0 : i32
      %dma_wait3A_984 = arith.constant 0 : i32
      %dma_wait3A_985 = tpu.memref_slice %arg7[%dma_wait3A_979, %dma_wait3A_981, %dma_wait3A_982, %dma_wait3A_983, %dma_wait3A_984] : memref<2x4x4x8x129xf32, #tpu.memory_space<vmem>> -> memref<1x4x4x8x128xf32, #tpu.memory_space<vmem>>
      %dma_wait3A_986 = tpu.memref_squeeze %dma_wait3A_985 : memref<1x4x4x8x128xf32, #tpu.memory_space<vmem>> -> memref<4x4x8x128xf32, #tpu.memory_space<vmem>>
      %dma_wait3A_987 = arith.constant 0 : i32
      %dma_wait3A_988 = arith.constant 0 : i32
      %dma_wait3A_989 = arith.constant 0 : i32
      %dma_wait3A_990 = tpu.memref_slice %arg4[%dma_wait3A_980, %dma_wait3A_987, %mul3A_2, %dma_wait3A_988, %dma_wait3A_989] : memref<50x4x128x8x128xf32, #tpu.memory_space<hbm>> -> memref<1x4x4x8x128xf32, #tpu.memory_space<hbm>>
      %dma_wait3A_991 = tpu.memref_squeeze %dma_wait3A_990 : memref<1x4x4x8x128xf32, #tpu.memory_space<hbm>> -> memref<4x4x8x128xf32, #tpu.memory_space<hbm>>
      %dma_wait3A_992 = arith.constant 0 : i32
      %dma_wait3A_993 = arith.constant 0 : i32
      %dma_wait3A_994 = arith.constant 0 : i32
      %dma_wait3A_995 = tpu.memref_slice %arg4[%dma_wait3A_980, %dma_wait3A_992, %mul3A_2, %dma_wait3A_993, %dma_wait3A_994] : memref<50x4x128x8x128xf32, #tpu.memory_space<hbm>> -> memref<1x4x4x8x128xf32, #tpu.memory_space<hbm>>
      %dma_wait3A_996 = tpu.memref_squeeze %dma_wait3A_995 : memref<1x4x4x8x128xf32, #tpu.memory_space<hbm>> -> memref<4x4x8x128xf32, #tpu.memory_space<hbm>>
      %dma_wait3A_997 = arith.constant 0 : i32
      %dma_wait3A_998 = arith.constant 0 : i32
      %dma_wait3A_999 = arith.constant 0 : i32
      %dma_wait3A_1000 = arith.constant 0 : i32
      %dma_wait3A_1001 = tpu.memref_slice %arg7[%dma_wait3A_979, %dma_wait3A_997, %dma_wait3A_998, %dma_wait3A_999, %dma_wait3A_1000] : memref<2x4x4x8x129xf32, #tpu.memory_space<vmem>> -> memref<1x4x4x8x128xf32, #tpu.memory_space<vmem>>
      %dma_wait3A_1002 = tpu.memref_squeeze %dma_wait3A_1001 : memref<1x4x4x8x128xf32, #tpu.memory_space<vmem>> -> memref<4x4x8x128xf32, #tpu.memory_space<vmem>>
      tpu.wait_dma2 semaphore(%arg11 : memref<!tpu.dma_semaphore, #tpu.memory_space<semaphore_mem>>) src(%dma_wait3A_1002 : memref<4x4x8x128xf32, #tpu.memory_space<vmem>>) dst(%dma_wait3A_996 : memref<4x4x8x128xf32, #tpu.memory_space<hbm>>)
      %scan3A_1003 = arith.constant 0 : i32
      %scan3A_1004 = arith.constant 128 : i32
      %scan3A_1005 = arith.addi %scan3A_1003, %scan3A_1004 : i32
      %scan3A_1006 = arith.constant 1 : i32
      scf.for %scan3A_1085 = %scan3A_1003 to %scan3A_1005 step %scan3A_1006  : i32 {
        %broadcast_in_dim3A_1086 = vector.broadcast %scan3A_1085 : i32 to vector<16xi32>
        %get3A = arith.constant 1 : i32
        %get3A_1087 = arith.constant 0 : i32
        %get3A_1088 = arith.index_cast %get3A : i32 to index
        %get3A_1089 = arith.index_cast %get3A_1087 : i32 to index
        %get3A_1090 = arith.index_cast %scan3A_1085 : i32 to index
        %get3A_1091 = arith.constant 0 : index
        %get3A_1092 = tpu.vector_load %arg6[%get3A_1088, %get3A_1089, %get3A_1090, %get3A_1091] {strides = array<i32>} : memref<2x4x128x32xf32, #tpu.memory_space<vmem>>, vector<16xf32>,
        %mul3A_1093 = arith.constant 5.65685415 : f32
        %mul3A_1094 = vector.broadcast %mul3A_1093 : f32 to vector<16xf32>
        %mul3A_1095 = arith.mulf %get3A_1092, %mul3A_1094 : vector<16xf32>
        %scatter3A = arith.constant 1 : i32
        %scatter3A_1096 = arith.constant 0 : i32
        %scatter3A_1097 = arith.constant 0 : i32
        %scatter3A_1098 = arith.constant 0 : i32
        %scatter3A_1099 = arith.constant 0 : i32
        %scatter3A_1100 = tpu.memref_slice %arg7[%scatter3A, %scatter3A_1096, %scatter3A_1097, %scatter3A_1098, %scatter3A_1099] : memref<2x4x4x8x129xf32, #tpu.memory_space<vmem>> -> memref<1x4x4x8x129xf32, #tpu.memory_space<vmem>>
        %scatter3A_1101 = tpu.memref_squeeze %scatter3A_1100 : memref<1x4x4x8x129xf32, #tpu.memory_space<vmem>> -> memref<4x4x8x129xf32, #tpu.memory_space<vmem>>
        tpu.vector_store_idx %scatter3A_1101[%add3A_26, %broadcast_in_dim3A_35, %and3A, %broadcast_in_dim3A_1086], %mul3A_1095 : memref<4x4x8x129xf32, #tpu.memory_space<vmem>>[vector<16xi32>, vector<16xi32>, vector<16xi32>, vector<16xi32>], vector<16xf32>,
        %get3A_1102 = arith.constant 1 : i32
        %get3A_1103 = arith.constant 0 : i32
        %get3A_1104 = arith.index_cast %get3A_1102 : i32 to index
        %get3A_1105 = arith.index_cast %get3A_1103 : i32 to index
        %get3A_1106 = arith.index_cast %scan3A_1085 : i32 to index
        %get3A_1107 = arith.constant 16 : index
        %get3A_1108 = tpu.vector_load %arg6[%get3A_1104, %get3A_1105, %get3A_1106, %get3A_1107] {strides = array<i32>} : memref<2x4x128x32xf32, #tpu.memory_space<vmem>>, vector<16xf32>,
        %mul3A_1109 = arith.constant 5.65685415 : f32
        %mul3A_1110 = vector.broadcast %mul3A_1109 : f32 to vector<16xf32>
        %mul3A_1111 = arith.mulf %get3A_1108, %mul3A_1110 : vector<16xf32>
        %scatter3A_1112 = arith.constant 1 : i32
        %scatter3A_1113 = arith.constant 0 : i32
        %scatter3A_1114 = arith.constant 0 : i32
        %scatter3A_1115 = arith.constant 0 : i32
        %scatter3A_1116 = arith.constant 0 : i32
        %scatter3A_1117 = tpu.memref_slice %arg7[%scatter3A_1112, %scatter3A_1113, %scatter3A_1114, %scatter3A_1115, %scatter3A_1116] : memref<2x4x4x8x129xf32, #tpu.memory_space<vmem>> -> memref<1x4x4x8x129xf32, #tpu.memory_space<vmem>>
        %scatter3A_1118 = tpu.memref_squeeze %scatter3A_1117 : memref<1x4x4x8x129xf32, #tpu.memory_space<vmem>> -> memref<4x4x8x129xf32, #tpu.memory_space<vmem>>
        tpu.vector_store_idx %scatter3A_1118[%add3A_32, %broadcast_in_dim3A_35, %and3A, %broadcast_in_dim3A_1086], %mul3A_1111 : memref<4x4x8x129xf32, #tpu.memory_space<vmem>>[vector<16xi32>, vector<16xi32>, vector<16xi32>, vector<16xi32>], vector<16xf32>,
        %get3A_1119 = arith.constant 1 : i32
        %get3A_1120 = arith.constant 1 : i32
        %get3A_1121 = arith.index_cast %get3A_1119 : i32 to index
        %get3A_1122 = arith.index_cast %get3A_1120 : i32 to index
        %get3A_1123 = arith.index_cast %scan3A_1085 : i32 to index
        %get3A_1124 = arith.constant 0 : index
        %get3A_1125 = tpu.vector_load %arg6[%get3A_1121, %get3A_1122, %get3A_1123, %get3A_1124] {strides = array<i32>} : memref<2x4x128x32xf32, #tpu.memory_space<vmem>>, vector<16xf32>,
        %mul3A_1126 = arith.constant 5.65685415 : f32
        %mul3A_1127 = vector.broadcast %mul3A_1126 : f32 to vector<16xf32>
        %mul3A_1128 = arith.mulf %get3A_1125, %mul3A_1127 : vector<16xf32>
        %scatter3A_1129 = arith.constant 1 : i32
        %scatter3A_1130 = arith.constant 0 : i32
        %scatter3A_1131 = arith.constant 0 : i32
        %scatter3A_1132 = arith.constant 0 : i32
        %scatter3A_1133 = arith.constant 0 : i32
        %scatter3A_1134 = tpu.memref_slice %arg7[%scatter3A_1129, %scatter3A_1130, %scatter3A_1131, %scatter3A_1132, %scatter3A_1133] : memref<2x4x4x8x129xf32, #tpu.memory_space<vmem>> -> memref<1x4x4x8x129xf32, #tpu.memory_space<vmem>>
        %scatter3A_1135 = tpu.memref_squeeze %scatter3A_1134 : memref<1x4x4x8x129xf32, #tpu.memory_space<vmem>> -> memref<4x4x8x129xf32, #tpu.memory_space<vmem>>
        tpu.vector_store_idx %scatter3A_1135[%add3A_26, %broadcast_in_dim3A_37, %and3A, %broadcast_in_dim3A_1086], %mul3A_1128 : memref<4x4x8x129xf32, #tpu.memory_space<vmem>>[vector<16xi32>, vector<16xi32>, vector<16xi32>, vector<16xi32>], vector<16xf32>,
        %get3A_1136 = arith.constant 1 : i32
        %get3A_1137 = arith.constant 1 : i32
        %get3A_1138 = arith.index_cast %get3A_1136 : i32 to index
        %get3A_1139 = arith.index_cast %get3A_1137 : i32 to index
        %get3A_1140 = arith.index_cast %scan3A_1085 : i32 to index
        %get3A_1141 = arith.constant 16 : index
        %get3A_1142 = tpu.vector_load %arg6[%get3A_1138, %get3A_1139, %get3A_1140, %get3A_1141] {strides = array<i32>} : memref<2x4x128x32xf32, #tpu.memory_space<vmem>>, vector<16xf32>,
        %mul3A_1143 = arith.constant 5.65685415 : f32
        %mul3A_1144 = vector.broadcast %mul3A_1143 : f32 to vector<16xf32>
        %mul3A_1145 = arith.mulf %get3A_1142, %mul3A_1144 : vector<16xf32>
        %scatter3A_1146 = arith.constant 1 : i32
        %scatter3A_1147 = arith.constant 0 : i32
        %scatter3A_1148 = arith.constant 0 : i32
        %scatter3A_1149 = arith.constant 0 : i32
        %scatter3A_1150 = arith.constant 0 : i32
        %scatter3A_1151 = tpu.memref_slice %arg7[%scatter3A_1146, %scatter3A_1147, %scatter3A_1148, %scatter3A_1149, %scatter3A_1150] : memref<2x4x4x8x129xf32, #tpu.memory_space<vmem>> -> memref<1x4x4x8x129xf32, #tpu.memory_space<vmem>>
        %scatter3A_1152 = tpu.memref_squeeze %scatter3A_1151 : memref<1x4x4x8x129xf32, #tpu.memory_space<vmem>> -> memref<4x4x8x129xf32, #tpu.memory_space<vmem>>
        tpu.vector_store_idx %scatter3A_1152[%add3A_32, %broadcast_in_dim3A_37, %and3A, %broadcast_in_dim3A_1086], %mul3A_1145 : memref<4x4x8x129xf32, #tpu.memory_space<vmem>>[vector<16xi32>, vector<16xi32>, vector<16xi32>, vector<16xi32>], vector<16xf32>,
        %get3A_1153 = arith.constant 1 : i32
        %get3A_1154 = arith.constant 2 : i32
        %get3A_1155 = arith.index_cast %get3A_1153 : i32 to index
        %get3A_1156 = arith.index_cast %get3A_1154 : i32 to index
        %get3A_1157 = arith.index_cast %scan3A_1085 : i32 to index
        %get3A_1158 = arith.constant 0 : index
        %get3A_1159 = tpu.vector_load %arg6[%get3A_1155, %get3A_1156, %get3A_1157, %get3A_1158] {strides = array<i32>} : memref<2x4x128x32xf32, #tpu.memory_space<vmem>>, vector<16xf32>,
        %mul3A_1160 = arith.constant 5.65685415 : f32
        %mul3A_1161 = vector.broadcast %mul3A_1160 : f32 to vector<16xf32>
        %mul3A_1162 = arith.mulf %get3A_1159, %mul3A_1161 : vector<16xf32>
        %scatter3A_1163 = arith.constant 1 : i32
        %scatter3A_1164 = arith.constant 0 : i32
        %scatter3A_1165 = arith.constant 0 : i32
        %scatter3A_1166 = arith.constant 0 : i32
        %scatter3A_1167 = arith.constant 0 : i32
        %scatter3A_1168 = tpu.memref_slice %arg7[%scatter3A_1163, %scatter3A_1164, %scatter3A_1165, %scatter3A_1166, %scatter3A_1167] : memref<2x4x4x8x129xf32, #tpu.memory_space<vmem>> -> memref<1x4x4x8x129xf32, #tpu.memory_space<vmem>>
        %scatter3A_1169 = tpu.memref_squeeze %scatter3A_1168 : memref<1x4x4x8x129xf32, #tpu.memory_space<vmem>> -> memref<4x4x8x129xf32, #tpu.memory_space<vmem>>
        tpu.vector_store_idx %scatter3A_1169[%add3A_26, %broadcast_in_dim3A_39, %and3A, %broadcast_in_dim3A_1086], %mul3A_1162 : memref<4x4x8x129xf32, #tpu.memory_space<vmem>>[vector<16xi32>, vector<16xi32>, vector<16xi32>, vector<16xi32>], vector<16xf32>,
        %get3A_1170 = arith.constant 1 : i32
        %get3A_1171 = arith.constant 2 : i32
        %get3A_1172 = arith.index_cast %get3A_1170 : i32 to index
        %get3A_1173 = arith.index_cast %get3A_1171 : i32 to index
        %get3A_1174 = arith.index_cast %scan3A_1085 : i32 to index
        %get3A_1175 = arith.constant 16 : index
        %get3A_1176 = tpu.vector_load %arg6[%get3A_1172, %get3A_1173, %get3A_1174, %get3A_1175] {strides = array<i32>} : memref<2x4x128x32xf32, #tpu.memory_space<vmem>>, vector<16xf32>,
        %mul3A_1177 = arith.constant 5.65685415 : f32
        %mul3A_1178 = vector.broadcast %mul3A_1177 : f32 to vector<16xf32>
        %mul3A_1179 = arith.mulf %get3A_1176, %mul3A_1178 : vector<16xf32>
        %scatter3A_1180 = arith.constant 1 : i32
        %scatter3A_1181 = arith.constant 0 : i32
        %scatter3A_1182 = arith.constant 0 : i32
        %scatter3A_1183 = arith.constant 0 : i32
        %scatter3A_1184 = arith.constant 0 : i32
        %scatter3A_1185 = tpu.memref_slice %arg7[%scatter3A_1180, %scatter3A_1181, %scatter3A_1182, %scatter3A_1183, %scatter3A_1184] : memref<2x4x4x8x129xf32, #tpu.memory_space<vmem>> -> memref<1x4x4x8x129xf32, #tpu.memory_space<vmem>>
        %scatter3A_1186 = tpu.memref_squeeze %scatter3A_1185 : memref<1x4x4x8x129xf32, #tpu.memory_space<vmem>> -> memref<4x4x8x129xf32, #tpu.memory_space<vmem>>
        tpu.vector_store_idx %scatter3A_1186[%add3A_32, %broadcast_in_dim3A_39, %and3A, %broadcast_in_dim3A_1086], %mul3A_1179 : memref<4x4x8x129xf32, #tpu.memory_space<vmem>>[vector<16xi32>, vector<16xi32>, vector<16xi32>, vector<16xi32>], vector<16xf32>,
        %get3A_1187 = arith.constant 1 : i32
        %get3A_1188 = arith.constant 3 : i32
        %get3A_1189 = arith.index_cast %get3A_1187 : i32 to index
        %get3A_1190 = arith.index_cast %get3A_1188 : i32 to index
        %get3A_1191 = arith.index_cast %scan3A_1085 : i32 to index
        %get3A_1192 = arith.constant 0 : index
        %get3A_1193 = tpu.vector_load %arg6[%get3A_1189, %get3A_1190, %get3A_1191, %get3A_1192] {strides = array<i32>} : memref<2x4x128x32xf32, #tpu.memory_space<vmem>>, vector<16xf32>,
        %mul3A_1194 = arith.constant 5.65685415 : f32
        %mul3A_1195 = vector.broadcast %mul3A_1194 : f32 to vector<16xf32>
        %mul3A_1196 = arith.mulf %get3A_1193, %mul3A_1195 : vector<16xf32>
        %scatter3A_1197 = arith.constant 1 : i32
        %scatter3A_1198 = arith.constant 0 : i32
        %scatter3A_1199 = arith.constant 0 : i32
        %scatter3A_1200 = arith.constant 0 : i32
        %scatter3A_1201 = arith.constant 0 : i32
        %scatter3A_1202 = tpu.memref_slice %arg7[%scatter3A_1197, %scatter3A_1198, %scatter3A_1199, %scatter3A_1200, %scatter3A_1201] : memref<2x4x4x8x129xf32, #tpu.memory_space<vmem>> -> memref<1x4x4x8x129xf32, #tpu.memory_space<vmem>>
        %scatter3A_1203 = tpu.memref_squeeze %scatter3A_1202 : memref<1x4x4x8x129xf32, #tpu.memory_space<vmem>> -> memref<4x4x8x129xf32, #tpu.memory_space<vmem>>
        tpu.vector_store_idx %scatter3A_1203[%add3A_26, %broadcast_in_dim3A_41, %and3A, %broadcast_in_dim3A_1086], %mul3A_1196 : memref<4x4x8x129xf32, #tpu.memory_space<vmem>>[vector<16xi32>, vector<16xi32>, vector<16xi32>, vector<16xi32>], vector<16xf32>,
        %get3A_1204 = arith.constant 1 : i32
        %get3A_1205 = arith.constant 3 : i32
        %get3A_1206 = arith.index_cast %get3A_1204 : i32 to index
        %get3A_1207 = arith.index_cast %get3A_1205 : i32 to index
        %get3A_1208 = arith.index_cast %scan3A_1085 : i32 to index
        %get3A_1209 = arith.constant 16 : index
        %get3A_1210 = tpu.vector_load %arg6[%get3A_1206, %get3A_1207, %get3A_1208, %get3A_1209] {strides = array<i32>} : memref<2x4x128x32xf32, #tpu.memory_space<vmem>>, vector<16xf32>,
        %mul3A_1211 = arith.constant 5.65685415 : f32
        %mul3A_1212 = vector.broadcast %mul3A_1211 : f32 to vector<16xf32>
        %mul3A_1213 = arith.mulf %get3A_1210, %mul3A_1212 : vector<16xf32>
        %scatter3A_1214 = arith.constant 1 : i32
        %scatter3A_1215 = arith.constant 0 : i32
        %scatter3A_1216 = arith.constant 0 : i32
        %scatter3A_1217 = arith.constant 0 : i32
        %scatter3A_1218 = arith.constant 0 : i32
        %scatter3A_1219 = tpu.memref_slice %arg7[%scatter3A_1214, %scatter3A_1215, %scatter3A_1216, %scatter3A_1217, %scatter3A_1218] : memref<2x4x4x8x129xf32, #tpu.memory_space<vmem>> -> memref<1x4x4x8x129xf32, #tpu.memory_space<vmem>>
        %scatter3A_1220 = tpu.memref_squeeze %scatter3A_1219 : memref<1x4x4x8x129xf32, #tpu.memory_space<vmem>> -> memref<4x4x8x129xf32, #tpu.memory_space<vmem>>
        tpu.vector_store_idx %scatter3A_1220[%add3A_32, %broadcast_in_dim3A_41, %and3A, %broadcast_in_dim3A_1086], %mul3A_1213 : memref<4x4x8x129xf32, #tpu.memory_space<vmem>>[vector<16xi32>, vector<16xi32>, vector<16xi32>, vector<16xi32>], vector<16xf32>,
      }
      %scan3A_1007 = arith.constant 128 : i32
      %dma_start3A_1008 = arith.constant 1 : i32
      %dma_start3A_1009 = arith.constant 0 : i32
      %dma_start3A_1010 = arith.constant 0 : i32
      %dma_start3A_1011 = arith.constant 0 : i32
      %dma_start3A_1012 = arith.constant 0 : i32
      %dma_start3A_1013 = tpu.memref_slice %arg7[%dma_start3A_1008, %dma_start3A_1009, %dma_start3A_1010, %dma_start3A_1011, %dma_start3A_1012] : memref<2x4x4x8x129xf32, #tpu.memory_space<vmem>> -> memref<1x4x4x8x128xf32, #tpu.memory_space<vmem>>
      %dma_start3A_1014 = tpu.memref_squeeze %dma_start3A_1013 : memref<1x4x4x8x128xf32, #tpu.memory_space<vmem>> -> memref<4x4x8x128xf32, #tpu.memory_space<vmem>>
      %dma_start3A_1015 = arith.constant 0 : i32
      %dma_start3A_1016 = arith.constant 0 : i32
      %dma_start3A_1017 = arith.constant 0 : i32
      %dma_start3A_1018 = tpu.memref_slice %arg4[%add3A_914, %dma_start3A_1015, %mul3A_2, %dma_start3A_1016, %dma_start3A_1017] : memref<50x4x128x8x128xf32, #tpu.memory_space<hbm>> -> memref<1x4x4x8x128xf32, #tpu.memory_space<hbm>>
      %dma_start3A_1019 = tpu.memref_squeeze %dma_start3A_1018 : memref<1x4x4x8x128xf32, #tpu.memory_space<hbm>> -> memref<4x4x8x128xf32, #tpu.memory_space<hbm>>
      %dma_start3A_1020 = arith.constant 0 : i32
      %dma_start3A_1021 = arith.constant 0 : i32
      %dma_start3A_1022 = arith.constant 0 : i32
      %dma_start3A_1023 = tpu.memref_slice %arg4[%add3A_914, %dma_start3A_1020, %mul3A_2, %dma_start3A_1021, %dma_start3A_1022] : memref<50x4x128x8x128xf32, #tpu.memory_space<hbm>> -> memref<1x4x4x8x128xf32, #tpu.memory_space<hbm>>
      %dma_start3A_1024 = tpu.memref_squeeze %dma_start3A_1023 : memref<1x4x4x8x128xf32, #tpu.memory_space<hbm>> -> memref<4x4x8x128xf32, #tpu.memory_space<hbm>>
      %dma_start3A_1025 = arith.constant 0 : i32
      %dma_start3A_1026 = arith.constant 0 : i32
      %dma_start3A_1027 = arith.constant 0 : i32
      %dma_start3A_1028 = arith.constant 0 : i32
      %dma_start3A_1029 = tpu.memref_slice %arg7[%dma_start3A_1008, %dma_start3A_1025, %dma_start3A_1026, %dma_start3A_1027, %dma_start3A_1028] : memref<2x4x4x8x129xf32, #tpu.memory_space<vmem>> -> memref<1x4x4x8x128xf32, #tpu.memory_space<vmem>>
      %dma_start3A_1030 = tpu.memref_squeeze %dma_start3A_1029 : memref<1x4x4x8x128xf32, #tpu.memory_space<vmem>> -> memref<4x4x8x128xf32, #tpu.memory_space<vmem>>
      tpu.enqueue_dma source(%dma_start3A_1030 : memref<4x4x8x128xf32, #tpu.memory_space<vmem>>) target(%dma_start3A_1024 : memref<4x4x8x128xf32, #tpu.memory_space<hbm>>) target_semaphore(%arg11 : memref<!tpu.dma_semaphore, #tpu.memory_space<semaphore_mem>>)
      %add3A_1031 = arith.constant 2 : i32
      %add3A_1032 = arith.addi %add3A_914, %add3A_1031 : i32
      %dma_start3A_1033 = arith.constant 0 : i32
      %dma_start3A_1034 = arith.constant 1 : i32
      %dma_start3A_1035 = arith.constant 0 : i32
      %dma_start3A_1036 = arith.constant 0 : i32
      %dma_start3A_1037 = arith.constant 0 : i32
      %dma_start3A_1038 = tpu.memref_slice %arg6[%dma_start3A_1034, %dma_start3A_1035, %dma_start3A_1036, %dma_start3A_1037] : memref<2x4x128x32xf32, #tpu.memory_space<vmem>> -> memref<1x1x128x32xf32, #tpu.memory_space<vmem>>
      %dma_start3A_1039 = tpu.memref_squeeze %dma_start3A_1038 : memref<1x1x128x32xf32, #tpu.memory_space<vmem>> -> memref<128x32xf32, #tpu.memory_space<vmem>>
      %dma_start3A_1040 = arith.constant 0 : i32
      %dma_start3A_1041 = tpu.memref_slice %arg5[%add3A_1032, %dma_start3A_1033, %dma_start3A_1040] : memref<50x4x128xi32, #tpu.memory_space<vmem>> -> memref<1x1x128xi32, #tpu.memory_space<vmem>>
      %dma_start3A_1042 = tpu.memref_squeeze %dma_start3A_1041 : memref<1x1x128xi32, #tpu.memory_space<vmem>> -> memref<128xi32, #tpu.memory_space<vmem>>
      %dma_start3A_1043 = arith.constant 0 : i32
      %dma_start3A_1044 = arith.constant 0 : i32
      %dma_start3A_1045 = tpu.memref_slice %arg3[%dma_start3A_1043, %dma_start3A_1044] : memref<1003520x32xf32, #tpu.memory_space<hbm>> -> memref<1003520x32xf32, #tpu.memory_space<hbm>>
      tpu.enqueue_indirect_dma source(%dma_start3A_1045 : memref<1003520x32xf32, #tpu.memory_space<hbm>>) target(%dma_start3A_1039 : memref<128x32xf32, #tpu.memory_space<vmem>>) offsets(%dma_start3A_1042 : memref<128xi32, #tpu.memory_space<vmem>>) semaphore(%arg9 : memref<!tpu.dma_semaphore, #tpu.memory_space<semaphore_mem>>)
      %dma_start3A_1046 = arith.constant 1 : i32
      %dma_start3A_1047 = arith.constant 1 : i32
      %dma_start3A_1048 = arith.constant 1 : i32
      %dma_start3A_1049 = arith.constant 0 : i32
      %dma_start3A_1050 = arith.constant 0 : i32
      %dma_start3A_1051 = tpu.memref_slice %arg6[%dma_start3A_1047, %dma_start3A_1048, %dma_start3A_1049, %dma_start3A_1050] : memref<2x4x128x32xf32, #tpu.memory_space<vmem>> -> memref<1x1x128x32xf32, #tpu.memory_space<vmem>>
      %dma_start3A_1052 = tpu.memref_squeeze %dma_start3A_1051 : memref<1x1x128x32xf32, #tpu.memory_space<vmem>> -> memref<128x32xf32, #tpu.memory_space<vmem>>
      %dma_start3A_1053 = arith.constant 0 : i32
      %dma_start3A_1054 = tpu.memref_slice %arg5[%add3A_1032, %dma_start3A_1046, %dma_start3A_1053] : memref<50x4x128xi32, #tpu.memory_space<vmem>> -> memref<1x1x128xi32, #tpu.memory_space<vmem>>
      %dma_start3A_1055 = tpu.memref_squeeze %dma_start3A_1054 : memref<1x1x128xi32, #tpu.memory_space<vmem>> -> memref<128xi32, #tpu.memory_space<vmem>>
      %dma_start3A_1056 = arith.constant 0 : i32
      %dma_start3A_1057 = arith.constant 0 : i32
      %dma_start3A_1058 = tpu.memref_slice %arg3[%dma_start3A_1056, %dma_start3A_1057] : memref<1003520x32xf32, #tpu.memory_space<hbm>> -> memref<1003520x32xf32, #tpu.memory_space<hbm>>
      tpu.enqueue_indirect_dma source(%dma_start3A_1058 : memref<1003520x32xf32, #tpu.memory_space<hbm>>) target(%dma_start3A_1052 : memref<128x32xf32, #tpu.memory_space<vmem>>) offsets(%dma_start3A_1055 : memref<128xi32, #tpu.memory_space<vmem>>) semaphore(%arg9 : memref<!tpu.dma_semaphore, #tpu.memory_space<semaphore_mem>>)
      %dma_start3A_1059 = arith.constant 2 : i32
      %dma_start3A_1060 = arith.constant 1 : i32
      %dma_start3A_1061 = arith.constant 2 : i32
      %dma_start3A_1062 = arith.constant 0 : i32
      %dma_start3A_1063 = arith.constant 0 : i32
      %dma_start3A_1064 = tpu.memref_slice %arg6[%dma_start3A_1060, %dma_start3A_1061, %dma_start3A_1062, %dma_start3A_1063] : memref<2x4x128x32xf32, #tpu.memory_space<vmem>> -> memref<1x1x128x32xf32, #tpu.memory_space<vmem>>
      %dma_start3A_1065 = tpu.memref_squeeze %dma_start3A_1064 : memref<1x1x128x32xf32, #tpu.memory_space<vmem>> -> memref<128x32xf32, #tpu.memory_space<vmem>>
      %dma_start3A_1066 = arith.constant 0 : i32
      %dma_start3A_1067 = tpu.memref_slice %arg5[%add3A_1032, %dma_start3A_1059, %dma_start3A_1066] : memref<50x4x128xi32, #tpu.memory_space<vmem>> -> memref<1x1x128xi32, #tpu.memory_space<vmem>>
      %dma_start3A_1068 = tpu.memref_squeeze %dma_start3A_1067 : memref<1x1x128xi32, #tpu.memory_space<vmem>> -> memref<128xi32, #tpu.memory_space<vmem>>
      %dma_start3A_1069 = arith.constant 0 : i32
      %dma_start3A_1070 = arith.constant 0 : i32
      %dma_start3A_1071 = tpu.memref_slice %arg3[%dma_start3A_1069, %dma_start3A_1070] : memref<1003520x32xf32, #tpu.memory_space<hbm>> -> memref<1003520x32xf32, #tpu.memory_space<hbm>>
      tpu.enqueue_indirect_dma source(%dma_start3A_1071 : memref<1003520x32xf32, #tpu.memory_space<hbm>>) target(%dma_start3A_1065 : memref<128x32xf32, #tpu.memory_space<vmem>>) offsets(%dma_start3A_1068 : memref<128xi32, #tpu.memory_space<vmem>>) semaphore(%arg9 : memref<!tpu.dma_semaphore, #tpu.memory_space<semaphore_mem>>)
      %dma_start3A_1072 = arith.constant 3 : i32
      %dma_start3A_1073 = arith.constant 1 : i32
      %dma_start3A_1074 = arith.constant 3 : i32
      %dma_start3A_1075 = arith.constant 0 : i32
      %dma_start3A_1076 = arith.constant 0 : i32
      %dma_start3A_1077 = tpu.memref_slice %arg6[%dma_start3A_1073, %dma_start3A_1074, %dma_start3A_1075, %dma_start3A_1076] : memref<2x4x128x32xf32, #tpu.memory_space<vmem>> -> memref<1x1x128x32xf32, #tpu.memory_space<vmem>>
      %dma_start3A_1078 = tpu.memref_squeeze %dma_start3A_1077 : memref<1x1x128x32xf32, #tpu.memory_space<vmem>> -> memref<128x32xf32, #tpu.memory_space<vmem>>
      %dma_start3A_1079 = arith.constant 0 : i32
      %dma_start3A_1080 = tpu.memref_slice %arg5[%add3A_1032, %dma_start3A_1072, %dma_start3A_1079] : memref<50x4x128xi32, #tpu.memory_space<vmem>> -> memref<1x1x128xi32, #tpu.memory_space<vmem>>
      %dma_start3A_1081 = tpu.memref_squeeze %dma_start3A_1080 : memref<1x1x128xi32, #tpu.memory_space<vmem>> -> memref<128xi32, #tpu.memory_space<vmem>>
      %dma_start3A_1082 = arith.constant 0 : i32
      %dma_start3A_1083 = arith.constant 0 : i32
      %dma_start3A_1084 = tpu.memref_slice %arg3[%dma_start3A_1082, %dma_start3A_1083] : memref<1003520x32xf32, #tpu.memory_space<hbm>> -> memref<1003520x32xf32, #tpu.memory_space<hbm>>
      tpu.enqueue_indirect_dma source(%dma_start3A_1084 : memref<1003520x32xf32, #tpu.memory_space<hbm>>) target(%dma_start3A_1078 : memref<128x32xf32, #tpu.memory_space<vmem>>) offsets(%dma_start3A_1081 : memref<128xi32, #tpu.memory_space<vmem>>) semaphore(%arg9 : memref<!tpu.dma_semaphore, #tpu.memory_space<semaphore_mem>>)
    }
    %scan3A_453 = arith.constant 23 : i32
    %dma_wait3A_454 = arith.constant 0 : i32
    %dma_wait3A_455 = arith.constant 0 : i32
    %dma_wait3A_456 = arith.constant 0 : i32
    %dma_wait3A_457 = arith.constant 0 : i32
    %dma_wait3A_458 = tpu.memref_slice %arg6[%dma_wait3A_454, %dma_wait3A_455, %dma_wait3A_456, %dma_wait3A_457] : memref<2x4x128x32xf32, #tpu.memory_space<vmem>> -> memref<1x1x128x32xf32, #tpu.memory_space<vmem>>
    %dma_wait3A_459 = tpu.memref_squeeze %dma_wait3A_458 : memref<1x1x128x32xf32, #tpu.memory_space<vmem>> -> memref<128x32xf32, #tpu.memory_space<vmem>>
    %dma_wait3A_460 = arith.constant 0 : i32
    %dma_wait3A_461 = arith.constant 0 : i32
    %dma_wait3A_462 = tpu.memref_slice %arg3[%dma_wait3A_460, %dma_wait3A_461] : memref<1003520x32xf32, #tpu.memory_space<hbm>> -> memref<128x32xf32, #tpu.memory_space<hbm>>
    %dma_wait3A_463 = arith.constant 0 : i32
    %dma_wait3A_464 = arith.constant 0 : i32
    %dma_wait3A_465 = tpu.memref_slice %arg6[%dma_wait3A_454, %dma_wait3A_455, %dma_wait3A_463, %dma_wait3A_464] : memref<2x4x128x32xf32, #tpu.memory_space<vmem>> -> memref<1x1x128x32xf32, #tpu.memory_space<vmem>>
    %dma_wait3A_466 = tpu.memref_squeeze %dma_wait3A_465 : memref<1x1x128x32xf32, #tpu.memory_space<vmem>> -> memref<128x32xf32, #tpu.memory_space<vmem>>
    %dma_wait3A_467 = arith.constant 0 : i32
    %dma_wait3A_468 = arith.constant 0 : i32
    %dma_wait3A_469 = tpu.memref_slice %arg3[%dma_wait3A_467, %dma_wait3A_468] : memref<1003520x32xf32, #tpu.memory_space<hbm>> -> memref<128x32xf32, #tpu.memory_space<hbm>>
    tpu.wait_dma2 semaphore(%arg8 : memref<!tpu.dma_semaphore, #tpu.memory_space<semaphore_mem>>) src(%dma_wait3A_469 : memref<128x32xf32, #tpu.memory_space<hbm>>) dst(%dma_wait3A_466 : memref<128x32xf32, #tpu.memory_space<vmem>>)
    %dma_wait3A_470 = arith.constant 0 : i32
    %dma_wait3A_471 = arith.constant 1 : i32
    %dma_wait3A_472 = arith.constant 0 : i32
    %dma_wait3A_473 = arith.constant 0 : i32
    %dma_wait3A_474 = tpu.memref_slice %arg6[%dma_wait3A_470, %dma_wait3A_471, %dma_wait3A_472, %dma_wait3A_473] : memref<2x4x128x32xf32, #tpu.memory_space<vmem>> -> memref<1x1x128x32xf32, #tpu.memory_space<vmem>>
    %dma_wait3A_475 = tpu.memref_squeeze %dma_wait3A_474 : memref<1x1x128x32xf32, #tpu.memory_space<vmem>> -> memref<128x32xf32, #tpu.memory_space<vmem>>
    %dma_wait3A_476 = arith.constant 0 : i32
    %dma_wait3A_477 = arith.constant 0 : i32
    %dma_wait3A_478 = tpu.memref_slice %arg3[%dma_wait3A_476, %dma_wait3A_477] : memref<1003520x32xf32, #tpu.memory_space<hbm>> -> memref<128x32xf32, #tpu.memory_space<hbm>>
    %dma_wait3A_479 = arith.constant 0 : i32
    %dma_wait3A_480 = arith.constant 0 : i32
    %dma_wait3A_481 = tpu.memref_slice %arg6[%dma_wait3A_470, %dma_wait3A_471, %dma_wait3A_479, %dma_wait3A_480] : memref<2x4x128x32xf32, #tpu.memory_space<vmem>> -> memref<1x1x128x32xf32, #tpu.memory_space<vmem>>
    %dma_wait3A_482 = tpu.memref_squeeze %dma_wait3A_481 : memref<1x1x128x32xf32, #tpu.memory_space<vmem>> -> memref<128x32xf32, #tpu.memory_space<vmem>>
    %dma_wait3A_483 = arith.constant 0 : i32
    %dma_wait3A_484 = arith.constant 0 : i32
    %dma_wait3A_485 = tpu.memref_slice %arg3[%dma_wait3A_483, %dma_wait3A_484] : memref<1003520x32xf32, #tpu.memory_space<hbm>> -> memref<128x32xf32, #tpu.memory_space<hbm>>
    tpu.wait_dma2 semaphore(%arg8 : memref<!tpu.dma_semaphore, #tpu.memory_space<semaphore_mem>>) src(%dma_wait3A_485 : memref<128x32xf32, #tpu.memory_space<hbm>>) dst(%dma_wait3A_482 : memref<128x32xf32, #tpu.memory_space<vmem>>)
    %dma_wait3A_486 = arith.constant 0 : i32
    %dma_wait3A_487 = arith.constant 2 : i32
    %dma_wait3A_488 = arith.constant 0 : i32
    %dma_wait3A_489 = arith.constant 0 : i32
    %dma_wait3A_490 = tpu.memref_slice %arg6[%dma_wait3A_486, %dma_wait3A_487, %dma_wait3A_488, %dma_wait3A_489] : memref<2x4x128x32xf32, #tpu.memory_space<vmem>> -> memref<1x1x128x32xf32, #tpu.memory_space<vmem>>
    %dma_wait3A_491 = tpu.memref_squeeze %dma_wait3A_490 : memref<1x1x128x32xf32, #tpu.memory_space<vmem>> -> memref<128x32xf32, #tpu.memory_space<vmem>>
    %dma_wait3A_492 = arith.constant 0 : i32
    %dma_wait3A_493 = arith.constant 0 : i32
    %dma_wait3A_494 = tpu.memref_slice %arg3[%dma_wait3A_492, %dma_wait3A_493] : memref<1003520x32xf32, #tpu.memory_space<hbm>> -> memref<128x32xf32, #tpu.memory_space<hbm>>
    %dma_wait3A_495 = arith.constant 0 : i32
    %dma_wait3A_496 = arith.constant 0 : i32
    %dma_wait3A_497 = tpu.memref_slice %arg6[%dma_wait3A_486, %dma_wait3A_487, %dma_wait3A_495, %dma_wait3A_496] : memref<2x4x128x32xf32, #tpu.memory_space<vmem>> -> memref<1x1x128x32xf32, #tpu.memory_space<vmem>>
    %dma_wait3A_498 = tpu.memref_squeeze %dma_wait3A_497 : memref<1x1x128x32xf32, #tpu.memory_space<vmem>> -> memref<128x32xf32, #tpu.memory_space<vmem>>
    %dma_wait3A_499 = arith.constant 0 : i32
    %dma_wait3A_500 = arith.constant 0 : i32
    %dma_wait3A_501 = tpu.memref_slice %arg3[%dma_wait3A_499, %dma_wait3A_500] : memref<1003520x32xf32, #tpu.memory_space<hbm>> -> memref<128x32xf32, #tpu.memory_space<hbm>>
    tpu.wait_dma2 semaphore(%arg8 : memref<!tpu.dma_semaphore, #tpu.memory_space<semaphore_mem>>) src(%dma_wait3A_501 : memref<128x32xf32, #tpu.memory_space<hbm>>) dst(%dma_wait3A_498 : memref<128x32xf32, #tpu.memory_space<vmem>>)
    %dma_wait3A_502 = arith.constant 0 : i32
    %dma_wait3A_503 = arith.constant 3 : i32
    %dma_wait3A_504 = arith.constant 0 : i32
    %dma_wait3A_505 = arith.constant 0 : i32
    %dma_wait3A_506 = tpu.memref_slice %arg6[%dma_wait3A_502, %dma_wait3A_503, %dma_wait3A_504, %dma_wait3A_505] : memref<2x4x128x32xf32, #tpu.memory_space<vmem>> -> memref<1x1x128x32xf32, #tpu.memory_space<vmem>>
    %dma_wait3A_507 = tpu.memref_squeeze %dma_wait3A_506 : memref<1x1x128x32xf32, #tpu.memory_space<vmem>> -> memref<128x32xf32, #tpu.memory_space<vmem>>
    %dma_wait3A_508 = arith.constant 0 : i32
    %dma_wait3A_509 = arith.constant 0 : i32
    %dma_wait3A_510 = tpu.memref_slice %arg3[%dma_wait3A_508, %dma_wait3A_509] : memref<1003520x32xf32, #tpu.memory_space<hbm>> -> memref<128x32xf32, #tpu.memory_space<hbm>>
    %dma_wait3A_511 = arith.constant 0 : i32
    %dma_wait3A_512 = arith.constant 0 : i32
    %dma_wait3A_513 = tpu.memref_slice %arg6[%dma_wait3A_502, %dma_wait3A_503, %dma_wait3A_511, %dma_wait3A_512] : memref<2x4x128x32xf32, #tpu.memory_space<vmem>> -> memref<1x1x128x32xf32, #tpu.memory_space<vmem>>
    %dma_wait3A_514 = tpu.memref_squeeze %dma_wait3A_513 : memref<1x1x128x32xf32, #tpu.memory_space<vmem>> -> memref<128x32xf32, #tpu.memory_space<vmem>>
    %dma_wait3A_515 = arith.constant 0 : i32
    %dma_wait3A_516 = arith.constant 0 : i32
    %dma_wait3A_517 = tpu.memref_slice %arg3[%dma_wait3A_515, %dma_wait3A_516] : memref<1003520x32xf32, #tpu.memory_space<hbm>> -> memref<128x32xf32, #tpu.memory_space<hbm>>
    tpu.wait_dma2 semaphore(%arg8 : memref<!tpu.dma_semaphore, #tpu.memory_space<semaphore_mem>>) src(%dma_wait3A_517 : memref<128x32xf32, #tpu.memory_space<hbm>>) dst(%dma_wait3A_514 : memref<128x32xf32, #tpu.memory_space<vmem>>)
    %dma_wait3A_518 = arith.constant 0 : i32
    %dma_wait3A_519 = arith.constant 0 : i32
    %dma_wait3A_520 = arith.constant 0 : i32
    %dma_wait3A_521 = arith.constant 0 : i32
    %dma_wait3A_522 = arith.constant 0 : i32
    %dma_wait3A_523 = arith.constant 0 : i32
    %dma_wait3A_524 = tpu.memref_slice %arg7[%dma_wait3A_518, %dma_wait3A_520, %dma_wait3A_521, %dma_wait3A_522, %dma_wait3A_523] : memref<2x4x4x8x129xf32, #tpu.memory_space<vmem>> -> memref<1x4x4x8x128xf32, #tpu.memory_space<vmem>>
    %dma_wait3A_525 = tpu.memref_squeeze %dma_wait3A_524 : memref<1x4x4x8x128xf32, #tpu.memory_space<vmem>> -> memref<4x4x8x128xf32, #tpu.memory_space<vmem>>
    %dma_wait3A_526 = arith.constant 0 : i32
    %dma_wait3A_527 = arith.constant 0 : i32
    %dma_wait3A_528 = arith.constant 0 : i32
    %dma_wait3A_529 = tpu.memref_slice %arg4[%dma_wait3A_519, %dma_wait3A_526, %mul3A_2, %dma_wait3A_527, %dma_wait3A_528] : memref<50x4x128x8x128xf32, #tpu.memory_space<hbm>> -> memref<1x4x4x8x128xf32, #tpu.memory_space<hbm>>
    %dma_wait3A_530 = tpu.memref_squeeze %dma_wait3A_529 : memref<1x4x4x8x128xf32, #tpu.memory_space<hbm>> -> memref<4x4x8x128xf32, #tpu.memory_space<hbm>>
    %dma_wait3A_531 = arith.constant 0 : i32
    %dma_wait3A_532 = arith.constant 0 : i32
    %dma_wait3A_533 = arith.constant 0 : i32
    %dma_wait3A_534 = tpu.memref_slice %arg4[%dma_wait3A_519, %dma_wait3A_531, %mul3A_2, %dma_wait3A_532, %dma_wait3A_533] : memref<50x4x128x8x128xf32, #tpu.memory_space<hbm>> -> memref<1x4x4x8x128xf32, #tpu.memory_space<hbm>>
    %dma_wait3A_535 = tpu.memref_squeeze %dma_wait3A_534 : memref<1x4x4x8x128xf32, #tpu.memory_space<hbm>> -> memref<4x4x8x128xf32, #tpu.memory_space<hbm>>
    %dma_wait3A_536 = arith.constant 0 : i32
    %dma_wait3A_537 = arith.constant 0 : i32
    %dma_wait3A_538 = arith.constant 0 : i32
    %dma_wait3A_539 = arith.constant 0 : i32
    %dma_wait3A_540 = tpu.memref_slice %arg7[%dma_wait3A_518, %dma_wait3A_536, %dma_wait3A_537, %dma_wait3A_538, %dma_wait3A_539] : memref<2x4x4x8x129xf32, #tpu.memory_space<vmem>> -> memref<1x4x4x8x128xf32, #tpu.memory_space<vmem>>
    %dma_wait3A_541 = tpu.memref_squeeze %dma_wait3A_540 : memref<1x4x4x8x128xf32, #tpu.memory_space<vmem>> -> memref<4x4x8x128xf32, #tpu.memory_space<vmem>>
    tpu.wait_dma2 semaphore(%arg10 : memref<!tpu.dma_semaphore, #tpu.memory_space<semaphore_mem>>) src(%dma_wait3A_541 : memref<4x4x8x128xf32, #tpu.memory_space<vmem>>) dst(%dma_wait3A_535 : memref<4x4x8x128xf32, #tpu.memory_space<hbm>>)
    %scan3A_542 = arith.constant 0 : i32
    %scan3A_543 = arith.constant 128 : i32
    %scan3A_544 = arith.addi %scan3A_542, %scan3A_543 : i32
    %scan3A_545 = arith.constant 1 : i32
    scf.for %scan3A_736 = %scan3A_542 to %scan3A_544 step %scan3A_545  : i32 {
      %broadcast_in_dim3A_737 = vector.broadcast %scan3A_736 : i32 to vector<16xi32>
      %get3A = arith.constant 0 : i32
      %get3A_738 = arith.constant 0 : i32
      %get3A_739 = arith.index_cast %get3A : i32 to index
      %get3A_740 = arith.index_cast %get3A_738 : i32 to index
      %get3A_741 = arith.index_cast %scan3A_736 : i32 to index
      %get3A_742 = arith.constant 0 : index
      %get3A_743 = tpu.vector_load %arg6[%get3A_739, %get3A_740, %get3A_741, %get3A_742] {strides = array<i32>} : memref<2x4x128x32xf32, #tpu.memory_space<vmem>>, vector<16xf32>,
      %mul3A_744 = arith.constant 5.65685415 : f32
      %mul3A_745 = vector.broadcast %mul3A_744 : f32 to vector<16xf32>
      %mul3A_746 = arith.mulf %get3A_743, %mul3A_745 : vector<16xf32>
      %scatter3A = arith.constant 0 : i32
      %scatter3A_747 = arith.constant 0 : i32
      %scatter3A_748 = arith.constant 0 : i32
      %scatter3A_749 = arith.constant 0 : i32
      %scatter3A_750 = arith.constant 0 : i32
      %scatter3A_751 = tpu.memref_slice %arg7[%scatter3A, %scatter3A_747, %scatter3A_748, %scatter3A_749, %scatter3A_750] : memref<2x4x4x8x129xf32, #tpu.memory_space<vmem>> -> memref<1x4x4x8x129xf32, #tpu.memory_space<vmem>>
      %scatter3A_752 = tpu.memref_squeeze %scatter3A_751 : memref<1x4x4x8x129xf32, #tpu.memory_space<vmem>> -> memref<4x4x8x129xf32, #tpu.memory_space<vmem>>
      tpu.vector_store_idx %scatter3A_752[%add3A_26, %broadcast_in_dim3A_35, %and3A, %broadcast_in_dim3A_737], %mul3A_746 : memref<4x4x8x129xf32, #tpu.memory_space<vmem>>[vector<16xi32>, vector<16xi32>, vector<16xi32>, vector<16xi32>], vector<16xf32>,
      %get3A_753 = arith.constant 0 : i32
      %get3A_754 = arith.constant 0 : i32
      %get3A_755 = arith.index_cast %get3A_753 : i32 to index
      %get3A_756 = arith.index_cast %get3A_754 : i32 to index
      %get3A_757 = arith.index_cast %scan3A_736 : i32 to index
      %get3A_758 = arith.constant 16 : index
      %get3A_759 = tpu.vector_load %arg6[%get3A_755, %get3A_756, %get3A_757, %get3A_758] {strides = array<i32>} : memref<2x4x128x32xf32, #tpu.memory_space<vmem>>, vector<16xf32>,
      %mul3A_760 = arith.constant 5.65685415 : f32
      %mul3A_761 = vector.broadcast %mul3A_760 : f32 to vector<16xf32>
      %mul3A_762 = arith.mulf %get3A_759, %mul3A_761 : vector<16xf32>
      %scatter3A_763 = arith.constant 0 : i32
      %scatter3A_764 = arith.constant 0 : i32
      %scatter3A_765 = arith.constant 0 : i32
      %scatter3A_766 = arith.constant 0 : i32
      %scatter3A_767 = arith.constant 0 : i32
      %scatter3A_768 = tpu.memref_slice %arg7[%scatter3A_763, %scatter3A_764, %scatter3A_765, %scatter3A_766, %scatter3A_767] : memref<2x4x4x8x129xf32, #tpu.memory_space<vmem>> -> memref<1x4x4x8x129xf32, #tpu.memory_space<vmem>>
      %scatter3A_769 = tpu.memref_squeeze %scatter3A_768 : memref<1x4x4x8x129xf32, #tpu.memory_space<vmem>> -> memref<4x4x8x129xf32, #tpu.memory_space<vmem>>
      tpu.vector_store_idx %scatter3A_769[%add3A_32, %broadcast_in_dim3A_35, %and3A, %broadcast_in_dim3A_737], %mul3A_762 : memref<4x4x8x129xf32, #tpu.memory_space<vmem>>[vector<16xi32>, vector<16xi32>, vector<16xi32>, vector<16xi32>], vector<16xf32>,
      %get3A_770 = arith.constant 0 : i32
      %get3A_771 = arith.constant 1 : i32
      %get3A_772 = arith.index_cast %get3A_770 : i32 to index
      %get3A_773 = arith.index_cast %get3A_771 : i32 to index
      %get3A_774 = arith.index_cast %scan3A_736 : i32 to index
      %get3A_775 = arith.constant 0 : index
      %get3A_776 = tpu.vector_load %arg6[%get3A_772, %get3A_773, %get3A_774, %get3A_775] {strides = array<i32>} : memref<2x4x128x32xf32, #tpu.memory_space<vmem>>, vector<16xf32>,
      %mul3A_777 = arith.constant 5.65685415 : f32
      %mul3A_778 = vector.broadcast %mul3A_777 : f32 to vector<16xf32>
      %mul3A_779 = arith.mulf %get3A_776, %mul3A_778 : vector<16xf32>
      %scatter3A_780 = arith.constant 0 : i32
      %scatter3A_781 = arith.constant 0 : i32
      %scatter3A_782 = arith.constant 0 : i32
      %scatter3A_783 = arith.constant 0 : i32
      %scatter3A_784 = arith.constant 0 : i32
      %scatter3A_785 = tpu.memref_slice %arg7[%scatter3A_780, %scatter3A_781, %scatter3A_782, %scatter3A_783, %scatter3A_784] : memref<2x4x4x8x129xf32, #tpu.memory_space<vmem>> -> memref<1x4x4x8x129xf32, #tpu.memory_space<vmem>>
      %scatter3A_786 = tpu.memref_squeeze %scatter3A_785 : memref<1x4x4x8x129xf32, #tpu.memory_space<vmem>> -> memref<4x4x8x129xf32, #tpu.memory_space<vmem>>
      tpu.vector_store_idx %scatter3A_786[%add3A_26, %broadcast_in_dim3A_37, %and3A, %broadcast_in_dim3A_737], %mul3A_779 : memref<4x4x8x129xf32, #tpu.memory_space<vmem>>[vector<16xi32>, vector<16xi32>, vector<16xi32>, vector<16xi32>], vector<16xf32>,
      %get3A_787 = arith.constant 0 : i32
      %get3A_788 = arith.constant 1 : i32
      %get3A_789 = arith.index_cast %get3A_787 : i32 to index
      %get3A_790 = arith.index_cast %get3A_788 : i32 to index
      %get3A_791 = arith.index_cast %scan3A_736 : i32 to index
      %get3A_792 = arith.constant 16 : index
      %get3A_793 = tpu.vector_load %arg6[%get3A_789, %get3A_790, %get3A_791, %get3A_792] {strides = array<i32>} : memref<2x4x128x32xf32, #tpu.memory_space<vmem>>, vector<16xf32>,
      %mul3A_794 = arith.constant 5.65685415 : f32
      %mul3A_795 = vector.broadcast %mul3A_794 : f32 to vector<16xf32>
      %mul3A_796 = arith.mulf %get3A_793, %mul3A_795 : vector<16xf32>
      %scatter3A_797 = arith.constant 0 : i32
      %scatter3A_798 = arith.constant 0 : i32
      %scatter3A_799 = arith.constant 0 : i32
      %scatter3A_800 = arith.constant 0 : i32
      %scatter3A_801 = arith.constant 0 : i32
      %scatter3A_802 = tpu.memref_slice %arg7[%scatter3A_797, %scatter3A_798, %scatter3A_799, %scatter3A_800, %scatter3A_801] : memref<2x4x4x8x129xf32, #tpu.memory_space<vmem>> -> memref<1x4x4x8x129xf32, #tpu.memory_space<vmem>>
      %scatter3A_803 = tpu.memref_squeeze %scatter3A_802 : memref<1x4x4x8x129xf32, #tpu.memory_space<vmem>> -> memref<4x4x8x129xf32, #tpu.memory_space<vmem>>
      tpu.vector_store_idx %scatter3A_803[%add3A_32, %broadcast_in_dim3A_37, %and3A, %broadcast_in_dim3A_737], %mul3A_796 : memref<4x4x8x129xf32, #tpu.memory_space<vmem>>[vector<16xi32>, vector<16xi32>, vector<16xi32>, vector<16xi32>], vector<16xf32>,
      %get3A_804 = arith.constant 0 : i32
      %get3A_805 = arith.constant 2 : i32
      %get3A_806 = arith.index_cast %get3A_804 : i32 to index
      %get3A_807 = arith.index_cast %get3A_805 : i32 to index
      %get3A_808 = arith.index_cast %scan3A_736 : i32 to index
      %get3A_809 = arith.constant 0 : index
      %get3A_810 = tpu.vector_load %arg6[%get3A_806, %get3A_807, %get3A_808, %get3A_809] {strides = array<i32>} : memref<2x4x128x32xf32, #tpu.memory_space<vmem>>, vector<16xf32>,
      %mul3A_811 = arith.constant 5.65685415 : f32
      %mul3A_812 = vector.broadcast %mul3A_811 : f32 to vector<16xf32>
      %mul3A_813 = arith.mulf %get3A_810, %mul3A_812 : vector<16xf32>
      %scatter3A_814 = arith.constant 0 : i32
      %scatter3A_815 = arith.constant 0 : i32
      %scatter3A_816 = arith.constant 0 : i32
      %scatter3A_817 = arith.constant 0 : i32
      %scatter3A_818 = arith.constant 0 : i32
      %scatter3A_819 = tpu.memref_slice %arg7[%scatter3A_814, %scatter3A_815, %scatter3A_816, %scatter3A_817, %scatter3A_818] : memref<2x4x4x8x129xf32, #tpu.memory_space<vmem>> -> memref<1x4x4x8x129xf32, #tpu.memory_space<vmem>>
      %scatter3A_820 = tpu.memref_squeeze %scatter3A_819 : memref<1x4x4x8x129xf32, #tpu.memory_space<vmem>> -> memref<4x4x8x129xf32, #tpu.memory_space<vmem>>
      tpu.vector_store_idx %scatter3A_820[%add3A_26, %broadcast_in_dim3A_39, %and3A, %broadcast_in_dim3A_737], %mul3A_813 : memref<4x4x8x129xf32, #tpu.memory_space<vmem>>[vector<16xi32>, vector<16xi32>, vector<16xi32>, vector<16xi32>], vector<16xf32>,
      %get3A_821 = arith.constant 0 : i32
      %get3A_822 = arith.constant 2 : i32
      %get3A_823 = arith.index_cast %get3A_821 : i32 to index
      %get3A_824 = arith.index_cast %get3A_822 : i32 to index
      %get3A_825 = arith.index_cast %scan3A_736 : i32 to index
      %get3A_826 = arith.constant 16 : index
      %get3A_827 = tpu.vector_load %arg6[%get3A_823, %get3A_824, %get3A_825, %get3A_826] {strides = array<i32>} : memref<2x4x128x32xf32, #tpu.memory_space<vmem>>, vector<16xf32>,
      %mul3A_828 = arith.constant 5.65685415 : f32
      %mul3A_829 = vector.broadcast %mul3A_828 : f32 to vector<16xf32>
      %mul3A_830 = arith.mulf %get3A_827, %mul3A_829 : vector<16xf32>
      %scatter3A_831 = arith.constant 0 : i32
      %scatter3A_832 = arith.constant 0 : i32
      %scatter3A_833 = arith.constant 0 : i32
      %scatter3A_834 = arith.constant 0 : i32
      %scatter3A_835 = arith.constant 0 : i32
      %scatter3A_836 = tpu.memref_slice %arg7[%scatter3A_831, %scatter3A_832, %scatter3A_833, %scatter3A_834, %scatter3A_835] : memref<2x4x4x8x129xf32, #tpu.memory_space<vmem>> -> memref<1x4x4x8x129xf32, #tpu.memory_space<vmem>>
      %scatter3A_837 = tpu.memref_squeeze %scatter3A_836 : memref<1x4x4x8x129xf32, #tpu.memory_space<vmem>> -> memref<4x4x8x129xf32, #tpu.memory_space<vmem>>
      tpu.vector_store_idx %scatter3A_837[%add3A_32, %broadcast_in_dim3A_39, %and3A, %broadcast_in_dim3A_737], %mul3A_830 : memref<4x4x8x129xf32, #tpu.memory_space<vmem>>[vector<16xi32>, vector<16xi32>, vector<16xi32>, vector<16xi32>], vector<16xf32>,
      %get3A_838 = arith.constant 0 : i32
      %get3A_839 = arith.constant 3 : i32
      %get3A_840 = arith.index_cast %get3A_838 : i32 to index
      %get3A_841 = arith.index_cast %get3A_839 : i32 to index
      %get3A_842 = arith.index_cast %scan3A_736 : i32 to index
      %get3A_843 = arith.constant 0 : index
      %get3A_844 = tpu.vector_load %arg6[%get3A_840, %get3A_841, %get3A_842, %get3A_843] {strides = array<i32>} : memref<2x4x128x32xf32, #tpu.memory_space<vmem>>, vector<16xf32>,
      %mul3A_845 = arith.constant 5.65685415 : f32
      %mul3A_846 = vector.broadcast %mul3A_845 : f32 to vector<16xf32>
      %mul3A_847 = arith.mulf %get3A_844, %mul3A_846 : vector<16xf32>
      %scatter3A_848 = arith.constant 0 : i32
      %scatter3A_849 = arith.constant 0 : i32
      %scatter3A_850 = arith.constant 0 : i32
      %scatter3A_851 = arith.constant 0 : i32
      %scatter3A_852 = arith.constant 0 : i32
      %scatter3A_853 = tpu.memref_slice %arg7[%scatter3A_848, %scatter3A_849, %scatter3A_850, %scatter3A_851, %scatter3A_852] : memref<2x4x4x8x129xf32, #tpu.memory_space<vmem>> -> memref<1x4x4x8x129xf32, #tpu.memory_space<vmem>>
      %scatter3A_854 = tpu.memref_squeeze %scatter3A_853 : memref<1x4x4x8x129xf32, #tpu.memory_space<vmem>> -> memref<4x4x8x129xf32, #tpu.memory_space<vmem>>
      tpu.vector_store_idx %scatter3A_854[%add3A_26, %broadcast_in_dim3A_41, %and3A, %broadcast_in_dim3A_737], %mul3A_847 : memref<4x4x8x129xf32, #tpu.memory_space<vmem>>[vector<16xi32>, vector<16xi32>, vector<16xi32>, vector<16xi32>], vector<16xf32>,
      %get3A_855 = arith.constant 0 : i32
      %get3A_856 = arith.constant 3 : i32
      %get3A_857 = arith.index_cast %get3A_855 : i32 to index
      %get3A_858 = arith.index_cast %get3A_856 : i32 to index
      %get3A_859 = arith.index_cast %scan3A_736 : i32 to index
      %get3A_860 = arith.constant 16 : index
      %get3A_861 = tpu.vector_load %arg6[%get3A_857, %get3A_858, %get3A_859, %get3A_860] {strides = array<i32>} : memref<2x4x128x32xf32, #tpu.memory_space<vmem>>, vector<16xf32>,
      %mul3A_862 = arith.constant 5.65685415 : f32
      %mul3A_863 = vector.broadcast %mul3A_862 : f32 to vector<16xf32>
      %mul3A_864 = arith.mulf %get3A_861, %mul3A_863 : vector<16xf32>
      %scatter3A_865 = arith.constant 0 : i32
      %scatter3A_866 = arith.constant 0 : i32
      %scatter3A_867 = arith.constant 0 : i32
      %scatter3A_868 = arith.constant 0 : i32
      %scatter3A_869 = arith.constant 0 : i32
      %scatter3A_870 = tpu.memref_slice %arg7[%scatter3A_865, %scatter3A_866, %scatter3A_867, %scatter3A_868, %scatter3A_869] : memref<2x4x4x8x129xf32, #tpu.memory_space<vmem>> -> memref<1x4x4x8x129xf32, #tpu.memory_space<vmem>>
      %scatter3A_871 = tpu.memref_squeeze %scatter3A_870 : memref<1x4x4x8x129xf32, #tpu.memory_space<vmem>> -> memref<4x4x8x129xf32, #tpu.memory_space<vmem>>
      tpu.vector_store_idx %scatter3A_871[%add3A_32, %broadcast_in_dim3A_41, %and3A, %broadcast_in_dim3A_737], %mul3A_864 : memref<4x4x8x129xf32, #tpu.memory_space<vmem>>[vector<16xi32>, vector<16xi32>, vector<16xi32>, vector<16xi32>], vector<16xf32>,
    }
    %scan3A_546 = arith.constant 128 : i32
    %dma_start3A_547 = arith.constant 0 : i32
    %dma_start3A_548 = arith.constant 48 : i32
    %dma_start3A_549 = arith.constant 0 : i32
    %dma_start3A_550 = arith.constant 0 : i32
    %dma_start3A_551 = arith.constant 0 : i32
    %dma_start3A_552 = arith.constant 0 : i32
    %dma_start3A_553 = tpu.memref_slice %arg7[%dma_start3A_547, %dma_start3A_549, %dma_start3A_550, %dma_start3A_551, %dma_start3A_552] : memref<2x4x4x8x129xf32, #tpu.memory_space<vmem>> -> memref<1x4x4x8x128xf32, #tpu.memory_space<vmem>>
    %dma_start3A_554 = tpu.memref_squeeze %dma_start3A_553 : memref<1x4x4x8x128xf32, #tpu.memory_space<vmem>> -> memref<4x4x8x128xf32, #tpu.memory_space<vmem>>
    %dma_start3A_555 = arith.constant 0 : i32
    %dma_start3A_556 = arith.constant 0 : i32
    %dma_start3A_557 = arith.constant 0 : i32
    %dma_start3A_558 = tpu.memref_slice %arg4[%dma_start3A_548, %dma_start3A_555, %mul3A_2, %dma_start3A_556, %dma_start3A_557] : memref<50x4x128x8x128xf32, #tpu.memory_space<hbm>> -> memref<1x4x4x8x128xf32, #tpu.memory_space<hbm>>
    %dma_start3A_559 = tpu.memref_squeeze %dma_start3A_558 : memref<1x4x4x8x128xf32, #tpu.memory_space<hbm>> -> memref<4x4x8x128xf32, #tpu.memory_space<hbm>>
    %dma_start3A_560 = arith.constant 0 : i32
    %dma_start3A_561 = arith.constant 0 : i32
    %dma_start3A_562 = arith.constant 0 : i32
    %dma_start3A_563 = tpu.memref_slice %arg4[%dma_start3A_548, %dma_start3A_560, %mul3A_2, %dma_start3A_561, %dma_start3A_562] : memref<50x4x128x8x128xf32, #tpu.memory_space<hbm>> -> memref<1x4x4x8x128xf32, #tpu.memory_space<hbm>>
    %dma_start3A_564 = tpu.memref_squeeze %dma_start3A_563 : memref<1x4x4x8x128xf32, #tpu.memory_space<hbm>> -> memref<4x4x8x128xf32, #tpu.memory_space<hbm>>
    %dma_start3A_565 = arith.constant 0 : i32
    %dma_start3A_566 = arith.constant 0 : i32
    %dma_start3A_567 = arith.constant 0 : i32
    %dma_start3A_568 = arith.constant 0 : i32
    %dma_start3A_569 = tpu.memref_slice %arg7[%dma_start3A_547, %dma_start3A_565, %dma_start3A_566, %dma_start3A_567, %dma_start3A_568] : memref<2x4x4x8x129xf32, #tpu.memory_space<vmem>> -> memref<1x4x4x8x128xf32, #tpu.memory_space<vmem>>
    %dma_start3A_570 = tpu.memref_squeeze %dma_start3A_569 : memref<1x4x4x8x128xf32, #tpu.memory_space<vmem>> -> memref<4x4x8x128xf32, #tpu.memory_space<vmem>>
    tpu.enqueue_dma source(%dma_start3A_570 : memref<4x4x8x128xf32, #tpu.memory_space<vmem>>) target(%dma_start3A_564 : memref<4x4x8x128xf32, #tpu.memory_space<hbm>>) target_semaphore(%arg10 : memref<!tpu.dma_semaphore, #tpu.memory_space<semaphore_mem>>)
    %dma_wait3A_571 = arith.constant 1 : i32
    %dma_wait3A_572 = arith.constant 0 : i32
    %dma_wait3A_573 = arith.constant 0 : i32
    %dma_wait3A_574 = arith.constant 0 : i32
    %dma_wait3A_575 = tpu.memref_slice %arg6[%dma_wait3A_571, %dma_wait3A_572, %dma_wait3A_573, %dma_wait3A_574] : memref<2x4x128x32xf32, #tpu.memory_space<vmem>> -> memref<1x1x128x32xf32, #tpu.memory_space<vmem>>
    %dma_wait3A_576 = tpu.memref_squeeze %dma_wait3A_575 : memref<1x1x128x32xf32, #tpu.memory_space<vmem>> -> memref<128x32xf32, #tpu.memory_space<vmem>>
    %dma_wait3A_577 = arith.constant 0 : i32
    %dma_wait3A_578 = arith.constant 0 : i32
    %dma_wait3A_579 = tpu.memref_slice %arg3[%dma_wait3A_577, %dma_wait3A_578] : memref<1003520x32xf32, #tpu.memory_space<hbm>> -> memref<128x32xf32, #tpu.memory_space<hbm>>
    %dma_wait3A_580 = arith.constant 0 : i32
    %dma_wait3A_581 = arith.constant 0 : i32
    %dma_wait3A_582 = tpu.memref_slice %arg6[%dma_wait3A_571, %dma_wait3A_572, %dma_wait3A_580, %dma_wait3A_581] : memref<2x4x128x32xf32, #tpu.memory_space<vmem>> -> memref<1x1x128x32xf32, #tpu.memory_space<vmem>>
    %dma_wait3A_583 = tpu.memref_squeeze %dma_wait3A_582 : memref<1x1x128x32xf32, #tpu.memory_space<vmem>> -> memref<128x32xf32, #tpu.memory_space<vmem>>
    %dma_wait3A_584 = arith.constant 0 : i32
    %dma_wait3A_585 = arith.constant 0 : i32
    %dma_wait3A_586 = tpu.memref_slice %arg3[%dma_wait3A_584, %dma_wait3A_585] : memref<1003520x32xf32, #tpu.memory_space<hbm>> -> memref<128x32xf32, #tpu.memory_space<hbm>>
    tpu.wait_dma2 semaphore(%arg9 : memref<!tpu.dma_semaphore, #tpu.memory_space<semaphore_mem>>) src(%dma_wait3A_586 : memref<128x32xf32, #tpu.memory_space<hbm>>) dst(%dma_wait3A_583 : memref<128x32xf32, #tpu.memory_space<vmem>>)
    %dma_wait3A_587 = arith.constant 1 : i32
    %dma_wait3A_588 = arith.constant 1 : i32
    %dma_wait3A_589 = arith.constant 0 : i32
    %dma_wait3A_590 = arith.constant 0 : i32
    %dma_wait3A_591 = tpu.memref_slice %arg6[%dma_wait3A_587, %dma_wait3A_588, %dma_wait3A_589, %dma_wait3A_590] : memref<2x4x128x32xf32, #tpu.memory_space<vmem>> -> memref<1x1x128x32xf32, #tpu.memory_space<vmem>>
    %dma_wait3A_592 = tpu.memref_squeeze %dma_wait3A_591 : memref<1x1x128x32xf32, #tpu.memory_space<vmem>> -> memref<128x32xf32, #tpu.memory_space<vmem>>
    %dma_wait3A_593 = arith.constant 0 : i32
    %dma_wait3A_594 = arith.constant 0 : i32
    %dma_wait3A_595 = tpu.memref_slice %arg3[%dma_wait3A_593, %dma_wait3A_594] : memref<1003520x32xf32, #tpu.memory_space<hbm>> -> memref<128x32xf32, #tpu.memory_space<hbm>>
    %dma_wait3A_596 = arith.constant 0 : i32
    %dma_wait3A_597 = arith.constant 0 : i32
    %dma_wait3A_598 = tpu.memref_slice %arg6[%dma_wait3A_587, %dma_wait3A_588, %dma_wait3A_596, %dma_wait3A_597] : memref<2x4x128x32xf32, #tpu.memory_space<vmem>> -> memref<1x1x128x32xf32, #tpu.memory_space<vmem>>
    %dma_wait3A_599 = tpu.memref_squeeze %dma_wait3A_598 : memref<1x1x128x32xf32, #tpu.memory_space<vmem>> -> memref<128x32xf32, #tpu.memory_space<vmem>>
    %dma_wait3A_600 = arith.constant 0 : i32
    %dma_wait3A_601 = arith.constant 0 : i32
    %dma_wait3A_602 = tpu.memref_slice %arg3[%dma_wait3A_600, %dma_wait3A_601] : memref<1003520x32xf32, #tpu.memory_space<hbm>> -> memref<128x32xf32, #tpu.memory_space<hbm>>
    tpu.wait_dma2 semaphore(%arg9 : memref<!tpu.dma_semaphore, #tpu.memory_space<semaphore_mem>>) src(%dma_wait3A_602 : memref<128x32xf32, #tpu.memory_space<hbm>>) dst(%dma_wait3A_599 : memref<128x32xf32, #tpu.memory_space<vmem>>)
    %dma_wait3A_603 = arith.constant 1 : i32
    %dma_wait3A_604 = arith.constant 2 : i32
    %dma_wait3A_605 = arith.constant 0 : i32
    %dma_wait3A_606 = arith.constant 0 : i32
    %dma_wait3A_607 = tpu.memref_slice %arg6[%dma_wait3A_603, %dma_wait3A_604, %dma_wait3A_605, %dma_wait3A_606] : memref<2x4x128x32xf32, #tpu.memory_space<vmem>> -> memref<1x1x128x32xf32, #tpu.memory_space<vmem>>
    %dma_wait3A_608 = tpu.memref_squeeze %dma_wait3A_607 : memref<1x1x128x32xf32, #tpu.memory_space<vmem>> -> memref<128x32xf32, #tpu.memory_space<vmem>>
    %dma_wait3A_609 = arith.constant 0 : i32
    %dma_wait3A_610 = arith.constant 0 : i32
    %dma_wait3A_611 = tpu.memref_slice %arg3[%dma_wait3A_609, %dma_wait3A_610] : memref<1003520x32xf32, #tpu.memory_space<hbm>> -> memref<128x32xf32, #tpu.memory_space<hbm>>
    %dma_wait3A_612 = arith.constant 0 : i32
    %dma_wait3A_613 = arith.constant 0 : i32
    %dma_wait3A_614 = tpu.memref_slice %arg6[%dma_wait3A_603, %dma_wait3A_604, %dma_wait3A_612, %dma_wait3A_613] : memref<2x4x128x32xf32, #tpu.memory_space<vmem>> -> memref<1x1x128x32xf32, #tpu.memory_space<vmem>>
    %dma_wait3A_615 = tpu.memref_squeeze %dma_wait3A_614 : memref<1x1x128x32xf32, #tpu.memory_space<vmem>> -> memref<128x32xf32, #tpu.memory_space<vmem>>
    %dma_wait3A_616 = arith.constant 0 : i32
    %dma_wait3A_617 = arith.constant 0 : i32
    %dma_wait3A_618 = tpu.memref_slice %arg3[%dma_wait3A_616, %dma_wait3A_617] : memref<1003520x32xf32, #tpu.memory_space<hbm>> -> memref<128x32xf32, #tpu.memory_space<hbm>>
    tpu.wait_dma2 semaphore(%arg9 : memref<!tpu.dma_semaphore, #tpu.memory_space<semaphore_mem>>) src(%dma_wait3A_618 : memref<128x32xf32, #tpu.memory_space<hbm>>) dst(%dma_wait3A_615 : memref<128x32xf32, #tpu.memory_space<vmem>>)
    %dma_wait3A_619 = arith.constant 1 : i32
    %dma_wait3A_620 = arith.constant 3 : i32
    %dma_wait3A_621 = arith.constant 0 : i32
    %dma_wait3A_622 = arith.constant 0 : i32
    %dma_wait3A_623 = tpu.memref_slice %arg6[%dma_wait3A_619, %dma_wait3A_620, %dma_wait3A_621, %dma_wait3A_622] : memref<2x4x128x32xf32, #tpu.memory_space<vmem>> -> memref<1x1x128x32xf32, #tpu.memory_space<vmem>>
    %dma_wait3A_624 = tpu.memref_squeeze %dma_wait3A_623 : memref<1x1x128x32xf32, #tpu.memory_space<vmem>> -> memref<128x32xf32, #tpu.memory_space<vmem>>
    %dma_wait3A_625 = arith.constant 0 : i32
    %dma_wait3A_626 = arith.constant 0 : i32
    %dma_wait3A_627 = tpu.memref_slice %arg3[%dma_wait3A_625, %dma_wait3A_626] : memref<1003520x32xf32, #tpu.memory_space<hbm>> -> memref<128x32xf32, #tpu.memory_space<hbm>>
    %dma_wait3A_628 = arith.constant 0 : i32
    %dma_wait3A_629 = arith.constant 0 : i32
    %dma_wait3A_630 = tpu.memref_slice %arg6[%dma_wait3A_619, %dma_wait3A_620, %dma_wait3A_628, %dma_wait3A_629] : memref<2x4x128x32xf32, #tpu.memory_space<vmem>> -> memref<1x1x128x32xf32, #tpu.memory_space<vmem>>
    %dma_wait3A_631 = tpu.memref_squeeze %dma_wait3A_630 : memref<1x1x128x32xf32, #tpu.memory_space<vmem>> -> memref<128x32xf32, #tpu.memory_space<vmem>>
    %dma_wait3A_632 = arith.constant 0 : i32
    %dma_wait3A_633 = arith.constant 0 : i32
    %dma_wait3A_634 = tpu.memref_slice %arg3[%dma_wait3A_632, %dma_wait3A_633] : memref<1003520x32xf32, #tpu.memory_space<hbm>> -> memref<128x32xf32, #tpu.memory_space<hbm>>
    tpu.wait_dma2 semaphore(%arg9 : memref<!tpu.dma_semaphore, #tpu.memory_space<semaphore_mem>>) src(%dma_wait3A_634 : memref<128x32xf32, #tpu.memory_space<hbm>>) dst(%dma_wait3A_631 : memref<128x32xf32, #tpu.memory_space<vmem>>)
    %dma_wait3A_635 = arith.constant 1 : i32
    %dma_wait3A_636 = arith.constant 0 : i32
    %dma_wait3A_637 = arith.constant 0 : i32
    %dma_wait3A_638 = arith.constant 0 : i32
    %dma_wait3A_639 = arith.constant 0 : i32
    %dma_wait3A_640 = arith.constant 0 : i32
    %dma_wait3A_641 = tpu.memref_slice %arg7[%dma_wait3A_635, %dma_wait3A_637, %dma_wait3A_638, %dma_wait3A_639, %dma_wait3A_640] : memref<2x4x4x8x129xf32, #tpu.memory_space<vmem>> -> memref<1x4x4x8x128xf32, #tpu.memory_space<vmem>>
    %dma_wait3A_642 = tpu.memref_squeeze %dma_wait3A_641 : memref<1x4x4x8x128xf32, #tpu.memory_space<vmem>> -> memref<4x4x8x128xf32, #tpu.memory_space<vmem>>
    %dma_wait3A_643 = arith.constant 0 : i32
    %dma_wait3A_644 = arith.constant 0 : i32
    %dma_wait3A_645 = arith.constant 0 : i32
    %dma_wait3A_646 = tpu.memref_slice %arg4[%dma_wait3A_636, %dma_wait3A_643, %mul3A_2, %dma_wait3A_644, %dma_wait3A_645] : memref<50x4x128x8x128xf32, #tpu.memory_space<hbm>> -> memref<1x4x4x8x128xf32, #tpu.memory_space<hbm>>
    %dma_wait3A_647 = tpu.memref_squeeze %dma_wait3A_646 : memref<1x4x4x8x128xf32, #tpu.memory_space<hbm>> -> memref<4x4x8x128xf32, #tpu.memory_space<hbm>>
    %dma_wait3A_648 = arith.constant 0 : i32
    %dma_wait3A_649 = arith.constant 0 : i32
    %dma_wait3A_650 = arith.constant 0 : i32
    %dma_wait3A_651 = tpu.memref_slice %arg4[%dma_wait3A_636, %dma_wait3A_648, %mul3A_2, %dma_wait3A_649, %dma_wait3A_650] : memref<50x4x128x8x128xf32, #tpu.memory_space<hbm>> -> memref<1x4x4x8x128xf32, #tpu.memory_space<hbm>>
    %dma_wait3A_652 = tpu.memref_squeeze %dma_wait3A_651 : memref<1x4x4x8x128xf32, #tpu.memory_space<hbm>> -> memref<4x4x8x128xf32, #tpu.memory_space<hbm>>
    %dma_wait3A_653 = arith.constant 0 : i32
    %dma_wait3A_654 = arith.constant 0 : i32
    %dma_wait3A_655 = arith.constant 0 : i32
    %dma_wait3A_656 = arith.constant 0 : i32
    %dma_wait3A_657 = tpu.memref_slice %arg7[%dma_wait3A_635, %dma_wait3A_653, %dma_wait3A_654, %dma_wait3A_655, %dma_wait3A_656] : memref<2x4x4x8x129xf32, #tpu.memory_space<vmem>> -> memref<1x4x4x8x128xf32, #tpu.memory_space<vmem>>
    %dma_wait3A_658 = tpu.memref_squeeze %dma_wait3A_657 : memref<1x4x4x8x128xf32, #tpu.memory_space<vmem>> -> memref<4x4x8x128xf32, #tpu.memory_space<vmem>>
    tpu.wait_dma2 semaphore(%arg11 : memref<!tpu.dma_semaphore, #tpu.memory_space<semaphore_mem>>) src(%dma_wait3A_658 : memref<4x4x8x128xf32, #tpu.memory_space<vmem>>) dst(%dma_wait3A_652 : memref<4x4x8x128xf32, #tpu.memory_space<hbm>>)
    %scan3A_659 = arith.constant 0 : i32
    %scan3A_660 = arith.constant 128 : i32
    %scan3A_661 = arith.addi %scan3A_659, %scan3A_660 : i32
    %scan3A_662 = arith.constant 1 : i32
    scf.for %scan3A_736 = %scan3A_659 to %scan3A_661 step %scan3A_662  : i32 {
      %broadcast_in_dim3A_737 = vector.broadcast %scan3A_736 : i32 to vector<16xi32>
      %get3A = arith.constant 1 : i32
      %get3A_738 = arith.constant 0 : i32
      %get3A_739 = arith.index_cast %get3A : i32 to index
      %get3A_740 = arith.index_cast %get3A_738 : i32 to index
      %get3A_741 = arith.index_cast %scan3A_736 : i32 to index
      %get3A_742 = arith.constant 0 : index
      %get3A_743 = tpu.vector_load %arg6[%get3A_739, %get3A_740, %get3A_741, %get3A_742] {strides = array<i32>} : memref<2x4x128x32xf32, #tpu.memory_space<vmem>>, vector<16xf32>,
      %mul3A_744 = arith.constant 5.65685415 : f32
      %mul3A_745 = vector.broadcast %mul3A_744 : f32 to vector<16xf32>
      %mul3A_746 = arith.mulf %get3A_743, %mul3A_745 : vector<16xf32>
      %scatter3A = arith.constant 1 : i32
      %scatter3A_747 = arith.constant 0 : i32
      %scatter3A_748 = arith.constant 0 : i32
      %scatter3A_749 = arith.constant 0 : i32
      %scatter3A_750 = arith.constant 0 : i32
      %scatter3A_751 = tpu.memref_slice %arg7[%scatter3A, %scatter3A_747, %scatter3A_748, %scatter3A_749, %scatter3A_750] : memref<2x4x4x8x129xf32, #tpu.memory_space<vmem>> -> memref<1x4x4x8x129xf32, #tpu.memory_space<vmem>>
      %scatter3A_752 = tpu.memref_squeeze %scatter3A_751 : memref<1x4x4x8x129xf32, #tpu.memory_space<vmem>> -> memref<4x4x8x129xf32, #tpu.memory_space<vmem>>
      tpu.vector_store_idx %scatter3A_752[%add3A_26, %broadcast_in_dim3A_35, %and3A, %broadcast_in_dim3A_737], %mul3A_746 : memref<4x4x8x129xf32, #tpu.memory_space<vmem>>[vector<16xi32>, vector<16xi32>, vector<16xi32>, vector<16xi32>], vector<16xf32>,
      %get3A_753 = arith.constant 1 : i32
      %get3A_754 = arith.constant 0 : i32
      %get3A_755 = arith.index_cast %get3A_753 : i32 to index
      %get3A_756 = arith.index_cast %get3A_754 : i32 to index
      %get3A_757 = arith.index_cast %scan3A_736 : i32 to index
      %get3A_758 = arith.constant 16 : index
      %get3A_759 = tpu.vector_load %arg6[%get3A_755, %get3A_756, %get3A_757, %get3A_758] {strides = array<i32>} : memref<2x4x128x32xf32, #tpu.memory_space<vmem>>, vector<16xf32>,
      %mul3A_760 = arith.constant 5.65685415 : f32
      %mul3A_761 = vector.broadcast %mul3A_760 : f32 to vector<16xf32>
      %mul3A_762 = arith.mulf %get3A_759, %mul3A_761 : vector<16xf32>
      %scatter3A_763 = arith.constant 1 : i32
      %scatter3A_764 = arith.constant 0 : i32
      %scatter3A_765 = arith.constant 0 : i32
      %scatter3A_766 = arith.constant 0 : i32
      %scatter3A_767 = arith.constant 0 : i32
      %scatter3A_768 = tpu.memref_slice %arg7[%scatter3A_763, %scatter3A_764, %scatter3A_765, %scatter3A_766, %scatter3A_767] : memref<2x4x4x8x129xf32, #tpu.memory_space<vmem>> -> memref<1x4x4x8x129xf32, #tpu.memory_space<vmem>>
      %scatter3A_769 = tpu.memref_squeeze %scatter3A_768 : memref<1x4x4x8x129xf32, #tpu.memory_space<vmem>> -> memref<4x4x8x129xf32, #tpu.memory_space<vmem>>
      tpu.vector_store_idx %scatter3A_769[%add3A_32, %broadcast_in_dim3A_35, %and3A, %broadcast_in_dim3A_737], %mul3A_762 : memref<4x4x8x129xf32, #tpu.memory_space<vmem>>[vector<16xi32>, vector<16xi32>, vector<16xi32>, vector<16xi32>], vector<16xf32>,
      %get3A_770 = arith.constant 1 : i32
      %get3A_771 = arith.constant 1 : i32
      %get3A_772 = arith.index_cast %get3A_770 : i32 to index
      %get3A_773 = arith.index_cast %get3A_771 : i32 to index
      %get3A_774 = arith.index_cast %scan3A_736 : i32 to index
      %get3A_775 = arith.constant 0 : index
      %get3A_776 = tpu.vector_load %arg6[%get3A_772, %get3A_773, %get3A_774, %get3A_775] {strides = array<i32>} : memref<2x4x128x32xf32, #tpu.memory_space<vmem>>, vector<16xf32>,
      %mul3A_777 = arith.constant 5.65685415 : f32
      %mul3A_778 = vector.broadcast %mul3A_777 : f32 to vector<16xf32>
      %mul3A_779 = arith.mulf %get3A_776, %mul3A_778 : vector<16xf32>
      %scatter3A_780 = arith.constant 1 : i32
      %scatter3A_781 = arith.constant 0 : i32
      %scatter3A_782 = arith.constant 0 : i32
      %scatter3A_783 = arith.constant 0 : i32
      %scatter3A_784 = arith.constant 0 : i32
      %scatter3A_785 = tpu.memref_slice %arg7[%scatter3A_780, %scatter3A_781, %scatter3A_782, %scatter3A_783, %scatter3A_784] : memref<2x4x4x8x129xf32, #tpu.memory_space<vmem>> -> memref<1x4x4x8x129xf32, #tpu.memory_space<vmem>>
      %scatter3A_786 = tpu.memref_squeeze %scatter3A_785 : memref<1x4x4x8x129xf32, #tpu.memory_space<vmem>> -> memref<4x4x8x129xf32, #tpu.memory_space<vmem>>
      tpu.vector_store_idx %scatter3A_786[%add3A_26, %broadcast_in_dim3A_37, %and3A, %broadcast_in_dim3A_737], %mul3A_779 : memref<4x4x8x129xf32, #tpu.memory_space<vmem>>[vector<16xi32>, vector<16xi32>, vector<16xi32>, vector<16xi32>], vector<16xf32>,
      %get3A_787 = arith.constant 1 : i32
      %get3A_788 = arith.constant 1 : i32
      %get3A_789 = arith.index_cast %get3A_787 : i32 to index
      %get3A_790 = arith.index_cast %get3A_788 : i32 to index
      %get3A_791 = arith.index_cast %scan3A_736 : i32 to index
      %get3A_792 = arith.constant 16 : index
      %get3A_793 = tpu.vector_load %arg6[%get3A_789, %get3A_790, %get3A_791, %get3A_792] {strides = array<i32>} : memref<2x4x128x32xf32, #tpu.memory_space<vmem>>, vector<16xf32>,
      %mul3A_794 = arith.constant 5.65685415 : f32
      %mul3A_795 = vector.broadcast %mul3A_794 : f32 to vector<16xf32>
      %mul3A_796 = arith.mulf %get3A_793, %mul3A_795 : vector<16xf32>
      %scatter3A_797 = arith.constant 1 : i32
      %scatter3A_798 = arith.constant 0 : i32
      %scatter3A_799 = arith.constant 0 : i32
      %scatter3A_800 = arith.constant 0 : i32
      %scatter3A_801 = arith.constant 0 : i32
      %scatter3A_802 = tpu.memref_slice %arg7[%scatter3A_797, %scatter3A_798, %scatter3A_799, %scatter3A_800, %scatter3A_801] : memref<2x4x4x8x129xf32, #tpu.memory_space<vmem>> -> memref<1x4x4x8x129xf32, #tpu.memory_space<vmem>>
      %scatter3A_803 = tpu.memref_squeeze %scatter3A_802 : memref<1x4x4x8x129xf32, #tpu.memory_space<vmem>> -> memref<4x4x8x129xf32, #tpu.memory_space<vmem>>
      tpu.vector_store_idx %scatter3A_803[%add3A_32, %broadcast_in_dim3A_37, %and3A, %broadcast_in_dim3A_737], %mul3A_796 : memref<4x4x8x129xf32, #tpu.memory_space<vmem>>[vector<16xi32>, vector<16xi32>, vector<16xi32>, vector<16xi32>], vector<16xf32>,
      %get3A_804 = arith.constant 1 : i32
      %get3A_805 = arith.constant 2 : i32
      %get3A_806 = arith.index_cast %get3A_804 : i32 to index
      %get3A_807 = arith.index_cast %get3A_805 : i32 to index
      %get3A_808 = arith.index_cast %scan3A_736 : i32 to index
      %get3A_809 = arith.constant 0 : index
      %get3A_810 = tpu.vector_load %arg6[%get3A_806, %get3A_807, %get3A_808, %get3A_809] {strides = array<i32>} : memref<2x4x128x32xf32, #tpu.memory_space<vmem>>, vector<16xf32>,
      %mul3A_811 = arith.constant 5.65685415 : f32
      %mul3A_812 = vector.broadcast %mul3A_811 : f32 to vector<16xf32>
      %mul3A_813 = arith.mulf %get3A_810, %mul3A_812 : vector<16xf32>
      %scatter3A_814 = arith.constant 1 : i32
      %scatter3A_815 = arith.constant 0 : i32
      %scatter3A_816 = arith.constant 0 : i32
      %scatter3A_817 = arith.constant 0 : i32
      %scatter3A_818 = arith.constant 0 : i32
      %scatter3A_819 = tpu.memref_slice %arg7[%scatter3A_814, %scatter3A_815, %scatter3A_816, %scatter3A_817, %scatter3A_818] : memref<2x4x4x8x129xf32, #tpu.memory_space<vmem>> -> memref<1x4x4x8x129xf32, #tpu.memory_space<vmem>>
      %scatter3A_820 = tpu.memref_squeeze %scatter3A_819 : memref<1x4x4x8x129xf32, #tpu.memory_space<vmem>> -> memref<4x4x8x129xf32, #tpu.memory_space<vmem>>
      tpu.vector_store_idx %scatter3A_820[%add3A_26, %broadcast_in_dim3A_39, %and3A, %broadcast_in_dim3A_737], %mul3A_813 : memref<4x4x8x129xf32, #tpu.memory_space<vmem>>[vector<16xi32>, vector<16xi32>, vector<16xi32>, vector<16xi32>], vector<16xf32>,
      %get3A_821 = arith.constant 1 : i32
      %get3A_822 = arith.constant 2 : i32
      %get3A_823 = arith.index_cast %get3A_821 : i32 to index
      %get3A_824 = arith.index_cast %get3A_822 : i32 to index
      %get3A_825 = arith.index_cast %scan3A_736 : i32 to index
      %get3A_826 = arith.constant 16 : index
      %get3A_827 = tpu.vector_load %arg6[%get3A_823, %get3A_824, %get3A_825, %get3A_826] {strides = array<i32>} : memref<2x4x128x32xf32, #tpu.memory_space<vmem>>, vector<16xf32>,
      %mul3A_828 = arith.constant 5.65685415 : f32
      %mul3A_829 = vector.broadcast %mul3A_828 : f32 to vector<16xf32>
      %mul3A_830 = arith.mulf %get3A_827, %mul3A_829 : vector<16xf32>
      %scatter3A_831 = arith.constant 1 : i32
      %scatter3A_832 = arith.constant 0 : i32
      %scatter3A_833 = arith.constant 0 : i32
      %scatter3A_834 = arith.constant 0 : i32
      %scatter3A_835 = arith.constant 0 : i32
      %scatter3A_836 = tpu.memref_slice %arg7[%scatter3A_831, %scatter3A_832, %scatter3A_833, %scatter3A_834, %scatter3A_835] : memref<2x4x4x8x129xf32, #tpu.memory_space<vmem>> -> memref<1x4x4x8x129xf32, #tpu.memory_space<vmem>>
      %scatter3A_837 = tpu.memref_squeeze %scatter3A_836 : memref<1x4x4x8x129xf32, #tpu.memory_space<vmem>> -> memref<4x4x8x129xf32, #tpu.memory_space<vmem>>
      tpu.vector_store_idx %scatter3A_837[%add3A_32, %broadcast_in_dim3A_39, %and3A, %broadcast_in_dim3A_737], %mul3A_830 : memref<4x4x8x129xf32, #tpu.memory_space<vmem>>[vector<16xi32>, vector<16xi32>, vector<16xi32>, vector<16xi32>], vector<16xf32>,
      %get3A_838 = arith.constant 1 : i32
      %get3A_839 = arith.constant 3 : i32
      %get3A_840 = arith.index_cast %get3A_838 : i32 to index
      %get3A_841 = arith.index_cast %get3A_839 : i32 to index
      %get3A_842 = arith.index_cast %scan3A_736 : i32 to index
      %get3A_843 = arith.constant 0 : index
      %get3A_844 = tpu.vector_load %arg6[%get3A_840, %get3A_841, %get3A_842, %get3A_843] {strides = array<i32>} : memref<2x4x128x32xf32, #tpu.memory_space<vmem>>, vector<16xf32>,
      %mul3A_845 = arith.constant 5.65685415 : f32
      %mul3A_846 = vector.broadcast %mul3A_845 : f32 to vector<16xf32>
      %mul3A_847 = arith.mulf %get3A_844, %mul3A_846 : vector<16xf32>
      %scatter3A_848 = arith.constant 1 : i32
      %scatter3A_849 = arith.constant 0 : i32
      %scatter3A_850 = arith.constant 0 : i32
      %scatter3A_851 = arith.constant 0 : i32
      %scatter3A_852 = arith.constant 0 : i32
      %scatter3A_853 = tpu.memref_slice %arg7[%scatter3A_848, %scatter3A_849, %scatter3A_850, %scatter3A_851, %scatter3A_852] : memref<2x4x4x8x129xf32, #tpu.memory_space<vmem>> -> memref<1x4x4x8x129xf32, #tpu.memory_space<vmem>>
      %scatter3A_854 = tpu.memref_squeeze %scatter3A_853 : memref<1x4x4x8x129xf32, #tpu.memory_space<vmem>> -> memref<4x4x8x129xf32, #tpu.memory_space<vmem>>
      tpu.vector_store_idx %scatter3A_854[%add3A_26, %broadcast_in_dim3A_41, %and3A, %broadcast_in_dim3A_737], %mul3A_847 : memref<4x4x8x129xf32, #tpu.memory_space<vmem>>[vector<16xi32>, vector<16xi32>, vector<16xi32>, vector<16xi32>], vector<16xf32>,
      %get3A_855 = arith.constant 1 : i32
      %get3A_856 = arith.constant 3 : i32
      %get3A_857 = arith.index_cast %get3A_855 : i32 to index
      %get3A_858 = arith.index_cast %get3A_856 : i32 to index
      %get3A_859 = arith.index_cast %scan3A_736 : i32 to index
      %get3A_860 = arith.constant 16 : index
      %get3A_861 = tpu.vector_load %arg6[%get3A_857, %get3A_858, %get3A_859, %get3A_860] {strides = array<i32>} : memref<2x4x128x32xf32, #tpu.memory_space<vmem>>, vector<16xf32>,
      %mul3A_862 = arith.constant 5.65685415 : f32
      %mul3A_863 = vector.broadcast %mul3A_862 : f32 to vector<16xf32>
      %mul3A_864 = arith.mulf %get3A_861, %mul3A_863 : vector<16xf32>
      %scatter3A_865 = arith.constant 1 : i32
      %scatter3A_866 = arith.constant 0 : i32
      %scatter3A_867 = arith.constant 0 : i32
      %scatter3A_868 = arith.constant 0 : i32
      %scatter3A_869 = arith.constant 0 : i32
      %scatter3A_870 = tpu.memref_slice %arg7[%scatter3A_865, %scatter3A_866, %scatter3A_867, %scatter3A_868, %scatter3A_869] : memref<2x4x4x8x129xf32, #tpu.memory_space<vmem>> -> memref<1x4x4x8x129xf32, #tpu.memory_space<vmem>>
      %scatter3A_871 = tpu.memref_squeeze %scatter3A_870 : memref<1x4x4x8x129xf32, #tpu.memory_space<vmem>> -> memref<4x4x8x129xf32, #tpu.memory_space<vmem>>
      tpu.vector_store_idx %scatter3A_871[%add3A_32, %broadcast_in_dim3A_41, %and3A, %broadcast_in_dim3A_737], %mul3A_864 : memref<4x4x8x129xf32, #tpu.memory_space<vmem>>[vector<16xi32>, vector<16xi32>, vector<16xi32>, vector<16xi32>], vector<16xf32>,
    }
    %scan3A_663 = arith.constant 128 : i32
    %dma_start3A_664 = arith.constant 1 : i32
    %dma_start3A_665 = arith.constant 49 : i32
    %dma_start3A_666 = arith.constant 0 : i32
    %dma_start3A_667 = arith.constant 0 : i32
    %dma_start3A_668 = arith.constant 0 : i32
    %dma_start3A_669 = arith.constant 0 : i32
    %dma_start3A_670 = tpu.memref_slice %arg7[%dma_start3A_664, %dma_start3A_666, %dma_start3A_667, %dma_start3A_668, %dma_start3A_669] : memref<2x4x4x8x129xf32, #tpu.memory_space<vmem>> -> memref<1x4x4x8x128xf32, #tpu.memory_space<vmem>>
    %dma_start3A_671 = tpu.memref_squeeze %dma_start3A_670 : memref<1x4x4x8x128xf32, #tpu.memory_space<vmem>> -> memref<4x4x8x128xf32, #tpu.memory_space<vmem>>
    %dma_start3A_672 = arith.constant 0 : i32
    %dma_start3A_673 = arith.constant 0 : i32
    %dma_start3A_674 = arith.constant 0 : i32
    %dma_start3A_675 = tpu.memref_slice %arg4[%dma_start3A_665, %dma_start3A_672, %mul3A_2, %dma_start3A_673, %dma_start3A_674] : memref<50x4x128x8x128xf32, #tpu.memory_space<hbm>> -> memref<1x4x4x8x128xf32, #tpu.memory_space<hbm>>
    %dma_start3A_676 = tpu.memref_squeeze %dma_start3A_675 : memref<1x4x4x8x128xf32, #tpu.memory_space<hbm>> -> memref<4x4x8x128xf32, #tpu.memory_space<hbm>>
    %dma_start3A_677 = arith.constant 0 : i32
    %dma_start3A_678 = arith.constant 0 : i32
    %dma_start3A_679 = arith.constant 0 : i32
    %dma_start3A_680 = tpu.memref_slice %arg4[%dma_start3A_665, %dma_start3A_677, %mul3A_2, %dma_start3A_678, %dma_start3A_679] : memref<50x4x128x8x128xf32, #tpu.memory_space<hbm>> -> memref<1x4x4x8x128xf32, #tpu.memory_space<hbm>>
    %dma_start3A_681 = tpu.memref_squeeze %dma_start3A_680 : memref<1x4x4x8x128xf32, #tpu.memory_space<hbm>> -> memref<4x4x8x128xf32, #tpu.memory_space<hbm>>
    %dma_start3A_682 = arith.constant 0 : i32
    %dma_start3A_683 = arith.constant 0 : i32
    %dma_start3A_684 = arith.constant 0 : i32
    %dma_start3A_685 = arith.constant 0 : i32
    %dma_start3A_686 = tpu.memref_slice %arg7[%dma_start3A_664, %dma_start3A_682, %dma_start3A_683, %dma_start3A_684, %dma_start3A_685] : memref<2x4x4x8x129xf32, #tpu.memory_space<vmem>> -> memref<1x4x4x8x128xf32, #tpu.memory_space<vmem>>
    %dma_start3A_687 = tpu.memref_squeeze %dma_start3A_686 : memref<1x4x4x8x128xf32, #tpu.memory_space<vmem>> -> memref<4x4x8x128xf32, #tpu.memory_space<vmem>>
    tpu.enqueue_dma source(%dma_start3A_687 : memref<4x4x8x128xf32, #tpu.memory_space<vmem>>) target(%dma_start3A_681 : memref<4x4x8x128xf32, #tpu.memory_space<hbm>>) target_semaphore(%arg11 : memref<!tpu.dma_semaphore, #tpu.memory_space<semaphore_mem>>)
    %dma_wait3A_688 = arith.constant 0 : i32
    %dma_wait3A_689 = arith.constant 0 : i32
    %dma_wait3A_690 = arith.constant 0 : i32
    %dma_wait3A_691 = arith.constant 0 : i32
    %dma_wait3A_692 = arith.constant 0 : i32
    %dma_wait3A_693 = arith.constant 0 : i32
    %dma_wait3A_694 = tpu.memref_slice %arg7[%dma_wait3A_688, %dma_wait3A_690, %dma_wait3A_691, %dma_wait3A_692, %dma_wait3A_693] : memref<2x4x4x8x129xf32, #tpu.memory_space<vmem>> -> memref<1x4x4x8x128xf32, #tpu.memory_space<vmem>>
    %dma_wait3A_695 = tpu.memref_squeeze %dma_wait3A_694 : memref<1x4x4x8x128xf32, #tpu.memory_space<vmem>> -> memref<4x4x8x128xf32, #tpu.memory_space<vmem>>
    %dma_wait3A_696 = arith.constant 0 : i32
    %dma_wait3A_697 = arith.constant 0 : i32
    %dma_wait3A_698 = arith.constant 0 : i32
    %dma_wait3A_699 = tpu.memref_slice %arg4[%dma_wait3A_689, %dma_wait3A_696, %mul3A_2, %dma_wait3A_697, %dma_wait3A_698] : memref<50x4x128x8x128xf32, #tpu.memory_space<hbm>> -> memref<1x4x4x8x128xf32, #tpu.memory_space<hbm>>
    %dma_wait3A_700 = tpu.memref_squeeze %dma_wait3A_699 : memref<1x4x4x8x128xf32, #tpu.memory_space<hbm>> -> memref<4x4x8x128xf32, #tpu.memory_space<hbm>>
    %dma_wait3A_701 = arith.constant 0 : i32
    %dma_wait3A_702 = arith.constant 0 : i32
    %dma_wait3A_703 = arith.constant 0 : i32
    %dma_wait3A_704 = tpu.memref_slice %arg4[%dma_wait3A_689, %dma_wait3A_701, %mul3A_2, %dma_wait3A_702, %dma_wait3A_703] : memref<50x4x128x8x128xf32, #tpu.memory_space<hbm>> -> memref<1x4x4x8x128xf32, #tpu.memory_space<hbm>>
    %dma_wait3A_705 = tpu.memref_squeeze %dma_wait3A_704 : memref<1x4x4x8x128xf32, #tpu.memory_space<hbm>> -> memref<4x4x8x128xf32, #tpu.memory_space<hbm>>
    %dma_wait3A_706 = arith.constant 0 : i32
    %dma_wait3A_707 = arith.constant 0 : i32
    %dma_wait3A_708 = arith.constant 0 : i32
    %dma_wait3A_709 = arith.constant 0 : i32
    %dma_wait3A_710 = tpu.memref_slice %arg7[%dma_wait3A_688, %dma_wait3A_706, %dma_wait3A_707, %dma_wait3A_708, %dma_wait3A_709] : memref<2x4x4x8x129xf32, #tpu.memory_space<vmem>> -> memref<1x4x4x8x128xf32, #tpu.memory_space<vmem>>
    %dma_wait3A_711 = tpu.memref_squeeze %dma_wait3A_710 : memref<1x4x4x8x128xf32, #tpu.memory_space<vmem>> -> memref<4x4x8x128xf32, #tpu.memory_space<vmem>>
    tpu.wait_dma2 semaphore(%arg10 : memref<!tpu.dma_semaphore, #tpu.memory_space<semaphore_mem>>) src(%dma_wait3A_711 : memref<4x4x8x128xf32, #tpu.memory_space<vmem>>) dst(%dma_wait3A_705 : memref<4x4x8x128xf32, #tpu.memory_space<hbm>>)
    %dma_wait3A_712 = arith.constant 1 : i32
    %dma_wait3A_713 = arith.constant 0 : i32
    %dma_wait3A_714 = arith.constant 0 : i32
    %dma_wait3A_715 = arith.constant 0 : i32
    %dma_wait3A_716 = arith.constant 0 : i32
    %dma_wait3A_717 = arith.constant 0 : i32
    %dma_wait3A_718 = tpu.memref_slice %arg7[%dma_wait3A_712, %dma_wait3A_714, %dma_wait3A_715, %dma_wait3A_716, %dma_wait3A_717] : memref<2x4x4x8x129xf32, #tpu.memory_space<vmem>> -> memref<1x4x4x8x128xf32, #tpu.memory_space<vmem>>
    %dma_wait3A_719 = tpu.memref_squeeze %dma_wait3A_718 : memref<1x4x4x8x128xf32, #tpu.memory_space<vmem>> -> memref<4x4x8x128xf32, #tpu.memory_space<vmem>>
    %dma_wait3A_720 = arith.constant 0 : i32
    %dma_wait3A_721 = arith.constant 0 : i32
    %dma_wait3A_722 = arith.constant 0 : i32
    %dma_wait3A_723 = tpu.memref_slice %arg4[%dma_wait3A_713, %dma_wait3A_720, %mul3A_2, %dma_wait3A_721, %dma_wait3A_722] : memref<50x4x128x8x128xf32, #tpu.memory_space<hbm>> -> memref<1x4x4x8x128xf32, #tpu.memory_space<hbm>>
    %dma_wait3A_724 = tpu.memref_squeeze %dma_wait3A_723 : memref<1x4x4x8x128xf32, #tpu.memory_space<hbm>> -> memref<4x4x8x128xf32, #tpu.memory_space<hbm>>
    %dma_wait3A_725 = arith.constant 0 : i32
    %dma_wait3A_726 = arith.constant 0 : i32
    %dma_wait3A_727 = arith.constant 0 : i32
    %dma_wait3A_728 = tpu.memref_slice %arg4[%dma_wait3A_713, %dma_wait3A_725, %mul3A_2, %dma_wait3A_726, %dma_wait3A_727] : memref<50x4x128x8x128xf32, #tpu.memory_space<hbm>> -> memref<1x4x4x8x128xf32, #tpu.memory_space<hbm>>
    %dma_wait3A_729 = tpu.memref_squeeze %dma_wait3A_728 : memref<1x4x4x8x128xf32, #tpu.memory_space<hbm>> -> memref<4x4x8x128xf32, #tpu.memory_space<hbm>>
    %dma_wait3A_730 = arith.constant 0 : i32
    %dma_wait3A_731 = arith.constant 0 : i32
    %dma_wait3A_732 = arith.constant 0 : i32
    %dma_wait3A_733 = arith.constant 0 : i32
    %dma_wait3A_734 = tpu.memref_slice %arg7[%dma_wait3A_712, %dma_wait3A_730, %dma_wait3A_731, %dma_wait3A_732, %dma_wait3A_733] : memref<2x4x4x8x129xf32, #tpu.memory_space<vmem>> -> memref<1x4x4x8x128xf32, #tpu.memory_space<vmem>>
    %dma_wait3A_735 = tpu.memref_squeeze %dma_wait3A_734 : memref<1x4x4x8x128xf32, #tpu.memory_space<vmem>> -> memref<4x4x8x128xf32, #tpu.memory_space<vmem>>
    tpu.wait_dma2 semaphore(%arg11 : memref<!tpu.dma_semaphore, #tpu.memory_space<semaphore_mem>>) src(%dma_wait3A_735 : memref<4x4x8x128xf32, #tpu.memory_space<vmem>>) dst(%dma_wait3A_729 : memref<4x4x8x128xf32, #tpu.memory_space<hbm>>)
    return
  }
}

module attributes {stable_mosaic.version = 14 : i64} {
  func.func @_detile_body(%arg0: i32, %arg1: memref<32x4096xf32, #tpu.memory_space<vmem>>, %arg2: memref<1x4096x32xf32, #tpu.memory_space<vmem>>) attributes {dimension_semantics = [#tpu.dimension_semantics<arbitrary>], iteration_bounds = array<i64: 245>, scalar_prefetch = 0 : i64, scratch_operands = 0 : i64, tpu.core_type = #tpu.core_type<tc>, window_params = [{transform_indices = @transform_0, window_bounds = array<i64: 32, 4096>}, {transform_indices = @transform_1, window_bounds = array<i64: 1, 4096, 32>}]} {
    %get3A = arith.constant 0 : index
    %get3A_0 = arith.constant 0 : index
    %get3A_1 = vector.load %arg1[%get3A, %get3A_0] : memref<32x4096xf32, #tpu.memory_space<vmem>>, vector<32x4096xf32>
    %transpose3A = tpu.transpose %get3A_1, [1, 0] : vector<32x4096xf32> -> vector<4096x32xf32>
    %broadcast_in_dim3A = vector.shape_cast %transpose3A : vector<4096x32xf32> to vector<1x4096x32xf32>
    %swap3A = arith.constant 0 : index
    %swap3A_2 = arith.constant 0 : index
    %swap3A_3 = arith.constant 0 : index
    %swap3A_4 = vector.load %arg2[%swap3A, %swap3A_2, %swap3A_3] : memref<1x4096x32xf32, #tpu.memory_space<vmem>>, vector<1x4096x32xf32>
    tpu.vector_store %arg2[%swap3A, %swap3A_2, %swap3A_3], %broadcast_in_dim3A {strides = array<i32>} : memref<1x4096x32xf32, #tpu.memory_space<vmem>>, vector<1x4096x32xf32>,
    return
  }
  func.func @transform_0(%arg0: i32) -> (i32, i32) {
    %c0_i32 = arith.constant 0 : i32
    %c0_i32_0 = arith.constant 0 : i32
    return %c0_i32, %arg0 : i32, i32
  }
  func.func @transform_1(%arg0: i32) -> (i32, i32, i32) {
    %c0_i32 = arith.constant 0 : i32
    %c0_i32_0 = arith.constant 0 : i32
    %c0_i32_1 = arith.constant 0 : i32
    return %arg0, %c0_i32, %c0_i32_0 : i32, i32, i32
  }
}

</mosaic_0001>

<sc_bundles>
// kernel: kernel.4.cloned.1.call-start
scs
__scs_entry_jumppad:
0x0: {  	(pc) =	sbr.rel $0x88, $3  }
0x1: {  	(tag) =	ssettag $0x0;
	lr =	simm.s32 $0x1  }
0x2: {  	[smem:$0x3F9F] =	sst lr;
	_ =	strace $0xD0000000  }
0x3: {  	_ = 	snop  }
0x4: {  	_ = 	snop  }
0x5: {  	_ = 	snop  }
0x6: {  	_ = 	snop  }
0x7: {  	_ = 	snop  }
__scs_overlays_trampoline_lowered:
0x8: {  	[smem:$0x3FAE] =	sst s0  }
0x9: {  	[smem:$0x3FAF] =	sst s1  }
0xa: {  	[smem:$0x3FB0] =	sst s2  }
0xb: {  	[smem:$0x3FB1] =	sst s3  }
0xc: {  	[smem:$0x3FB2] =	sst s4  }
0xd: {  	[smem:$0x3FB3] =	sst s5  }
0xe: {  	[smem:$0x3FB4] =	sst s6  }
0xf: {  	[smem:$0x3FB5] =	sst s7  }
0x10: {  	[smem:$0x3FB6] =	sst s8  }
0x11: {  	[smem:$0x3FB7] =	sst s9;
	s0 =	simm.s32 @!p0 $0x0  }
0x12: {  	s1 =	sld [smem:$0x3F9D];
	s0 =	simm.s32 @p0 $0x1  }
0x13: {  	[smem:$0x3FB8] =	sst s0;
	s0 =	simm.s32 @!p1 $0x0  }
0x14: {  	s2 =	sld [smem:$0x3F9C];
	s0 =	simm.s32 @p1 $0x1  }
0x15: {  	[smem:$0x3FB9] =	sst s0;
	s0 =	simm.s32 @!p2 $0x0  }
0x16: {  	s3 =	sld [smem:$0x3FDB];
	s0 =	simm.s32 @p2 $0x1  }
0x17: {  	s4 =	simm.s32 $0x1BF5;
	[smem:$0x3FBB] =	sst s0  }
0x18: {  	s0 =	sld [smem:$0x3F9E];
	_ =	swait.ge [sflag:s4], $0x0  }
0x19: {  	s7 =	sld [smem:$0x3F9F]  }
0x1a: {  	s8 =	sadd.s32 $0xFFFFE003, lr  }
0x1b: {  	s9 =	sadd.s32 $0xFFFFFEF7, lr;
	s5 =	simm.s32 $0xFFFFFFFF;
	p2 =	slt.u32 s8, $0xFFFFF086  }
0x1c: {  	p1 =	slt.u32 s9, $0xF7A;
	s5 =	simm.s32 @!p2 $0x0  }
0x1d: {  	s5 =	simm.s32 @p1 $0x1;
	p0 =	seq.s32 s7, s2  }
0x1e: {  	s7 =	smul.u32 @!p0 $0xF7A, s2;
	p2 =	seq.s32 @!p0 s5, $0x0  }
0x1f: {  	s9 =	smul.u32 $0xF7A, s1;
	s8 =	simm.s32 @!p0 $0x1BF5;
	p2 =	por !p2, p0  }
0x20: {  	[sflag:s8] =	ssyncset.s32 @!p0 $0xFFFFF086;
	s6 =	sadd.s32 @!p0 s3, s7;
	s7 =	simm.s32 @!p0 $0x108  }
0x21: {  	s3 =	sadd.s32 s3, s9;
	s6 =	sadd.s32 @!p0 $0x88, s6;
	s7 =	simm.s32 @p2 $0x1082  }
0x22: {  	[simem:s7], [sflag:s8] =	dma.local @!p0 [hbm:s6], $0xF7A  }
0x23: {  	s9 =	sor.u32 $0xD0000000, s2;
	s6 =	simm.s32 $0x108;
	_ =	swait.ge @!p0 [sflag:s8], $0x0  }
0x24: {  	s3 =	sadd.s32 $0x88, s3;
	s6 =	simm.s32 @!p1 $0x1082;
	[sflag:s4] =	ssyncset.s32 $0xFFFFF086  }
0x25: {  	[simem:s6], [sflag:s4] =	dma.local [hbm:s3], $0xF7A  }
0x26: {  	[smem:$0x3F9F] =	sst s1;
	(tag) =	ssettag s2;
	_ =	strace s9  }
0x27: {  	s1 =	sld [smem:$0x3FAF]  }
0x28: {  	s2 =	sld [smem:$0x3FB0]  }
0x29: {  	s4 =	sld [smem:$0x3FB2]  }
0x2a: {  	p0 =	seq.s32 s5, $0x0;
	s5 =	sld [smem:$0x3FB3]  }
0x2b: {  	s6 =	sld [smem:$0x3FB4]  }
0x2c: {  	s7 =	sld [smem:$0x3FB5]  }
0x2d: {  	s3 =	simm.s32 $0x108;
	s8 =	sld [smem:$0x3FB6]  }
0x2e: {  	s3 =	simm.s32 @!p0 $0x1082;
	s9 =	sld [smem:$0x3FB7]  }
0x2f: {  	lr =	sadd.s32 s0, s3;
	s0 =	sld [smem:$0x3FAE]  }
0x30: {  	s3 =	sld [smem:$0x3FB1]  }
0x31: {  	[smem:$0x3FBA] =	sst s10  }
0x32: {  	s10 =	sld [smem:$0x3FB8];
	_ =	sdelay $0x3  }
0x33: {  	p0 =	seq.s32 s10, $0x1;
	s10 =	sld [smem:$0x3FBA];
	_ =	sdelay $0x3  }
0x34: {  	[smem:$0x3FBA] =	sst s10  }
0x35: {  	s10 =	sld [smem:$0x3FB9];
	_ =	sdelay $0x3  }
0x36: {  	p1 =	seq.s32 s10, $0x1;
	s10 =	sld [smem:$0x3FBA];
	_ =	sdelay $0x3  }
0x37: {  	[smem:$0x3FBA] =	sst s10  }
0x38: {  	s10 =	sld [smem:$0x3FBB]  }
0x39: {  	_ = 	snop;
	(pc) =	sbr.ind lr, $3  }
0x3a: {  	_ = 	snop  }
0x3b: {  	_ = 	snop  }
0x3c: {  	p2 =	seq.s32 s10, $0x1;
	s10 =	sld [smem:$0x3FBA]  }
0x3d: {  	_ =	shalt  }
0x3e: {  	_ =	shalt  }
0x3f: {  	_ =	shalt  }
0x40: {  	_ =	shalt  }
0x41: {  	_ =	shalt  }
0x42: {  	_ =	shalt  }
0x43: {  	_ =	shalt  }
0x44: {  	_ =	shalt  }
0x45: {  	_ =	shalt  }
0x46: {  	_ =	shalt  }
0x47: {  	_ =	shalt  }
0x48: {  	_ =	shalt  }
0x49: {  	_ =	shalt  }
0x4a: {  	_ =	shalt  }
0x4b: {  	_ =	shalt  }
0x4c: {  	_ =	shalt  }
0x4d: {  	_ =	shalt  }
0x4e: {  	_ =	shalt  }
0x4f: {  	_ =	shalt  }
0x50: {  	_ =	shalt  }
0x51: {  	_ =	shalt  }
0x52: {  	_ =	shalt  }
0x53: {  	_ =	shalt  }
0x54: {  	_ =	shalt  }
0x55: {  	_ =	shalt  }
0x56: {  	_ =	shalt  }
0x57: {  	_ =	shalt  }
0x58: {  	_ =	shalt  }
0x59: {  	_ =	shalt  }
0x5a: {  	_ =	shalt  }
0x5b: {  	_ =	shalt  }
0x5c: {  	_ =	shalt  }
0x5d: {  	_ =	shalt  }
0x5e: {  	_ =	shalt  }
0x5f: {  	_ =	shalt  }
0x60: {  	_ =	shalt  }
0x61: {  	_ =	shalt  }
0x62: {  	_ =	shalt  }
0x63: {  	_ =	shalt  }
0x64: {  	_ =	shalt  }
0x65: {  	_ =	shalt  }
0x66: {  	_ =	shalt  }
0x67: {  	_ =	shalt  }
0x68: {  	_ =	shalt  }
0x69: {  	_ =	shalt  }
0x6a: {  	_ =	shalt  }
0x6b: {  	_ =	shalt  }
0x6c: {  	_ =	shalt  }
0x6d: {  	_ =	shalt  }
0x6e: {  	_ =	shalt  }
0x6f: {  	_ =	shalt  }
0x70: {  	_ =	shalt  }
0x71: {  	_ =	shalt  }
0x72: {  	_ =	shalt  }
0x73: {  	_ =	shalt  }
0x74: {  	_ =	shalt  }
0x75: {  	_ =	shalt  }
0x76: {  	_ =	shalt  }
0x77: {  	_ =	shalt  }
0x78: {  	_ =	shalt  }
0x79: {  	_ =	shalt  }
0x7a: {  	_ =	shalt  }
0x7b: {  	_ =	shalt  }
0x7c: {  	_ =	shalt  }
0x7d: {  	_ =	shalt  }
0x7e: {  	_ =	shalt  }
0x7f: {  	_ =	shalt  }
0x80: {  	_ =	shalt  }
0x81: {  	_ =	shalt  }
0x82: {  	_ =	shalt  }
0x83: {  	_ =	shalt  }
0x84: {  	_ =	shalt  }
0x85: {  	_ =	shalt  }
0x86: {  	_ =	shalt  }
0x87: {  	_ =	shalt  }
.Lfunc_end0:
.L_simem_size_0:
called_computation_lowered:
.L_overlay_start_0:
0x88: {  	s2 =	sld [smem:$0x3FD9]  }
0x89: {  	s3 =	sld [smem:$0x3FFE];
	_ =	sdelay $0x1  }
0x8a: {  	s1 =	srdreg.scid  }
0x8b: {  	s0 =	sand.u32 $0x1, s1  }
0x8c: {  	s17 =	sshll.u32 s0, $0xA;
	s2 =	sadd.s32 s3, s2  }
0x8d: {  	s2 =	sadd.s32 s2, s17  }
0x8e: {  	[smem:$0x3FC6] =	sst s2  }
0x8f: {  	_ = 	snop  }
0x90: {  	s2 =	sld [smem:$0x3FD0];
	(tm) =	ssettm $0x1  }
0x91: {  	s18 =	sld [smem:$0x3FFB];
	_ =	sdelay $0x3  }
0x92: {  	_ =	strace s18  }
0x93: {  	s3 =	sld [smem:$0x3FFC];
	_ =	sdelay $0x3  }
0x94: {  	_ =	strace s3  }
0x95: {  	s3 =	sld [smem:$0x3FFD];
	_ =	sdelay $0x3  }
0x96: {  	_ =	strace s3  }
0x97: {  	_ =	strace $0x8FFFFFFF  }
0x98: {  	s19 =	sld [smem:$0x3FDB];
	_ =	sdelay $0x1  }
0x99: {  	s4 =	simm.s32 $_scs_section_size  }
0x9a: {  	s5 =	simm.s32 $_size__tile_overlayer_lowered;
	s6 =	simm.s32 $_tile_overlayer_lowered  }
0x9b: {  	s22 =	simm.s32 $0x1BFF;
	s21 =	sshll.u32 s6, $0x1;
	s3 =	sadd.s32 s4, s19  }
0x9c: {  	s7 =	simm.s32 $0x0;
	s20 =	sshll.u32 s5, $0x1;
	s5 =	sadd.s32 s21, s3  }
0x9d: {  	[timem:s7], [sflag:s22] =	dma.local [hbm:s5], s20  }
0x9e: {  	_ =	swait.ge [sflag:s22], s20  }
0x9f: {  	s4 =	ssub.s32 $0x0, s20;
	[sflag:s22] =	ssyncset.done $0x0  }
0xa0: {  	[sflag:s22] =	ssyncadd.s32 s4;
	_ =	sdelay $0x1  }
0xa1: {  	s23 =	simm.s32 $0x1B8B  }
0xa2: {  	_ =	swait.ge [sflag:s23], $0x1  }
0xa3: {  	[sflag:s23] =	ssyncset.done $0x0  }
0xa4: {  	s25 =	simm.s32 $0x1B8E;
	s24 =	sld [smem:$0x3FFE];
	[sflag:s23] =	ssyncadd.s32 $0xFFFFFFFF  }
0xa5: {  	s26 =	simm.s32 $execute0_lowered;
	[smem:$0x3FD2] =	sst s25  }
0xa6: {  	s5 =	sshll.u32 s26, $0x1;
	_ =	strace $0x80000046;
	[dreg:$0x1] =	wrdreg $0xFFFFFFFF  }
0xa7: {  	s28 =	simm.s32 $_size_execute0_lowered;
	s3 =	sadd.s32 s3, s5;
	[dreg:$0x0] =	wrdreg $0x0  }
0xa8: {  	s5 =	sshll.u32 s28, $0x1;
	[dreg:$0x2] =	wrdreg s3  }
0xa9: {  	[dreg:$0x3] =	wrdreg s5  }
0xaa: {  	[dreg:$0x4] =	wrdreg $0xC0  }
0xab: {  	_ =	task [dreg:s7], $0x5FFFF  }
0xac: {  	[dreg:$0x1] =	wrdreg $0xFFFFFFFF  }
0xad: {  	[dreg:$0x0] =	wrdreg $0x60  }
0xae: {  	[dreg:$0x2] =	wrdreg s24  }
0xaf: {  	[dreg:$0x3] =	wrdreg s2  }
0xb0: {  	[dreg:$0x4] =	wrdreg $0x9  }
0xb1: {  	_ =	task.clear_ibuf [dreg:s7], $0x5FFFF;
	_ =	strace $0x90000046  }
0xb2: {  	s29 =	simm.s32 $0x9;
	_ =	strace $0x80000048  }
0xb3: {  	_ =	swait.ge [sflag:s29], $0x1  }
0xb4: {  	[sflag:s29] =	ssyncadd.s32 $0xFFFFFFFF  }
0xb5: {  	_ =	strace $0x90000048  }
0xb6: {  	_ =	sfence  }
0xb7: {  	s30 =	sld [smem:$0x0];
	_ =	sdelay $0x2  }
0xb8: {  	s31 =	sshll.u32 s1, $0xD;
	s1 =	sshrl.u32 s1, $0x2  }
0xb9: {  	s3 =	sand.u32 $0x4000, s31;
	s1 =	sadd.s32 s1, s30  }
0xba: {  	s0 =	sor.u32 s3, s0;
	s1 =	sshll.u32 s1, $0x11  }
0xbb: {  	s0 =	sor.u32 s1, s0  }
0xbc: {  	s0 =	sadd.s32 $0x8F2B, s0  }
0xbd: {  	[sflag:s0] =	ssyncadd.remote.s32 $0x1  }
0xbe: {  	_ =	sfence.sel $0xFFFF  }
0xbf: {  	[dreg:$0x0] =	wrdreg $0xFFFFFFFF;
	(pc) =	sbr.abs _section_cstart, $3  }
0xc0: {  	[dreg:$0x1] =	wrdreg $0xFFFFFFFF  }
0xc1: {  	_ =	task.clear_ibuf [dreg:s7], $0x2FFFF;
	_ =	strace $0x9FFFFFFF  }
0xc2: {  	(tm) =	ssettm $0x7FFFFFFF  }
0xc3: {  	_ =	shalt  }
tec
execute0_lowered:
.L_overlay_start_1:
0x0: {  	(tag) =	ssettag $0x1  }
0x1: {  	v0 =	vimm.s32 $0x14B8;
	vm14 =	vcmask $0x300  }
0x2: {  	v1 =	vimm.s32 $0x36B8;
	vm13 =	vcmask $0x704;
	vm12 =	vcmask $0xB08  }
0x3: {  	vm11 =	vcmask $0xF0C;
	vm10 =	vcmask $0x1310;
	vm9 =	vcmask $0x1714  }
0x4: {  	vm8 =	vcmask $0x1B18;
	vm6 =	vcmask $0x1F1C;
	vm7 =	vcmask $0x2320  }
0x5: {  	vm5 =	vcmask $0x2724;
	vm4 =	vcmask $0x2B28;
	vm3 =	vcmask $0x2F2C  }
0x6: {  	vm2 =	vcmask $0x3330;
	vm1 =	vcmask $0x3734;
	vm0 =	vcmask $0x3B38  }
0x7: {  	v2 =	vimm.s32 $0x18F8;
	v3 =	vimm.s32 $0x3AF8;
	v4 =	vimm.s32 $0x1D38  }
0x8: {  	v5 =	vimm.s32 $0x3F38;
	v6 =	vimm.s32 $0x2178;
	v7 =	vimm.s32 $0x4378  }
0x9: {  	v0 =	vsel vm14, $0x0, v0;
	v1 =	vsel vm14, $0x2200, v1;
	v2 =	vsel vm14, $0x440, v2  }
0xa: {  	v3 =	vsel vm14, $0x2640, v3;
	v4 =	vsel vm14, $0x880, v4;
	v5 =	vsel vm14, $0x2A80, v5  }
0xb: {  	v6 =	vsel vm14, $0xCC0, v6;
	v7 =	vsel vm14, $0x2EC0, v7;
	v0 =	vsel vm13, $0x88, v0  }
0xc: {  	v1 =	vsel vm13, $0x2288, v1;
	v2 =	vsel vm13, $0x4C8, v2;
	v3 =	vsel vm13, $0x26C8, v3  }
0xd: {  	v4 =	vsel vm13, $0x908, v4;
	v5 =	vsel vm13, $0x2B08, v5;
	v6 =	vsel vm13, $0xD48, v6  }
0xe: {  	v7 =	vsel vm13, $0x2F48, v7;
	v0 =	vsel vm12, $0x110, v0;
	v1 =	vsel vm12, $0x2310, v1  }
0xf: {  	v2 =	vsel vm12, $0x550, v2;
	v3 =	vsel vm12, $0x2750, v3;
	v4 =	vsel vm12, $0x990, v4  }
0x10: {  	v5 =	vsel vm12, $0x2B90, v5;
	v6 =	vsel vm12, $0xDD0, v6;
	v7 =	vsel vm12, $0x2FD0, v7  }
0x11: {  	v0 =	vsel vm11, $0x198, v0;
	v1 =	vsel vm11, $0x2398, v1;
	v2 =	vsel vm11, $0x5D8, v2  }
0x12: {  	v3 =	vsel vm11, $0x27D8, v3;
	v4 =	vsel vm11, $0xA18, v4;
	v5 =	vsel vm11, $0x2C18, v5  }
0x13: {  	v6 =	vsel vm11, $0xE58, v6;
	v7 =	vsel vm11, $0x3058, v7;
	v0 =	vsel vm10, $0x220, v0  }
0x14: {  	v1 =	vsel vm10, $0x2420, v1;
	v2 =	vsel vm10, $0x660, v2;
	v3 =	vsel vm10, $0x2860, v3  }
0x15: {  	v4 =	vsel vm10, $0xAA0, v4;
	v5 =	vsel vm10, $0x2CA0, v5;
	v6 =	vsel vm10, $0xEE0, v6  }
0x16: {  	v7 =	vsel vm10, $0x30E0, v7;
	v0 =	vsel vm9, $0x2A8, v0;
	v1 =	vsel vm9, $0x24A8, v1  }
0x17: {  	v2 =	vsel vm9, $0x6E8, v2;
	v3 =	vsel vm9, $0x28E8, v3;
	v4 =	vsel vm9, $0xB28, v4  }
0x18: {  	v5 =	vsel vm9, $0x2D28, v5;
	v6 =	vsel vm9, $0xF68, v6;
	v7 =	vsel vm9, $0x3168, v7  }
0x19: {  	v0 =	vsel vm8, $0x330, v0;
	v1 =	vsel vm8, $0x2530, v1;
	v2 =	vsel vm8, $0x770, v2  }
0x1a: {  	v3 =	vsel vm8, $0x2970, v3;
	v4 =	vsel vm8, $0xBB0, v4;
	v5 =	vsel vm8, $0x2DB0, v5  }
0x1b: {  	v6 =	vsel vm8, $0xFF0, v6;
	v7 =	vsel vm8, $0x31F0, v7;
	v0 =	vsel vm6, $0x3B8, v0  }
0x1c: {  	v1 =	vsel vm6, $0x25B8, v1;
	v2 =	vsel vm6, $0x7F8, v2;
	v3 =	vsel vm6, $0x29F8, v3  }
0x1d: {  	v4 =	vsel vm6, $0xC38, v4;
	v5 =	vsel vm6, $0x2E38, v5;
	v6 =	vsel vm6, $0x1078, v6  }
0x1e: {  	v7 =	vsel vm6, $0x3278, v7;
	v0 =	vsel vm7, $0x1100, v0;
	v1 =	vsel vm7, $0x3300, v1  }
0x1f: {  	v2 =	vsel vm7, $0x1540, v2;
	v3 =	vsel vm7, $0x3740, v3;
	v4 =	vsel vm7, $0x1980, v4  }
0x20: {  	v5 =	vsel vm7, $0x3B80, v5;
	v6 =	vsel vm7, $0x1DC0, v6;
	v7 =	vsel vm7, $0x3FC0, v7  }
0x21: {  	v0 =	vsel vm5, $0x1188, v0;
	v1 =	vsel vm5, $0x3388, v1;
	v2 =	vsel vm5, $0x15C8, v2  }
0x22: {  	s0 =	rddreg [dreg:$0x0];
	v3 =	vsel vm5, $0x37C8, v3;
	v4 =	vsel vm5, $0x1A08, v4;
	v5 =	vsel vm5, $0x3C08, v5  }
0x23: {  	s10 =	rddreg [dreg:$0x1];
	v6 =	vsel vm5, $0x1E48, v6;
	v7 =	vsel vm5, $0x4048, v7;
	v0 =	vsel vm4, $0x1210, v0  }
0x24: {  	s1 =	srdreg.scid;
	s2 =	stileid.u32;
	s3 =	simm.s32 $0x0;
	v1 =	vsel vm4, $0x3410, v1;
	v2 =	vsel vm4, $0x1650, v2;
	v3 =	vsel vm4, $0x3850, v3  }
0x25: {  	s18 =	simm.s32 $0x5;
	s17 =	simm.s32 $0x80;
	s24 =	simm.s32 $0xA400;
	v4 =	vsel vm4, $0x1A90, v4;
	v5 =	vsel vm4, $0x3C90, v5;
	v6 =	vsel vm4, $0x1ED0, v6  }
0x26: {  	s29 =	simm.s32 $0xC400;
	s31 =	simm.s32 $0xD400;
	s30 =	simm.s32 $0x2;
	v7 =	vsel vm4, $0x40D0, v7;
	v0 =	vsel vm3, $0x1298, v0;
	v1 =	vsel vm3, $0x3498, v1  }
0x27: {  	s20 =	simm.s32 $0x12800;
	s23 =	simm.s32 $0x3;
	s28 =	simm.s32 $0x4;
	v2 =	vsel vm3, $0x16D8, v2;
	v3 =	vsel vm3, $0x38D8, v3;
	v4 =	vsel vm3, $0x1B18, v4  }
0x28: {  	s15 =	simm.s32 $0x0;
	s1 =	sand.u32 $0x1, s1;
	s2 =	sshll.u32 s2, $0x1;
	v5 =	vsel vm3, $0x3D18, v5;
	v6 =	vsel vm3, $0x1F58, v6;
	v7 =	vsel vm3, $0x4158, v7  }
0x29: {  	[smem:$0x7FF] =	sst s3;
	s2 =	sor.u32 s1, s2;
	s1 =	ssub.s32 $0x2, s1;
	v0 =	vsel vm2, $0x1320, v0;
	v1 =	vsel vm2, $0x3520, v1;
	v2 =	vsel vm2, $0x1760, v2  }
0x2a: {  	_ =	strace $0x80000047;
	s4 =	sshll.u32 s2, $0x6;
	s5 =	sshrl.u32 s1, $0x1;
	v3 =	vsel vm2, $0x3960, v3;
	v4 =	vsel vm2, $0x1BA0, v4;
	v5 =	vsel vm2, $0x3DA0, v5  }
0x2b: {  	s7 =	sshll.u32 s2, $0x9;
	s2 =	simm.s32 $0xE400;
	s11 =	sadd.s32 s4, s0;
	v6 =	vsel vm2, $0x1FE0, v6;
	v7 =	vsel vm2, $0x41E0, v7;
	v0 =	vsel vm1, $0x13A8, v0  }
0x2c: {  	s4 =	sadd.s32 $0xF50600, s0;
	s26 =	ssub.s32 s1, s5;
	s9 =	sadd.s32 s10, s7;
	v1 =	vsel vm1, $0x35A8, v1;
	v2 =	vsel vm1, $0x17E8, v2;
	v3 =	vsel vm1, $0x39E8, v3  }
0x2d: {  	s10 =	sadd.s32 $0x10000, s10;
	s5 =	sadd.s32 $0x600, s11;
	s6 =	sadd.s32 $0x610, s11;
	v4 =	vsel vm1, $0x1C28, v4;
	v5 =	vsel vm1, $0x3E28, v5;
	v6 =	vsel vm1, $0x2068, v6  }
0x2e: {  	s8 =	sadd.s32 $0x620, s11;
	s11 =	sadd.s32 $0x630, s11;
	s12 =	sadd.s32 s7, s10;
	v7 =	vsel vm1, $0x4268, v7;
	v0 =	vsel vm0, $0x1430, v0;
	v1 =	vsel vm0, $0x3630, v1  }
0x2f: {  	s13 =	sadd.s32 $0x300000, s9;
	s14 =	sadd.s32 $0x310000, s9;
	s0 =	smax.u32 s26, $0x1;
	v2 =	vsel vm0, $0x1870, v2;
	v3 =	vsel vm0, $0x3A70, v3;
	v4 =	vsel vm0, $0x1CB0, v4  }
0x30: {  	s26 =	simm.s32 $0xB400;
	[dreg:$0x3] =	wrdreg s0;
	s0 =	simm.s32 $0x1;
	v5 =	vsel vm0, $0x3EB0, v5;
	v6 =	vsel vm0, $0x20F0, v6;
	v7 =	vsel vm0, $0x42F0, v7  }
.LBB2_1:
0x31: {  	[dreg:$0x4] =	wrdreg s15  }
0x32: {  	s1 =	simm.s32 $0x800;
	s15 =	sadd.s32 $0x0, s5;
	s16 =	simm.s32 $0x0  }
.LBB2_2:
0x33: {  	[tilespmem:s16], [sflag:$0x5] =	stream.linear.gather [hbm4b:s15+s3], $0x80, $0x38;
	[tilespmem:$0x16C00] =	vst v63  }
0x34: {  	s16 =	smov.u32 s1;
	p0 =	sne.s32 s1, $0x18800  }
.Ltmp0:
0x35: {  	s1 =	sadd.s32 $0x800, s1;
	(pc) =	sbr.rel @p0 .LBB2_2-.Ltmp0, $2  }
0x36: {  	_ =	sdelay $0x2  }
0x37: {  	s15 =	sadd.s32 s16, s5;
	s16 =	sshra.s32 s16, $0x2  }
0x38: {  	[tilespmem:s16], [sflag:$0x5] =	stream.linear.gather [hbm4b:s15+s3], $0x80, $0x38;
	[tilespmem:$0x16C00] =	vst v63  }
0x39: {  	_ =	swait.ge [sflag:s18], $0x1900  }
0x3a: {  	s1 =	simm.s32 $0x800;
	[sflag:s18] =	ssyncset.done $0x0  }
0x3b: {  	s15 =	sadd.s32 $0x0, s6;
	s16 =	simm.s32 $0x80;
	[sflag:s18] =	ssyncadd.s32 $0xFFFFE700  }
.LBB2_4:
0x3c: {  	[tilespmem:s16], [sflag:$0x5] =	stream.linear.gather [hbm4b:s15+s3], $0x80, $0x38;
	[tilespmem:$0x16C00] =	vst v63  }
0x3d: {  	s15 =	smov.u32 s1;
	p0 =	sne.s32 s1, $0x18800  }
.Ltmp1:
0x3e: {  	s1 =	sadd.s32 $0x800, s1;
	(pc) =	sbr.rel @p0 .LBB2_4-.Ltmp1, $3  }
0x3f: {  	_ =	sdelay $0x1  }
0x40: {  	s16 =	sshra.s32 s15, $0x2  }
0x41: {  	s15 =	sadd.s32 s15, s6;
	s16 =	sadd.s32 $0x80, s16  }
0x42: {  	[tilespmem:s16], [sflag:$0x5] =	stream.linear.gather [hbm4b:s15+s3], $0x80, $0x38;
	[tilespmem:$0x16C00] =	vst v63  }
0x43: {  	_ =	swait.ge [sflag:s18], $0x1900  }
0x44: {  	s1 =	simm.s32 $0x800;
	[sflag:s18] =	ssyncset.done $0x0  }
0x45: {  	s15 =	sadd.s32 $0x0, s8;
	s16 =	simm.s32 $0x100;
	[sflag:s18] =	ssyncadd.s32 $0xFFFFE700  }
.LBB2_6:
0x46: {  	[tilespmem:s16], [sflag:$0x5] =	stream.linear.gather [hbm4b:s15+s3], $0x80, $0x38;
	[tilespmem:$0x16C00] =	vst v63  }
0x47: {  	s15 =	smov.u32 s1;
	p0 =	sne.s32 s1, $0x18800  }
.Ltmp2:
0x48: {  	s1 =	sadd.s32 $0x800, s1;
	(pc) =	sbr.rel @p0 .LBB2_6-.Ltmp2, $3  }
0x49: {  	_ =	sdelay $0x1  }
0x4a: {  	s16 =	sshra.s32 s15, $0x2  }
0x4b: {  	s15 =	sadd.s32 s15, s8;
	s16 =	sadd.s32 $0x100, s16  }
0x4c: {  	[tilespmem:s16], [sflag:$0x5] =	stream.linear.gather [hbm4b:s15+s3], $0x80, $0x38;
	[tilespmem:$0x16C00] =	vst v63  }
0x4d: {  	_ =	swait.ge [sflag:s18], $0x1900  }
0x4e: {  	s1 =	simm.s32 $0x800;
	[sflag:s18] =	ssyncset.done $0x0  }
0x4f: {  	s15 =	sadd.s32 $0x0, s11;
	s16 =	simm.s32 $0x180;
	[sflag:s18] =	ssyncadd.s32 $0xFFFFE700  }
.LBB2_8:
0x50: {  	[tilespmem:s16], [sflag:$0x5] =	stream.linear.gather [hbm4b:s15+s3], $0x80, $0x38;
	[tilespmem:$0x16C00] =	vst v63  }
0x51: {  	s15 =	smov.u32 s1;
	p0 =	sne.s32 s1, $0x18800  }
.Ltmp3:
0x52: {  	s1 =	sadd.s32 $0x800, s1;
	(pc) =	sbr.rel @p0 .LBB2_8-.Ltmp3, $3  }
0x53: {  	_ =	sdelay $0x1  }
0x54: {  	s16 =	sshra.s32 s15, $0x2  }
0x55: {  	s15 =	sadd.s32 s15, s11;
	s16 =	sadd.s32 $0x180, s16  }
0x56: {  	[tilespmem:s16], [sflag:$0x5] =	stream.linear.gather [hbm4b:s15+s3], $0x80, $0x38;
	[tilespmem:$0x16C00] =	vst v63  }
0x57: {  	_ =	swait.ge [sflag:s18], $0x1900  }
0x58: {  	[sflag:s18] =	ssyncset.done $0x0  }
0x59: {  	s1 =	simm.s32 $0x0;
	[sflag:s18] =	ssyncadd.s32 $0xFFFFE700;
	s18 =	simm.s32 $0x6400  }
0x5a: {  	[tilespmem:s18], [sflag:$0x1] =	stream.indirect.gather [hbm4b:s4+s17], $0x20, s1, s17, $0xb8;
	[tilespmem:$0x16C00] =	vst v63  }
0x5b: {  	s19 =	simm.s32 $0x7400  }
0x5c: {  	[tilespmem:s19], [sflag:$0x1] =	stream.indirect.gather [hbm4b:s4+s17], $0x20, s17, s17, $0xb8;
	[tilespmem:$0x16C00] =	vst v63  }
0x5d: {  	s15 =	simm.s32 $0x8400;
	s21 =	simm.s32 $0x100  }
0x5e: {  	[tilespmem:s15], [sflag:$0x1] =	stream.indirect.gather [hbm4b:s4+s17], $0x20, s21, s17, $0xb8;
	[tilespmem:$0x16C00] =	vst v63  }
0x5f: {  	s22 =	simm.s32 $0x180;
	s25 =	simm.s32 $0x9400  }
0x60: {  	[tilespmem:s25], [sflag:$0x1] =	stream.indirect.gather [hbm4b:s4+s17], $0x20, s22, s17, $0xb8;
	[tilespmem:$0x16C00] =	vst v63  }
0x61: {  	s19 =	simm.s32 $0x200  }
0x62: {  	[tilespmem:s24], [sflag:$0x2] =	stream.indirect.gather [hbm4b:s4+s17], $0x20, s19, s17, $0xb8;
	[tilespmem:$0x16C00] =	vst v63  }
0x63: {  	s21 =	simm.s32 $0x280  }
0x64: {  	[tilespmem:s26], [sflag:$0x2] =	stream.indirect.gather [hbm4b:s4+s17], $0x20, s21, s17, $0xb8;
	[tilespmem:$0x16C00] =	vst v63  }
0x65: {  	s22 =	simm.s32 $0x300  }
0x66: {  	[tilespmem:s29], [sflag:$0x2] =	stream.indirect.gather [hbm4b:s4+s17], $0x20, s22, s17, $0xb8;
	[tilespmem:$0x16C00] =	vst v63  }
0x67: {  	s25 =	simm.s32 $0x380  }
0x68: {  	[tilespmem:s31], [sflag:$0x2] =	stream.indirect.gather [hbm4b:s4+s17], $0x20, s25, s17, $0xb8;
	[tilespmem:$0x16C00] =	vst v63  }
0x69: {  	_ =	swait.ge [sflag:s0], $0x1000  }
0x6a: {  	[sflag:s0] =	ssyncset.done $0x0  }
0x6b: {  	[sflag:s0] =	ssyncadd.s32 $0xFFFFF000  }
0x6c: {  	_ =	swait.ge [sflag:s0], $0x1000  }
0x6d: {  	[sflag:s0] =	ssyncset.done $0x0  }
0x6e: {  	[sflag:s0] =	ssyncadd.s32 $0xFFFFF000  }
0x6f: {  	_ =	swait.ge [sflag:s0], $0x1000  }
0x70: {  	[sflag:s0] =	ssyncset.done $0x0  }
0x71: {  	[sflag:s0] =	ssyncadd.s32 $0xFFFFF000  }
0x72: {  	_ =	swait.ge [sflag:s0], $0x1000  }
0x73: {  	[sflag:s0] =	ssyncset.done $0x0  }
0x74: {  	[sflag:s0] =	ssyncadd.s32 $0xFFFFF000  }
0x75: {  	v8 =	vmov s1;
	v9 =	vld [tilespmem:s15+$0xFFFFE000]  }
0x76: {  	v8 =	vand.u32 $0x7F, v8  }
0x77: {  	v10 =	vadd.s32 v0, v8;
	_ =	sdelay $0x2  }
0x78: {  	v9 =	vmul.f32 $5.656854150e+00, v9;
	_ =	sdelay $0x1  }
0x79: {  	[tilespmem:v10+s2+$0x0] =	vst.idx.msk $0xffff, v9  }
0x7a: {  	v9 =	vld [tilespmem:s15+$0xFFFFE010];
	_ =	sdelay $0x1  }
0x7b: {  	v10 =	vadd.s32 v1, v8;
	_ =	sdelay $0x2  }
0x7c: {  	v9 =	vmul.f32 $5.656854150e+00, v9;
	_ =	sdelay $0x1  }
0x7d: {  	[tilespmem:v10+s2+$0x0] =	vst.idx.msk $0xffff, v9  }
0x7e: {  	v9 =	vld [tilespmem:s15+$0xFFFFF000];
	_ =	sdelay $0x1  }
0x7f: {  	v10 =	vadd.s32 v2, v8;
	_ =	sdelay $0x2  }
0x80: {  	v9 =	vmul.f32 $5.656854150e+00, v9;
	_ =	sdelay $0x1  }
0x81: {  	[tilespmem:v10+s2+$0x0] =	vst.idx.msk $0xffff, v9  }
0x82: {  	v9 =	vld [tilespmem:s15+$0xFFFFF010];
	_ =	sdelay $0x1  }
0x83: {  	v10 =	vadd.s32 v3, v8;
	_ =	sdelay $0x2  }
0x84: {  	v9 =	vmul.f32 $5.656854150e+00, v9;
	_ =	sdelay $0x1  }
0x85: {  	[tilespmem:v10+s2+$0x0] =	vst.idx.msk $0xffff, v9  }
0x86: {  	v9 =	vld [tilespmem:s15+$0x0];
	_ =	sdelay $0x1  }
0x87: {  	v10 =	vadd.s32 v4, v8;
	_ =	sdelay $0x2  }
0x88: {  	v9 =	vmul.f32 $5.656854150e+00, v9;
	_ =	sdelay $0x1  }
0x89: {  	[tilespmem:v10+s2+$0x0] =	vst.idx.msk $0xffff, v9  }
0x8a: {  	v9 =	vld [tilespmem:s15+$0x10];
	_ =	sdelay $0x1  }
0x8b: {  	v10 =	vadd.s32 v5, v8;
	_ =	sdelay $0x2  }
0x8c: {  	v9 =	vmul.f32 $5.656854150e+00, v9;
	_ =	sdelay $0x1  }
0x8d: {  	[tilespmem:v10+s2+$0x0] =	vst.idx.msk $0xffff, v9  }
0x8e: {  	v9 =	vld [tilespmem:s15+$0x1000];
	_ =	sdelay $0x1  }
0x8f: {  	v10 =	vadd.s32 v6, v8;
	_ =	sdelay $0x2  }
0x90: {  	v9 =	vmul.f32 $5.656854150e+00, v9;
	_ =	sdelay $0x1  }
0x91: {  	[tilespmem:v10+s2+$0x0] =	vst.idx.msk $0xffff, v9  }
0x92: {  	v9 =	vld [tilespmem:s15+$0x1010];
	_ =	sdelay $0x1  }
0x93: {  	v8 =	vadd.s32 v7, v8;
	_ =	sdelay $0x2  }
0x94: {  	s1 =	simm.s32 $0x1;
	v9 =	vmul.f32 $5.656854150e+00, v9  }
.LBB2_10:
0x95: {  	p0 =	sne.s32 s1, $0x7F  }
0x96: {  	s15 =	sadd.s32 $0x20, s15;
	s16 =	smov.u32 s1;
	s1 =	sadd.s32 $0x1, s1;
	[tilespmem:v8+s2+$0x0] =	vst.idx.msk $0xffff, v9  }
0x97: {  	v8 =	vmov s16;
	v9 =	vld [tilespmem:s15+$0xFFFFE000]  }
0x98: {  	v8 =	vand.u32 $0x7F, v8  }
0x99: {  	v10 =	vadd.s32 v0, v8;
	_ =	sdelay $0x2  }
0x9a: {  	v9 =	vmul.f32 $5.656854150e+00, v9;
	_ =	sdelay $0x1  }
0x9b: {  	[tilespmem:v10+s2+$0x0] =	vst.idx.msk $0xffff, v9  }
0x9c: {  	v9 =	vld [tilespmem:s15+$0xFFFFE010];
	_ =	sdelay $0x1  }
0x9d: {  	v10 =	vadd.s32 v1, v8;
	_ =	sdelay $0x2  }
0x9e: {  	v9 =	vmul.f32 $5.656854150e+00, v9;
	_ =	sdelay $0x1  }
0x9f: {  	[tilespmem:v10+s2+$0x0] =	vst.idx.msk $0xffff, v9  }
0xa0: {  	v9 =	vld [tilespmem:s15+$0xFFFFF000];
	_ =	sdelay $0x1  }
0xa1: {  	v10 =	vadd.s32 v2, v8;
	_ =	sdelay $0x2  }
0xa2: {  	v9 =	vmul.f32 $5.656854150e+00, v9;
	_ =	sdelay $0x1  }
0xa3: {  	[tilespmem:v10+s2+$0x0] =	vst.idx.msk $0xffff, v9  }
0xa4: {  	v9 =	vld [tilespmem:s15+$0xFFFFF010];
	_ =	sdelay $0x1  }
0xa5: {  	v10 =	vadd.s32 v3, v8;
	_ =	sdelay $0x2  }
0xa6: {  	v9 =	vmul.f32 $5.656854150e+00, v9;
	_ =	sdelay $0x1  }
0xa7: {  	[tilespmem:v10+s2+$0x0] =	vst.idx.msk $0xffff, v9  }
0xa8: {  	v9 =	vld [tilespmem:s15+$0x0];
	_ =	sdelay $0x1  }
0xa9: {  	v10 =	vadd.s32 v4, v8;
	_ =	sdelay $0x2  }
0xaa: {  	v9 =	vmul.f32 $5.656854150e+00, v9;
	_ =	sdelay $0x1  }
0xab: {  	[tilespmem:v10+s2+$0x0] =	vst.idx.msk $0xffff, v9  }
0xac: {  	v9 =	vld [tilespmem:s15+$0x10];
	_ =	sdelay $0x1  }
0xad: {  	v10 =	vadd.s32 v5, v8;
	_ =	sdelay $0x2  }
0xae: {  	v9 =	vmul.f32 $5.656854150e+00, v9;
	_ =	sdelay $0x1  }
0xaf: {  	[tilespmem:v10+s2+$0x0] =	vst.idx.msk $0xffff, v9  }
0xb0: {  	v9 =	vld [tilespmem:s15+$0x1000];
	_ =	sdelay $0x1  }
0xb1: {  	v10 =	vadd.s32 v6, v8;
	_ =	sdelay $0x2  }
0xb2: {  	v9 =	vmul.f32 $5.656854150e+00, v9;
	_ =	sdelay $0x1  }
0xb3: {  	[tilespmem:v10+s2+$0x0] =	vst.idx.msk $0xffff, v9  }
0xb4: {  	v9 =	vld [tilespmem:s15+$0x1010]  }
.Ltmp4:
0xb5: {  	(pc) =	sbr.rel @p0 .LBB2_10-.Ltmp4, $2  }
0xb6: {  	v8 =	vadd.s32 v7, v8;
	_ =	sdelay $0x2  }
0xb7: {  	v9 =	vmul.f32 $5.656854150e+00, v9  }
0xb8: {  	_ =	sdelay $0x2  }
0xb9: {  	s1 =	simm.s32 $0xE400  }
0xba: {  	s15 =	simm.s32 $0x10;
	s18 =	sadd.s32 $0x0, s9;
	s16 =	simm.s32 $0xE488;
	[tilespmem:v8+s2+$0x0] =	vst.idx.msk $0xffff, v9  }
.LBB2_12:
0xbb: {  	[hbm4b:s18+s3] =	stream.linear.scatter [tilespmem:s1], [sflag:$0x3], $0x80, $0x38;
	[tilespmem:$0x16C00] =	vst v63  }
0xbc: {  	s18 =	smov.u32 s15;
	s1 =	smov.u32 s16;
	p0 =	sne.s32 s15, $0x1F0  }
.Ltmp5:
0xbd: {  	s15 =	sadd.s32 $0x10, s15;
	(pc) =	sbr.rel @p0 .LBB2_12-.Ltmp5, $2  }
0xbe: {  	_ =	sdelay $0x2  }
0xbf: {  	s16 =	sadd.s32 $0x88, s16;
	s18 =	sadd.s32 s18, s9  }
0xc0: {  	[hbm4b:s18+s3] =	stream.linear.scatter [tilespmem:s1], [sflag:$0x3], $0x80, $0x38;
	[tilespmem:$0x16C00] =	vst v63  }
0xc1: {  	s1 =	sadd.s32 $0x4000, s9;
	s15 =	simm.s32 $0xF500  }
0xc2: {  	s16 =	simm.s32 $0x10;
	s18 =	simm.s32 $0xF588;
	s19 =	sadd.s32 $0x0, s1  }
.LBB2_14:
0xc3: {  	[hbm4b:s19+s3] =	stream.linear.scatter [tilespmem:s15], [sflag:$0x3], $0x80, $0x38;
	[tilespmem:$0x16C00] =	vst v63  }
0xc4: {  	s19 =	smov.u32 s16;
	s15 =	smov.u32 s18;
	p0 =	sne.s32 s16, $0x1F0  }
.Ltmp6:
0xc5: {  	s16 =	sadd.s32 $0x10, s16;
	(pc) =	sbr.rel @p0 .LBB2_14-.Ltmp6, $2  }
0xc6: {  	_ =	sdelay $0x2  }
0xc7: {  	s18 =	sadd.s32 $0x88, s18;
	s19 =	sadd.s32 s19, s1  }
0xc8: {  	[hbm4b:s19+s3] =	stream.linear.scatter [tilespmem:s15], [sflag:$0x3], $0x80, $0x38;
	[tilespmem:$0x16C00] =	vst v63  }
0xc9: {  	s1 =	sadd.s32 $0x8000, s9;
	s15 =	simm.s32 $0x10600  }
0xca: {  	s16 =	simm.s32 $0x10;
	s18 =	simm.s32 $0x10688;
	s19 =	sadd.s32 $0x0, s1  }
.LBB2_16:
0xcb: {  	[hbm4b:s19+s3] =	stream.linear.scatter [tilespmem:s15], [sflag:$0x3], $0x80, $0x38;
	[tilespmem:$0x16C00] =	vst v63  }
0xcc: {  	s19 =	smov.u32 s16;
	s15 =	smov.u32 s18;
	p0 =	sne.s32 s16, $0x1F0  }
.Ltmp7:
0xcd: {  	s16 =	sadd.s32 $0x10, s16;
	(pc) =	sbr.rel @p0 .LBB2_16-.Ltmp7, $2  }
0xce: {  	_ =	sdelay $0x2  }
0xcf: {  	s18 =	sadd.s32 $0x88, s18;
	s19 =	sadd.s32 s19, s1  }
0xd0: {  	[hbm4b:s19+s3] =	stream.linear.scatter [tilespmem:s15], [sflag:$0x3], $0x80, $0x38;
	[tilespmem:$0x16C00] =	vst v63  }
0xd1: {  	s1 =	sadd.s32 $0xC000, s9;
	s15 =	simm.s32 $0x11700  }
0xd2: {  	s16 =	simm.s32 $0x10;
	s18 =	simm.s32 $0x11788;
	s19 =	sadd.s32 $0x0, s1  }
.LBB2_18:
0xd3: {  	[hbm4b:s19+s3] =	stream.linear.scatter [tilespmem:s15], [sflag:$0x3], $0x80, $0x38;
	[tilespmem:$0x16C00] =	vst v63  }
0xd4: {  	s19 =	smov.u32 s16;
	s15 =	smov.u32 s18;
	p0 =	sne.s32 s16, $0x1F0  }
.Ltmp8:
0xd5: {  	s16 =	sadd.s32 $0x10, s16;
	(pc) =	sbr.rel @p0 .LBB2_18-.Ltmp8, $2  }
0xd6: {  	_ =	sdelay $0x2  }
0xd7: {  	s18 =	sadd.s32 $0x88, s18;
	s19 =	sadd.s32 s19, s1  }
0xd8: {  	[hbm4b:s19+s3] =	stream.linear.scatter [tilespmem:s15], [sflag:$0x3], $0x80, $0x38;
	[tilespmem:$0x16C00] =	vst v63  }
0xd9: {  	s1 =	simm.s32 $0x6400;
	s25 =	simm.s32 $0x400  }
0xda: {  	[tilespmem:s1], [sflag:$0x1] =	stream.indirect.gather [hbm4b:s4+s17], $0x20, s25, s17, $0xb8;
	[tilespmem:$0x16C00] =	vst v63  }
0xdb: {  	s15 =	simm.s32 $0x7400;
	s16 =	simm.s32 $0x480  }
0xdc: {  	[tilespmem:s15], [sflag:$0x1] =	stream.indirect.gather [hbm4b:s4+s17], $0x20, s16, s17, $0xb8;
	[tilespmem:$0x16C00] =	vst v63  }
0xdd: {  	s18 =	simm.s32 $0x500;
	s19 =	simm.s32 $0x8400  }
0xde: {  	[tilespmem:s19], [sflag:$0x1] =	stream.indirect.gather [hbm4b:s4+s17], $0x20, s18, s17, $0xb8;
	[tilespmem:$0x16C00] =	vst v63  }
0xdf: {  	s21 =	simm.s32 $0x9400;
	s22 =	simm.s32 $0x580  }
0xe0: {  	[tilespmem:s21], [sflag:$0x1] =	stream.indirect.gather [hbm4b:s4+s17], $0x20, s22, s17, $0xb8;
	[tilespmem:$0x16C00] =	vst v63  }
0xe1: {  	_ =	swait.ge [sflag:s30], $0x1000  }
0xe2: {  	[sflag:s30] =	ssyncset.done $0x0  }
0xe3: {  	[sflag:s30] =	ssyncadd.s32 $0xFFFFF000  }
0xe4: {  	_ =	swait.ge [sflag:s30], $0x1000  }
0xe5: {  	[sflag:s30] =	ssyncset.done $0x0  }
0xe6: {  	[sflag:s30] =	ssyncadd.s32 $0xFFFFF000  }
0xe7: {  	_ =	swait.ge [sflag:s30], $0x1000  }
0xe8: {  	[sflag:s30] =	ssyncset.done $0x0  }
0xe9: {  	[sflag:s30] =	ssyncadd.s32 $0xFFFFF000  }
0xea: {  	_ =	swait.ge [sflag:s30], $0x1000  }
0xeb: {  	[sflag:s30] =	ssyncset.done $0x0  }
0xec: {  	s25 =	simm.s32 $0x0;
	s15 =	simm.s32 $0x0;
	[sflag:s30] =	ssyncadd.s32 $0xFFFFF000  }
0xed: {  	v8 =	vmov s15;
	v9 =	vld [tilespmem:s25+$0xA400]  }
0xee: {  	v8 =	vand.u32 $0x7F, v8  }
0xef: {  	v10 =	vadd.s32 v0, v8;
	_ =	sdelay $0x2  }
0xf0: {  	v9 =	vmul.f32 $5.656854150e+00, v9;
	_ =	sdelay $0x1  }
0xf1: {  	[tilespmem:v10+s20+$0x0] =	vst.idx.msk $0xffff, v9  }
0xf2: {  	v9 =	vld [tilespmem:s25+$0xA410];
	_ =	sdelay $0x1  }
0xf3: {  	v10 =	vadd.s32 v1, v8;
	_ =	sdelay $0x2  }
0xf4: {  	v9 =	vmul.f32 $5.656854150e+00, v9;
	_ =	sdelay $0x1  }
0xf5: {  	[tilespmem:v10+s20+$0x0] =	vst.idx.msk $0xffff, v9  }
0xf6: {  	v9 =	vld [tilespmem:s25+$0xB400];
	_ =	sdelay $0x1  }
0xf7: {  	v10 =	vadd.s32 v2, v8;
	_ =	sdelay $0x2  }
0xf8: {  	v9 =	vmul.f32 $5.656854150e+00, v9;
	_ =	sdelay $0x1  }
0xf9: {  	[tilespmem:v10+s20+$0x0] =	vst.idx.msk $0xffff, v9  }
0xfa: {  	v9 =	vld [tilespmem:s25+$0xB410];
	_ =	sdelay $0x1  }
0xfb: {  	v10 =	vadd.s32 v3, v8;
	_ =	sdelay $0x2  }
0xfc: {  	v9 =	vmul.f32 $5.656854150e+00, v9;
	_ =	sdelay $0x1  }
0xfd: {  	[tilespmem:v10+s20+$0x0] =	vst.idx.msk $0xffff, v9  }
0xfe: {  	v9 =	vld [tilespmem:s25+$0xC400];
	_ =	sdelay $0x1  }
0xff: {  	v10 =	vadd.s32 v4, v8;
	_ =	sdelay $0x2  }
0x100: {  	v9 =	vmul.f32 $5.656854150e+00, v9;
	_ =	sdelay $0x1  }
0x101: {  	[tilespmem:v10+s20+$0x0] =	vst.idx.msk $0xffff, v9  }
0x102: {  	v9 =	vld [tilespmem:s25+$0xC410];
	_ =	sdelay $0x1  }
0x103: {  	v10 =	vadd.s32 v5, v8;
	_ =	sdelay $0x2  }
0x104: {  	v9 =	vmul.f32 $5.656854150e+00, v9;
	_ =	sdelay $0x1  }
0x105: {  	[tilespmem:v10+s20+$0x0] =	vst.idx.msk $0xffff, v9  }
0x106: {  	v9 =	vld [tilespmem:s25+$0xD400];
	_ =	sdelay $0x1  }
0x107: {  	v10 =	vadd.s32 v6, v8;
	_ =	sdelay $0x2  }
0x108: {  	v9 =	vmul.f32 $5.656854150e+00, v9;
	_ =	sdelay $0x1  }
0x109: {  	[tilespmem:v10+s20+$0x0] =	vst.idx.msk $0xffff, v9  }
0x10a: {  	v9 =	vld [tilespmem:s25+$0xD410];
	_ =	sdelay $0x1  }
0x10b: {  	v8 =	vadd.s32 v7, v8;
	_ =	sdelay $0x2  }
0x10c: {  	s1 =	simm.s32 $0x80;
	s19 =	simm.s32 $0x100;
	v9 =	vmul.f32 $5.656854150e+00, v9  }
.LBB2_20:
0x10d: {  	s18 =	sshra.s32 s1, $0x2  }
0x10e: {  	s15 =	sadd.s32 $0x1, s15;
	s1 =	smov.u32 s19;
	s16 =	sadd.s32 $0x80, s19;
	[tilespmem:v8+s20+$0x0] =	vst.idx.msk $0xffff, v9  }
0x10f: {  	p0 =	sne.s32 s19, $0x3F80;
	v8 =	vmov s15;
	v9 =	vld [tilespmem:s18+$0xA400]  }
0x110: {  	v8 =	vand.u32 $0x7F, v8  }
0x111: {  	v10 =	vadd.s32 v0, v8;
	_ =	sdelay $0x2  }
0x112: {  	v9 =	vmul.f32 $5.656854150e+00, v9;
	_ =	sdelay $0x1  }
0x113: {  	[tilespmem:v10+s20+$0x0] =	vst.idx.msk $0xffff, v9  }
0x114: {  	v9 =	vld [tilespmem:s18+$0xA410];
	_ =	sdelay $0x1  }
0x115: {  	v10 =	vadd.s32 v1, v8;
	_ =	sdelay $0x2  }
0x116: {  	v9 =	vmul.f32 $5.656854150e+00, v9;
	_ =	sdelay $0x1  }
0x117: {  	[tilespmem:v10+s20+$0x0] =	vst.idx.msk $0xffff, v9  }
0x118: {  	v9 =	vld [tilespmem:s18+$0xB400];
	_ =	sdelay $0x1  }
0x119: {  	v10 =	vadd.s32 v2, v8;
	_ =	sdelay $0x2  }
0x11a: {  	v9 =	vmul.f32 $5.656854150e+00, v9;
	_ =	sdelay $0x1  }
0x11b: {  	[tilespmem:v10+s20+$0x0] =	vst.idx.msk $0xffff, v9  }
0x11c: {  	v9 =	vld [tilespmem:s18+$0xB410];
	_ =	sdelay $0x1  }
0x11d: {  	v10 =	vadd.s32 v3, v8;
	_ =	sdelay $0x2  }
0x11e: {  	v9 =	vmul.f32 $5.656854150e+00, v9;
	_ =	sdelay $0x1  }
0x11f: {  	[tilespmem:v10+s20+$0x0] =	vst.idx.msk $0xffff, v9  }
0x120: {  	v9 =	vld [tilespmem:s18+$0xC400];
	_ =	sdelay $0x1  }
0x121: {  	v10 =	vadd.s32 v4, v8;
	_ =	sdelay $0x2  }
0x122: {  	v9 =	vmul.f32 $5.656854150e+00, v9;
	_ =	sdelay $0x1  }
0x123: {  	[tilespmem:v10+s20+$0x0] =	vst.idx.msk $0xffff, v9  }
0x124: {  	v9 =	vld [tilespmem:s18+$0xC410];
	_ =	sdelay $0x1  }
0x125: {  	v10 =	vadd.s32 v5, v8;
	_ =	sdelay $0x2  }
0x126: {  	v9 =	vmul.f32 $5.656854150e+00, v9;
	_ =	sdelay $0x1  }
0x127: {  	[tilespmem:v10+s20+$0x0] =	vst.idx.msk $0xffff, v9  }
0x128: {  	v9 =	vld [tilespmem:s18+$0xD400];
	_ =	sdelay $0x1  }
0x129: {  	v10 =	vadd.s32 v6, v8;
	_ =	sdelay $0x2  }
0x12a: {  	v9 =	vmul.f32 $5.656854150e+00, v9;
	_ =	sdelay $0x1  }
0x12b: {  	[tilespmem:v10+s20+$0x0] =	vst.idx.msk $0xffff, v9  }
0x12c: {  	v9 =	vld [tilespmem:s18+$0xD410]  }
.Ltmp9:
0x12d: {  	(pc) =	sbr.rel @p0 .LBB2_20-.Ltmp9, $2  }
0x12e: {  	v8 =	vadd.s32 v7, v8;
	_ =	sdelay $0x2  }
0x12f: {  	s19 =	smov.u32 s16;
	v9 =	vmul.f32 $5.656854150e+00, v9  }
0x130: {  	_ =	sdelay $0x3  }
0x131: {  	s1 =	sshra.s32 s1, $0x2;
	s15 =	sadd.s32 $0x1, s15;
	[tilespmem:v8+s20+$0x0] =	vst.idx.msk $0xffff, v9  }
0x132: {  	v8 =	vmov s15;
	v9 =	vld [tilespmem:s1+$0xA400]  }
0x133: {  	v8 =	vand.u32 $0x7F, v8  }
0x134: {  	v10 =	vadd.s32 v0, v8;
	_ =	sdelay $0x2  }
0x135: {  	v9 =	vmul.f32 $5.656854150e+00, v9;
	_ =	sdelay $0x1  }
0x136: {  	[tilespmem:v10+s20+$0x0] =	vst.idx.msk $0xffff, v9  }
0x137: {  	v9 =	vld [tilespmem:s1+$0xA410];
	_ =	sdelay $0x1  }
0x138: {  	v58 =	vadd.s32 v1, v8;
	_ =	sdelay $0x2  }
0x139: {  	v9 =	vmul.f32 $5.656854150e+00, v9;
	_ =	sdelay $0x1  }
0x13a: {  	[tilespmem:v58+s20+$0x0] =	vst.idx.msk $0xffff, v9  }
0x13b: {  	v9 =	vld [tilespmem:s1+$0xB400];
	_ =	sdelay $0x1  }
0x13c: {  	v59 =	vadd.s32 v2, v8;
	_ =	sdelay $0x2  }
0x13d: {  	v9 =	vmul.f32 $5.656854150e+00, v9;
	_ =	sdelay $0x1  }
0x13e: {  	[tilespmem:v59+s20+$0x0] =	vst.idx.msk $0xffff, v9  }
0x13f: {  	v9 =	vld [tilespmem:s1+$0xB410];
	_ =	sdelay $0x1  }
0x140: {  	v60 =	vadd.s32 v3, v8;
	_ =	sdelay $0x2  }
0x141: {  	v9 =	vmul.f32 $5.656854150e+00, v9;
	_ =	sdelay $0x1  }
0x142: {  	[tilespmem:v60+s20+$0x0] =	vst.idx.msk $0xffff, v9  }
0x143: {  	v9 =	vld [tilespmem:s1+$0xC400];
	_ =	sdelay $0x1  }
0x144: {  	v61 =	vadd.s32 v4, v8;
	_ =	sdelay $0x2  }
0x145: {  	v9 =	vmul.f32 $5.656854150e+00, v9;
	_ =	sdelay $0x1  }
0x146: {  	[tilespmem:v61+s20+$0x0] =	vst.idx.msk $0xffff, v9  }
0x147: {  	v9 =	vld [tilespmem:s1+$0xC410];
	_ =	sdelay $0x1  }
0x148: {  	v62 =	vadd.s32 v5, v8;
	_ =	sdelay $0x2  }
0x149: {  	v9 =	vmul.f32 $5.656854150e+00, v9;
	_ =	sdelay $0x1  }
0x14a: {  	[tilespmem:v62+s20+$0x0] =	vst.idx.msk $0xffff, v9  }
0x14b: {  	v9 =	vld [tilespmem:s1+$0xD400];
	_ =	sdelay $0x1  }
0x14c: {  	v63 =	vadd.s32 v6, v8;
	_ =	sdelay $0x2  }
0x14d: {  	v9 =	vmul.f32 $5.656854150e+00, v9;
	_ =	sdelay $0x1  }
0x14e: {  	[tilespmem:v63+s20+$0x0] =	vst.idx.msk $0xffff, v9  }
0x14f: {  	v9 =	vld [tilespmem:s1+$0xD410];
	_ =	sdelay $0x1  }
0x150: {  	v8 =	vadd.s32 v7, v8;
	_ =	sdelay $0x2  }
0x151: {  	v9 =	vmul.f32 $5.656854150e+00, v9  }
0x152: {  	s18 =	sadd.s32 $0x0, s12  }
0x153: {  	s16 =	simm.s32 $0x12888;
	s15 =	simm.s32 $0x10;
	s1 =	simm.s32 $0x12800;
	[tilespmem:v8+s20+$0x0] =	vst.idx.msk $0xffff, v9  }
.LBB2_22:
0x154: {  	[hbm4b:s18+s3] =	stream.linear.scatter [tilespmem:s1], [sflag:$0x4], $0x80, $0x38;
	[tilespmem:$0x16C00] =	vst v63  }
0x155: {  	s18 =	smov.u32 s15;
	s1 =	smov.u32 s16;
	p0 =	sne.s32 s15, $0x1F0  }
.Ltmp10:
0x156: {  	s15 =	sadd.s32 $0x10, s15;
	(pc) =	sbr.rel @p0 .LBB2_22-.Ltmp10, $2  }
0x157: {  	_ =	sdelay $0x2  }
0x158: {  	s16 =	sadd.s32 $0x88, s16;
	s18 =	sadd.s32 s18, s12  }
0x159: {  	[hbm4b:s18+s3] =	stream.linear.scatter [tilespmem:s1], [sflag:$0x4], $0x80, $0x38;
	[tilespmem:$0x16C00] =	vst v63  }
0x15a: {  	s1 =	sadd.s32 $0x4000, s12;
	s15 =	simm.s32 $0x13900  }
0x15b: {  	s16 =	simm.s32 $0x10;
	s18 =	simm.s32 $0x13988;
	s19 =	sadd.s32 $0x0, s1  }
.LBB2_24:
0x15c: {  	[hbm4b:s19+s3] =	stream.linear.scatter [tilespmem:s15], [sflag:$0x4], $0x80, $0x38;
	[tilespmem:$0x16C00] =	vst v63  }
0x15d: {  	s19 =	smov.u32 s16;
	s15 =	smov.u32 s18;
	p0 =	sne.s32 s16, $0x1F0  }
.Ltmp11:
0x15e: {  	s16 =	sadd.s32 $0x10, s16;
	(pc) =	sbr.rel @p0 .LBB2_24-.Ltmp11, $2  }
0x15f: {  	_ =	sdelay $0x2  }
0x160: {  	s18 =	sadd.s32 $0x88, s18;
	s19 =	sadd.s32 s19, s1  }
0x161: {  	[hbm4b:s19+s3] =	stream.linear.scatter [tilespmem:s15], [sflag:$0x4], $0x80, $0x38;
	[tilespmem:$0x16C00] =	vst v63  }
0x162: {  	s1 =	sadd.s32 $0x8000, s12;
	s15 =	simm.s32 $0x14A00  }
0x163: {  	s16 =	simm.s32 $0x10;
	s18 =	simm.s32 $0x14A88;
	s19 =	sadd.s32 $0x0, s1  }
.LBB2_26:
0x164: {  	[hbm4b:s19+s3] =	stream.linear.scatter [tilespmem:s15], [sflag:$0x4], $0x80, $0x38;
	[tilespmem:$0x16C00] =	vst v63  }
0x165: {  	s19 =	smov.u32 s16;
	s15 =	smov.u32 s18;
	p0 =	sne.s32 s16, $0x1F0  }
.Ltmp12:
0x166: {  	s16 =	sadd.s32 $0x10, s16;
	(pc) =	sbr.rel @p0 .LBB2_26-.Ltmp12, $2  }
0x167: {  	_ =	sdelay $0x2  }
0x168: {  	s18 =	sadd.s32 $0x88, s18;
	s19 =	sadd.s32 s19, s1  }
0x169: {  	[hbm4b:s19+s3] =	stream.linear.scatter [tilespmem:s15], [sflag:$0x4], $0x80, $0x38;
	[tilespmem:$0x16C00] =	vst v63  }
0x16a: {  	s1 =	sadd.s32 $0xC000, s12;
	s15 =	simm.s32 $0x15B00  }
0x16b: {  	s16 =	simm.s32 $0x10;
	s18 =	simm.s32 $0x15B88;
	s19 =	sadd.s32 $0x0, s1  }
.LBB2_28:
0x16c: {  	[hbm4b:s19+s3] =	stream.linear.scatter [tilespmem:s15], [sflag:$0x4], $0x80, $0x38;
	[tilespmem:$0x16C00] =	vst v63  }
0x16d: {  	s19 =	smov.u32 s16;
	s15 =	smov.u32 s18;
	p0 =	sne.s32 s16, $0x1F0  }
.Ltmp13:
0x16e: {  	s16 =	sadd.s32 $0x10, s16;
	(pc) =	sbr.rel @p0 .LBB2_28-.Ltmp13, $2  }
0x16f: {  	_ =	sdelay $0x2  }
0x170: {  	s18 =	sadd.s32 $0x88, s18;
	s19 =	sadd.s32 s19, s1  }
0x171: {  	[hbm4b:s19+s3] =	stream.linear.scatter [tilespmem:s15], [sflag:$0x4], $0x80, $0x38;
	[tilespmem:$0x16C00] =	vst v63  }
0x172: {  	s1 =	simm.s32 $0x600  }
0x173: {  	[tilespmem:s24], [sflag:$0x2] =	stream.indirect.gather [hbm4b:s4+s17], $0x20, s1, s17, $0xb8;
	[tilespmem:$0x16C00] =	vst v63  }
0x174: {  	s21 =	simm.s32 $0x680  }
0x175: {  	[tilespmem:s26], [sflag:$0x2] =	stream.indirect.gather [hbm4b:s4+s17], $0x20, s21, s17, $0xb8;
	[tilespmem:$0x16C00] =	vst v63  }
0x176: {  	s22 =	simm.s32 $0x700  }
0x177: {  	[tilespmem:s29], [sflag:$0x2] =	stream.indirect.gather [hbm4b:s4+s17], $0x20, s22, s17, $0xb8;
	[tilespmem:$0x16C00] =	vst v63  }
0x178: {  	s25 =	simm.s32 $0x780;
	s15 =	simm.s32 $0x1  }
0x179: {  	[tilespmem:s31], [sflag:$0x2] =	stream.indirect.gather [hbm4b:s4+s17], $0x20, s25, s17, $0xb8;
	[tilespmem:$0x16C00] =	vst v63  }
.LBB2_30:
0x17a: {  	_ =	swait.ge [sflag:s0], $0x1000  }
0x17b: {  	[sflag:s0] =	ssyncset.done $0x0  }
0x17c: {  	[sflag:s0] =	ssyncadd.s32 $0xFFFFF000  }
0x17d: {  	_ =	swait.ge [sflag:s0], $0x1000  }
0x17e: {  	[sflag:s0] =	ssyncset.done $0x0  }
0x17f: {  	[sflag:s0] =	ssyncadd.s32 $0xFFFFF000  }
0x180: {  	_ =	swait.ge [sflag:s0], $0x1000  }
0x181: {  	[sflag:s0] =	ssyncset.done $0x0  }
0x182: {  	[sflag:s0] =	ssyncadd.s32 $0xFFFFF000  }
0x183: {  	_ =	swait.ge [sflag:s0], $0x1000  }
0x184: {  	[sflag:s0] =	ssyncset.done $0x0  }
0x185: {  	[sflag:s0] =	ssyncadd.s32 $0xFFFFF000  }
0x186: {  	_ =	swait.ge [sflag:s23], $0x4000  }
0x187: {  	[sflag:s23] =	ssyncset.done $0x0  }
0x188: {  	s16 =	simm.s32 $0x0;
	s1 =	simm.s32 $0x8400;
	[sflag:s23] =	ssyncadd.s32 $0xFFFFC000  }
0x189: {  	v8 =	vmov s16;
	v9 =	vld [tilespmem:s1+$0xFFFFE000]  }
0x18a: {  	v8 =	vand.u32 $0x7F, v8  }
0x18b: {  	v10 =	vadd.s32 v0, v8;
	_ =	sdelay $0x2  }
0x18c: {  	v9 =	vmul.f32 $5.656854150e+00, v9;
	_ =	sdelay $0x1  }
0x18d: {  	[tilespmem:v10+s2+$0x0] =	vst.idx.msk $0xffff, v9  }
0x18e: {  	v9 =	vld [tilespmem:s1+$0xFFFFE010];
	_ =	sdelay $0x1  }
0x18f: {  	v10 =	vadd.s32 v1, v8;
	_ =	sdelay $0x2  }
0x190: {  	v9 =	vmul.f32 $5.656854150e+00, v9;
	_ =	sdelay $0x1  }
0x191: {  	[tilespmem:v10+s2+$0x0] =	vst.idx.msk $0xffff, v9  }
0x192: {  	v9 =	vld [tilespmem:s1+$0xFFFFF000];
	_ =	sdelay $0x1  }
0x193: {  	v10 =	vadd.s32 v2, v8;
	_ =	sdelay $0x2  }
0x194: {  	v9 =	vmul.f32 $5.656854150e+00, v9;
	_ =	sdelay $0x1  }
0x195: {  	[tilespmem:v10+s2+$0x0] =	vst.idx.msk $0xffff, v9  }
0x196: {  	v9 =	vld [tilespmem:s1+$0xFFFFF010];
	_ =	sdelay $0x1  }
0x197: {  	v10 =	vadd.s32 v3, v8;
	_ =	sdelay $0x2  }
0x198: {  	v9 =	vmul.f32 $5.656854150e+00, v9;
	_ =	sdelay $0x1  }
0x199: {  	[tilespmem:v10+s2+$0x0] =	vst.idx.msk $0xffff, v9  }
0x19a: {  	v9 =	vld [tilespmem:s1+$0x0];
	_ =	sdelay $0x1  }
0x19b: {  	v10 =	vadd.s32 v4, v8;
	_ =	sdelay $0x2  }
0x19c: {  	v9 =	vmul.f32 $5.656854150e+00, v9;
	_ =	sdelay $0x1  }
0x19d: {  	[tilespmem:v10+s2+$0x0] =	vst.idx.msk $0xffff, v9  }
0x19e: {  	v9 =	vld [tilespmem:s1+$0x10];
	_ =	sdelay $0x1  }
0x19f: {  	v10 =	vadd.s32 v5, v8;
	_ =	sdelay $0x2  }
0x1a0: {  	v9 =	vmul.f32 $5.656854150e+00, v9;
	_ =	sdelay $0x1  }
0x1a1: {  	[tilespmem:v10+s2+$0x0] =	vst.idx.msk $0xffff, v9  }
0x1a2: {  	v9 =	vld [tilespmem:s1+$0x1000];
	_ =	sdelay $0x1  }
0x1a3: {  	v10 =	vadd.s32 v6, v8;
	_ =	sdelay $0x2  }
0x1a4: {  	v9 =	vmul.f32 $5.656854150e+00, v9;
	_ =	sdelay $0x1  }
0x1a5: {  	[tilespmem:v10+s2+$0x0] =	vst.idx.msk $0xffff, v9  }
0x1a6: {  	v9 =	vld [tilespmem:s1+$0x1010];
	_ =	sdelay $0x1  }
0x1a7: {  	v8 =	vadd.s32 v7, v8;
	_ =	sdelay $0x2  }
0x1a8: {  	s16 =	simm.s32 $0x1;
	v9 =	vmul.f32 $5.656854150e+00, v9  }
.LBB2_31:
0x1a9: {  	p0 =	sne.s32 s16, $0x7F  }
0x1aa: {  	s1 =	sadd.s32 $0x20, s1;
	s18 =	smov.u32 s16;
	s16 =	sadd.s32 $0x1, s16;
	[tilespmem:v8+s2+$0x0] =	vst.idx.msk $0xffff, v9  }
0x1ab: {  	v8 =	vmov s18;
	v9 =	vld [tilespmem:s1+$0xFFFFE000]  }
0x1ac: {  	v8 =	vand.u32 $0x7F, v8  }
0x1ad: {  	v10 =	vadd.s32 v0, v8;
	_ =	sdelay $0x2  }
0x1ae: {  	v9 =	vmul.f32 $5.656854150e+00, v9;
	_ =	sdelay $0x1  }
0x1af: {  	[tilespmem:v10+s2+$0x0] =	vst.idx.msk $0xffff, v9  }
0x1b0: {  	v9 =	vld [tilespmem:s1+$0xFFFFE010];
	_ =	sdelay $0x1  }
0x1b1: {  	v10 =	vadd.s32 v1, v8;
	_ =	sdelay $0x2  }
0x1b2: {  	v9 =	vmul.f32 $5.656854150e+00, v9;
	_ =	sdelay $0x1  }
0x1b3: {  	[tilespmem:v10+s2+$0x0] =	vst.idx.msk $0xffff, v9  }
0x1b4: {  	v9 =	vld [tilespmem:s1+$0xFFFFF000];
	_ =	sdelay $0x1  }
0x1b5: {  	v10 =	vadd.s32 v2, v8;
	_ =	sdelay $0x2  }
0x1b6: {  	v9 =	vmul.f32 $5.656854150e+00, v9;
	_ =	sdelay $0x1  }
0x1b7: {  	[tilespmem:v10+s2+$0x0] =	vst.idx.msk $0xffff, v9  }
0x1b8: {  	v9 =	vld [tilespmem:s1+$0xFFFFF010];
	_ =	sdelay $0x1  }
0x1b9: {  	v10 =	vadd.s32 v3, v8;
	_ =	sdelay $0x2  }
0x1ba: {  	v9 =	vmul.f32 $5.656854150e+00, v9;
	_ =	sdelay $0x1  }
0x1bb: {  	[tilespmem:v10+s2+$0x0] =	vst.idx.msk $0xffff, v9  }
0x1bc: {  	v9 =	vld [tilespmem:s1+$0x0];
	_ =	sdelay $0x1  }
0x1bd: {  	v10 =	vadd.s32 v4, v8;
	_ =	sdelay $0x2  }
0x1be: {  	v9 =	vmul.f32 $5.656854150e+00, v9;
	_ =	sdelay $0x1  }
0x1bf: {  	[tilespmem:v10+s2+$0x0] =	vst.idx.msk $0xffff, v9  }
0x1c0: {  	v9 =	vld [tilespmem:s1+$0x10];
	_ =	sdelay $0x1  }
0x1c1: {  	v10 =	vadd.s32 v5, v8;
	_ =	sdelay $0x2  }
0x1c2: {  	v9 =	vmul.f32 $5.656854150e+00, v9;
	_ =	sdelay $0x1  }
0x1c3: {  	[tilespmem:v10+s2+$0x0] =	vst.idx.msk $0xffff, v9  }
0x1c4: {  	v9 =	vld [tilespmem:s1+$0x1000];
	_ =	sdelay $0x1  }
0x1c5: {  	v10 =	vadd.s32 v6, v8;
	_ =	sdelay $0x2  }
0x1c6: {  	v9 =	vmul.f32 $5.656854150e+00, v9;
	_ =	sdelay $0x1  }
0x1c7: {  	[tilespmem:v10+s2+$0x0] =	vst.idx.msk $0xffff, v9  }
0x1c8: {  	v9 =	vld [tilespmem:s1+$0x1010]  }
.Ltmp14:
0x1c9: {  	(pc) =	sbr.rel @p0 .LBB2_31-.Ltmp14, $2  }
0x1ca: {  	v8 =	vadd.s32 v7, v8;
	_ =	sdelay $0x2  }
0x1cb: {  	v9 =	vmul.f32 $5.656854150e+00, v9  }
0x1cc: {  	_ = 	snop  }
0x1cd: {  	s1 =	sshll.u32 s15, $0x11  }
0x1ce: {  	s25 =	rddreg [dreg:$0x1];
	s21 =	sor.u32 s7, s1  }
0x1cf: {  	s16 =	simm.s32 $0xE400;
	s1 =	sadd.s32 s25, s21  }
0x1d0: {  	s18 =	simm.s32 $0x10;
	s19 =	simm.s32 $0xE488;
	[tilespmem:v8+s2+$0x0] =	vst.idx.msk $0xffff, v9;
	s22 =	sadd.s32 $0x0, s1  }
.LBB2_33:
0x1d1: {  	[hbm4b:s22+s3] =	stream.linear.scatter [tilespmem:s16], [sflag:$0x3], $0x80, $0x38;
	[tilespmem:$0x16C00] =	vst v63  }
0x1d2: {  	s22 =	smov.u32 s18;
	s16 =	smov.u32 s19;
	p0 =	sne.s32 s18, $0x1F0  }
.Ltmp15:
0x1d3: {  	s18 =	sadd.s32 $0x10, s18;
	(pc) =	sbr.rel @p0 .LBB2_33-.Ltmp15, $2  }
0x1d4: {  	_ =	sdelay $0x2  }
0x1d5: {  	s19 =	sadd.s32 $0x88, s19;
	s22 =	sadd.s32 s22, s1  }
0x1d6: {  	[hbm4b:s22+s3] =	stream.linear.scatter [tilespmem:s16], [sflag:$0x3], $0x80, $0x38;
	[tilespmem:$0x16C00] =	vst v63  }
0x1d7: {  	s16 =	sadd.s32 $0x4000, s1;
	s18 =	simm.s32 $0xF500  }
0x1d8: {  	s19 =	simm.s32 $0x10;
	s25 =	simm.s32 $0xF588;
	s22 =	sadd.s32 $0x0, s16  }
.LBB2_35:
0x1d9: {  	[hbm4b:s22+s3] =	stream.linear.scatter [tilespmem:s18], [sflag:$0x3], $0x80, $0x38;
	[tilespmem:$0x16C00] =	vst v63  }
0x1da: {  	s22 =	smov.u32 s19;
	s18 =	smov.u32 s25;
	p0 =	sne.s32 s19, $0x1F0  }
.Ltmp16:
0x1db: {  	s19 =	sadd.s32 $0x10, s19;
	(pc) =	sbr.rel @p0 .LBB2_35-.Ltmp16, $2  }
0x1dc: {  	_ =	sdelay $0x2  }
0x1dd: {  	s25 =	sadd.s32 $0x88, s25;
	s22 =	sadd.s32 s22, s16  }
0x1de: {  	[hbm4b:s22+s3] =	stream.linear.scatter [tilespmem:s18], [sflag:$0x3], $0x80, $0x38;
	[tilespmem:$0x16C00] =	vst v63  }
0x1df: {  	s16 =	sadd.s32 $0x8000, s1;
	s18 =	simm.s32 $0x10600  }
0x1e0: {  	s19 =	simm.s32 $0x10;
	s25 =	simm.s32 $0x10688;
	s22 =	sadd.s32 $0x0, s16  }
.LBB2_37:
0x1e1: {  	[hbm4b:s22+s3] =	stream.linear.scatter [tilespmem:s18], [sflag:$0x3], $0x80, $0x38;
	[tilespmem:$0x16C00] =	vst v63  }
0x1e2: {  	s22 =	smov.u32 s19;
	s18 =	smov.u32 s25;
	p0 =	sne.s32 s19, $0x1F0  }
.Ltmp17:
0x1e3: {  	s19 =	sadd.s32 $0x10, s19;
	(pc) =	sbr.rel @p0 .LBB2_37-.Ltmp17, $2  }
0x1e4: {  	_ =	sdelay $0x2  }
0x1e5: {  	s25 =	sadd.s32 $0x88, s25;
	s22 =	sadd.s32 s22, s16  }
0x1e6: {  	[hbm4b:s22+s3] =	stream.linear.scatter [tilespmem:s18], [sflag:$0x3], $0x80, $0x38;
	[tilespmem:$0x16C00] =	vst v63  }
0x1e7: {  	s1 =	sadd.s32 $0xC000, s1;
	s16 =	simm.s32 $0x11700  }
0x1e8: {  	s18 =	simm.s32 $0x10;
	s19 =	simm.s32 $0x11788;
	s22 =	sadd.s32 $0x0, s1  }
.LBB2_39:
0x1e9: {  	[hbm4b:s22+s3] =	stream.linear.scatter [tilespmem:s16], [sflag:$0x3], $0x80, $0x38;
	[tilespmem:$0x16C00] =	vst v63  }
0x1ea: {  	s22 =	smov.u32 s18;
	s16 =	smov.u32 s19;
	p0 =	sne.s32 s18, $0x1F0  }
.Ltmp18:
0x1eb: {  	s18 =	sadd.s32 $0x10, s18;
	(pc) =	sbr.rel @p0 .LBB2_39-.Ltmp18, $2  }
0x1ec: {  	_ =	sdelay $0x2  }
0x1ed: {  	s19 =	sadd.s32 $0x88, s19;
	s22 =	sadd.s32 s22, s1  }
0x1ee: {  	[hbm4b:s22+s3] =	stream.linear.scatter [tilespmem:s16], [sflag:$0x3], $0x80, $0x38;
	[tilespmem:$0x16C00] =	vst v63  }
0x1ef: {  	s1 =	sshll.u32 s15, $0xA  }
0x1f0: {  	s16 =	sand.u32 $0x3FFFFC00, s1  }
0x1f1: {  	s18 =	simm.s32 $0x6400;
	s1 =	sadd.s32 $0x400, s16  }
0x1f2: {  	[tilespmem:s18], [sflag:$0x1] =	stream.indirect.gather [hbm4b:s4+s17], $0x20, s1, s17, $0xb8;
	[tilespmem:$0x16C00] =	vst v63  }
0x1f3: {  	s19 =	simm.s32 $0x7400;
	s18 =	sadd.s32 $0x480, s16  }
0x1f4: {  	[tilespmem:s19], [sflag:$0x1] =	stream.indirect.gather [hbm4b:s4+s17], $0x20, s18, s17, $0xb8;
	[tilespmem:$0x16C00] =	vst v63  }
0x1f5: {  	s25 =	simm.s32 $0x8400;
	s22 =	sadd.s32 $0x500, s16  }
0x1f6: {  	[tilespmem:s25], [sflag:$0x1] =	stream.indirect.gather [hbm4b:s4+s17], $0x20, s22, s17, $0xb8;
	[tilespmem:$0x16C00] =	vst v63  }
0x1f7: {  	s19 =	sadd.s32 $0x580, s16;
	s22 =	simm.s32 $0x9400  }
0x1f8: {  	[tilespmem:s22], [sflag:$0x1] =	stream.indirect.gather [hbm4b:s4+s17], $0x20, s19, s17, $0xb8;
	[tilespmem:$0x16C00] =	vst v63  }
0x1f9: {  	_ =	swait.ge [sflag:s30], $0x1000  }
0x1fa: {  	[sflag:s30] =	ssyncset.done $0x0  }
0x1fb: {  	[sflag:s30] =	ssyncadd.s32 $0xFFFFF000  }
0x1fc: {  	_ =	swait.ge [sflag:s30], $0x1000  }
0x1fd: {  	[sflag:s30] =	ssyncset.done $0x0  }
0x1fe: {  	[sflag:s30] =	ssyncadd.s32 $0xFFFFF000  }
0x1ff: {  	_ =	swait.ge [sflag:s30], $0x1000  }
0x200: {  	[sflag:s30] =	ssyncset.done $0x0  }
0x201: {  	[sflag:s30] =	ssyncadd.s32 $0xFFFFF000  }
0x202: {  	_ =	swait.ge [sflag:s30], $0x1000  }
0x203: {  	[sflag:s30] =	ssyncset.done $0x0  }
0x204: {  	[sflag:s30] =	ssyncadd.s32 $0xFFFFF000  }
0x205: {  	_ =	swait.ge [sflag:s28], $0x4000  }
0x206: {  	[sflag:s28] =	ssyncset.done $0x0  }
0x207: {  	s1 =	simm.s32 $0x0;
	s25 =	simm.s32 $0x0;
	[sflag:s28] =	ssyncadd.s32 $0xFFFFC000  }
0x208: {  	v8 =	vmov s1;
	v9 =	vld [tilespmem:s25+$0xA400]  }
0x209: {  	v8 =	vand.u32 $0x7F, v8  }
0x20a: {  	v10 =	vadd.s32 v0, v8;
	_ =	sdelay $0x2  }
0x20b: {  	v9 =	vmul.f32 $5.656854150e+00, v9;
	_ =	sdelay $0x1  }
0x20c: {  	[tilespmem:v10+s20+$0x0] =	vst.idx.msk $0xffff, v9  }
0x20d: {  	v9 =	vld [tilespmem:s25+$0xA410];
	_ =	sdelay $0x1  }
0x20e: {  	v10 =	vadd.s32 v1, v8;
	_ =	sdelay $0x2  }
0x20f: {  	v9 =	vmul.f32 $5.656854150e+00, v9;
	_ =	sdelay $0x1  }
0x210: {  	[tilespmem:v10+s20+$0x0] =	vst.idx.msk $0xffff, v9  }
0x211: {  	v9 =	vld [tilespmem:s25+$0xB400];
	_ =	sdelay $0x1  }
0x212: {  	v10 =	vadd.s32 v2, v8;
	_ =	sdelay $0x2  }
0x213: {  	v9 =	vmul.f32 $5.656854150e+00, v9;
	_ =	sdelay $0x1  }
0x214: {  	[tilespmem:v10+s20+$0x0] =	vst.idx.msk $0xffff, v9  }
0x215: {  	v9 =	vld [tilespmem:s25+$0xB410];
	_ =	sdelay $0x1  }
0x216: {  	v10 =	vadd.s32 v3, v8;
	_ =	sdelay $0x2  }
0x217: {  	v9 =	vmul.f32 $5.656854150e+00, v9;
	_ =	sdelay $0x1  }
0x218: {  	[tilespmem:v10+s20+$0x0] =	vst.idx.msk $0xffff, v9  }
0x219: {  	v9 =	vld [tilespmem:s25+$0xC400];
	_ =	sdelay $0x1  }
0x21a: {  	v10 =	vadd.s32 v4, v8;
	_ =	sdelay $0x2  }
0x21b: {  	v9 =	vmul.f32 $5.656854150e+00, v9;
	_ =	sdelay $0x1  }
0x21c: {  	[tilespmem:v10+s20+$0x0] =	vst.idx.msk $0xffff, v9  }
0x21d: {  	v9 =	vld [tilespmem:s25+$0xC410];
	_ =	sdelay $0x1  }
0x21e: {  	v10 =	vadd.s32 v5, v8;
	_ =	sdelay $0x2  }
0x21f: {  	v9 =	vmul.f32 $5.656854150e+00, v9;
	_ =	sdelay $0x1  }
0x220: {  	[tilespmem:v10+s20+$0x0] =	vst.idx.msk $0xffff, v9  }
0x221: {  	v9 =	vld [tilespmem:s25+$0xD400];
	_ =	sdelay $0x1  }
0x222: {  	v10 =	vadd.s32 v6, v8;
	_ =	sdelay $0x2  }
0x223: {  	v9 =	vmul.f32 $5.656854150e+00, v9;
	_ =	sdelay $0x1  }
0x224: {  	[tilespmem:v10+s20+$0x0] =	vst.idx.msk $0xffff, v9  }
0x225: {  	v9 =	vld [tilespmem:s25+$0xD410];
	_ =	sdelay $0x1  }
0x226: {  	v8 =	vadd.s32 v7, v8;
	_ =	sdelay $0x2  }
0x227: {  	s18 =	simm.s32 $0x100;
	s25 =	simm.s32 $0x80;
	v9 =	vmul.f32 $5.656854150e+00, v9  }
.LBB2_41:
0x228: {  	s19 =	sshra.s32 s25, $0x2  }
0x229: {  	s1 =	sadd.s32 $0x1, s1;
	s25 =	smov.u32 s18;
	s22 =	sadd.s32 $0x80, s18;
	[tilespmem:v8+s20+$0x0] =	vst.idx.msk $0xffff, v9  }
0x22a: {  	p0 =	sne.s32 s18, $0x3F80;
	v8 =	vmov s1;
	v9 =	vld [tilespmem:s19+$0xA400]  }
0x22b: {  	v8 =	vand.u32 $0x7F, v8  }
0x22c: {  	v10 =	vadd.s32 v0, v8;
	_ =	sdelay $0x2  }
0x22d: {  	v9 =	vmul.f32 $5.656854150e+00, v9;
	_ =	sdelay $0x1  }
0x22e: {  	[tilespmem:v10+s20+$0x0] =	vst.idx.msk $0xffff, v9  }
0x22f: {  	v9 =	vld [tilespmem:s19+$0xA410];
	_ =	sdelay $0x1  }
0x230: {  	v10 =	vadd.s32 v1, v8;
	_ =	sdelay $0x2  }
0x231: {  	v9 =	vmul.f32 $5.656854150e+00, v9;
	_ =	sdelay $0x1  }
0x232: {  	[tilespmem:v10+s20+$0x0] =	vst.idx.msk $0xffff, v9  }
0x233: {  	v9 =	vld [tilespmem:s19+$0xB400];
	_ =	sdelay $0x1  }
0x234: {  	v10 =	vadd.s32 v2, v8;
	_ =	sdelay $0x2  }
0x235: {  	v9 =	vmul.f32 $5.656854150e+00, v9;
	_ =	sdelay $0x1  }
0x236: {  	[tilespmem:v10+s20+$0x0] =	vst.idx.msk $0xffff, v9  }
0x237: {  	v9 =	vld [tilespmem:s19+$0xB410];
	_ =	sdelay $0x1  }
0x238: {  	v10 =	vadd.s32 v3, v8;
	_ =	sdelay $0x2  }
0x239: {  	v9 =	vmul.f32 $5.656854150e+00, v9;
	_ =	sdelay $0x1  }
0x23a: {  	[tilespmem:v10+s20+$0x0] =	vst.idx.msk $0xffff, v9  }
0x23b: {  	v9 =	vld [tilespmem:s19+$0xC400];
	_ =	sdelay $0x1  }
0x23c: {  	v10 =	vadd.s32 v4, v8;
	_ =	sdelay $0x2  }
0x23d: {  	v9 =	vmul.f32 $5.656854150e+00, v9;
	_ =	sdelay $0x1  }
0x23e: {  	[tilespmem:v10+s20+$0x0] =	vst.idx.msk $0xffff, v9  }
0x23f: {  	v9 =	vld [tilespmem:s19+$0xC410];
	_ =	sdelay $0x1  }
0x240: {  	v10 =	vadd.s32 v5, v8;
	_ =	sdelay $0x2  }
0x241: {  	v9 =	vmul.f32 $5.656854150e+00, v9;
	_ =	sdelay $0x1  }
0x242: {  	[tilespmem:v10+s20+$0x0] =	vst.idx.msk $0xffff, v9  }
0x243: {  	v9 =	vld [tilespmem:s19+$0xD400];
	_ =	sdelay $0x1  }
0x244: {  	v10 =	vadd.s32 v6, v8;
	_ =	sdelay $0x2  }
0x245: {  	v9 =	vmul.f32 $5.656854150e+00, v9;
	_ =	sdelay $0x1  }
0x246: {  	[tilespmem:v10+s20+$0x0] =	vst.idx.msk $0xffff, v9  }
0x247: {  	v9 =	vld [tilespmem:s19+$0xD410]  }
.Ltmp19:
0x248: {  	(pc) =	sbr.rel @p0 .LBB2_41-.Ltmp19, $2  }
0x249: {  	v8 =	vadd.s32 v7, v8;
	_ =	sdelay $0x2  }
0x24a: {  	s18 =	smov.u32 s22;
	v9 =	vmul.f32 $5.656854150e+00, v9  }
0x24b: {  	_ =	sdelay $0x3  }
0x24c: {  	s18 =	sshra.s32 s25, $0x2;
	s1 =	sadd.s32 $0x1, s1;
	[tilespmem:v8+s20+$0x0] =	vst.idx.msk $0xffff, v9  }
0x24d: {  	v8 =	vmov s1;
	v9 =	vld [tilespmem:s18+$0xA400]  }
0x24e: {  	v8 =	vand.u32 $0x7F, v8  }
0x24f: {  	v10 =	vadd.s32 v0, v8;
	_ =	sdelay $0x2  }
0x250: {  	v9 =	vmul.f32 $5.656854150e+00, v9;
	_ =	sdelay $0x1  }
0x251: {  	[tilespmem:v10+s20+$0x0] =	vst.idx.msk $0xffff, v9  }
0x252: {  	v9 =	vld [tilespmem:s18+$0xA410];
	_ =	sdelay $0x1  }
0x253: {  	v58 =	vadd.s32 v1, v8;
	_ =	sdelay $0x2  }
0x254: {  	v9 =	vmul.f32 $5.656854150e+00, v9;
	_ =	sdelay $0x1  }
0x255: {  	[tilespmem:v58+s20+$0x0] =	vst.idx.msk $0xffff, v9  }
0x256: {  	v9 =	vld [tilespmem:s18+$0xB400];
	_ =	sdelay $0x1  }
0x257: {  	v59 =	vadd.s32 v2, v8;
	_ =	sdelay $0x2  }
0x258: {  	v9 =	vmul.f32 $5.656854150e+00, v9;
	_ =	sdelay $0x1  }
0x259: {  	[tilespmem:v59+s20+$0x0] =	vst.idx.msk $0xffff, v9  }
0x25a: {  	v9 =	vld [tilespmem:s18+$0xB410];
	_ =	sdelay $0x1  }
0x25b: {  	v60 =	vadd.s32 v3, v8;
	_ =	sdelay $0x2  }
0x25c: {  	v9 =	vmul.f32 $5.656854150e+00, v9;
	_ =	sdelay $0x1  }
0x25d: {  	[tilespmem:v60+s20+$0x0] =	vst.idx.msk $0xffff, v9  }
0x25e: {  	v9 =	vld [tilespmem:s18+$0xC400];
	_ =	sdelay $0x1  }
0x25f: {  	v61 =	vadd.s32 v4, v8;
	_ =	sdelay $0x2  }
0x260: {  	v9 =	vmul.f32 $5.656854150e+00, v9;
	_ =	sdelay $0x1  }
0x261: {  	[tilespmem:v61+s20+$0x0] =	vst.idx.msk $0xffff, v9  }
0x262: {  	v9 =	vld [tilespmem:s18+$0xC410];
	_ =	sdelay $0x1  }
0x263: {  	v62 =	vadd.s32 v5, v8;
	_ =	sdelay $0x2  }
0x264: {  	v9 =	vmul.f32 $5.656854150e+00, v9;
	_ =	sdelay $0x1  }
0x265: {  	[tilespmem:v62+s20+$0x0] =	vst.idx.msk $0xffff, v9  }
0x266: {  	v9 =	vld [tilespmem:s18+$0xD400];
	_ =	sdelay $0x1  }
0x267: {  	v63 =	vadd.s32 v6, v8;
	_ =	sdelay $0x2  }
0x268: {  	v9 =	vmul.f32 $5.656854150e+00, v9;
	_ =	sdelay $0x1  }
0x269: {  	[tilespmem:v63+s20+$0x0] =	vst.idx.msk $0xffff, v9  }
0x26a: {  	v9 =	vld [tilespmem:s18+$0xD410];
	_ =	sdelay $0x1  }
0x26b: {  	v8 =	vadd.s32 v7, v8;
	_ =	sdelay $0x2  }
0x26c: {  	v9 =	vmul.f32 $5.656854150e+00, v9  }
0x26d: {  	s19 =	simm.s32 $0x10;
	s1 =	sadd.s32 s21, s10  }
0x26e: {  	s21 =	simm.s32 $0x12888;
	s22 =	sadd.s32 $0x0, s1;
	s18 =	simm.s32 $0x12800;
	[tilespmem:v8+s20+$0x0] =	vst.idx.msk $0xffff, v9  }
.LBB2_43:
0x26f: {  	[hbm4b:s22+s3] =	stream.linear.scatter [tilespmem:s18], [sflag:$0x4], $0x80, $0x38;
	[tilespmem:$0x16C00] =	vst v63  }
0x270: {  	s22 =	smov.u32 s19;
	s18 =	smov.u32 s21;
	p0 =	sne.s32 s19, $0x1F0  }
.Ltmp20:
0x271: {  	s19 =	sadd.s32 $0x10, s19;
	(pc) =	sbr.rel @p0 .LBB2_43-.Ltmp20, $2  }
0x272: {  	_ =	sdelay $0x2  }
0x273: {  	s21 =	sadd.s32 $0x88, s21;
	s22 =	sadd.s32 s22, s1  }
0x274: {  	[hbm4b:s22+s3] =	stream.linear.scatter [tilespmem:s18], [sflag:$0x4], $0x80, $0x38;
	[tilespmem:$0x16C00] =	vst v63  }
0x275: {  	s18 =	sadd.s32 $0x4000, s1;
	s19 =	simm.s32 $0x13900  }
0x276: {  	s21 =	simm.s32 $0x10;
	s25 =	simm.s32 $0x13988;
	s22 =	sadd.s32 $0x0, s18  }
.LBB2_45:
0x277: {  	[hbm4b:s22+s3] =	stream.linear.scatter [tilespmem:s19], [sflag:$0x4], $0x80, $0x38;
	[tilespmem:$0x16C00] =	vst v63  }
0x278: {  	s22 =	smov.u32 s21;
	s19 =	smov.u32 s25;
	p0 =	sne.s32 s21, $0x1F0  }
.Ltmp21:
0x279: {  	s21 =	sadd.s32 $0x10, s21;
	(pc) =	sbr.rel @p0 .LBB2_45-.Ltmp21, $2  }
0x27a: {  	_ =	sdelay $0x2  }
0x27b: {  	s25 =	sadd.s32 $0x88, s25;
	s22 =	sadd.s32 s22, s18  }
0x27c: {  	[hbm4b:s22+s3] =	stream.linear.scatter [tilespmem:s19], [sflag:$0x4], $0x80, $0x38;
	[tilespmem:$0x16C00] =	vst v63  }
0x27d: {  	s18 =	sadd.s32 $0x8000, s1;
	s19 =	simm.s32 $0x14A00  }
0x27e: {  	s21 =	simm.s32 $0x10;
	s25 =	simm.s32 $0x14A88;
	s22 =	sadd.s32 $0x0, s18  }
.LBB2_47:
0x27f: {  	[hbm4b:s22+s3] =	stream.linear.scatter [tilespmem:s19], [sflag:$0x4], $0x80, $0x38;
	[tilespmem:$0x16C00] =	vst v63  }
0x280: {  	s22 =	smov.u32 s21;
	s19 =	smov.u32 s25;
	p0 =	sne.s32 s21, $0x1F0  }
.Ltmp22:
0x281: {  	s21 =	sadd.s32 $0x10, s21;
	(pc) =	sbr.rel @p0 .LBB2_47-.Ltmp22, $2  }
0x282: {  	_ =	sdelay $0x2  }
0x283: {  	s25 =	sadd.s32 $0x88, s25;
	s22 =	sadd.s32 s22, s18  }
0x284: {  	[hbm4b:s22+s3] =	stream.linear.scatter [tilespmem:s19], [sflag:$0x4], $0x80, $0x38;
	[tilespmem:$0x16C00] =	vst v63  }
0x285: {  	s1 =	sadd.s32 $0xC000, s1;
	s18 =	simm.s32 $0x15B00  }
0x286: {  	s19 =	simm.s32 $0x10;
	s21 =	simm.s32 $0x15B88;
	s22 =	sadd.s32 $0x0, s1  }
.LBB2_49:
0x287: {  	[hbm4b:s22+s3] =	stream.linear.scatter [tilespmem:s18], [sflag:$0x4], $0x80, $0x38;
	[tilespmem:$0x16C00] =	vst v63  }
0x288: {  	s22 =	smov.u32 s19;
	s18 =	smov.u32 s21;
	p0 =	sne.s32 s19, $0x1F0  }
.Ltmp23:
0x289: {  	s19 =	sadd.s32 $0x10, s19;
	(pc) =	sbr.rel @p0 .LBB2_49-.Ltmp23, $2  }
0x28a: {  	_ =	sdelay $0x2  }
0x28b: {  	s21 =	sadd.s32 $0x88, s21;
	s22 =	sadd.s32 s22, s1  }
0x28c: {  	[hbm4b:s22+s3] =	stream.linear.scatter [tilespmem:s18], [sflag:$0x4], $0x80, $0x38;
	[tilespmem:$0x16C00] =	vst v63  }
0x28d: {  	s1 =	sadd.s32 $0x600, s16;
	s15 =	sadd.s32 $0x1, s15  }
0x28e: {  	[tilespmem:s24], [sflag:$0x2] =	stream.indirect.gather [hbm4b:s4+s17], $0x20, s1, s17, $0xb8;
	[tilespmem:$0x16C00] =	vst v63  }
0x28f: {  	s21 =	sadd.s32 $0x680, s16;
	p0 =	sne.s32 s15, $0x18  }
0x290: {  	[tilespmem:s26], [sflag:$0x2] =	stream.indirect.gather [hbm4b:s4+s17], $0x20, s21, s17, $0xb8;
	[tilespmem:$0x16C00] =	vst v63  }
.Ltmp24:
0x291: {  	_ = 	snop;
	(pc) =	sbr.rel @p0 .LBB2_30-.Ltmp24, $4  }
0x292: {  	s22 =	sadd.s32 $0x700, s16  }
0x293: {  	[tilespmem:s29], [sflag:$0x2] =	stream.indirect.gather [hbm4b:s4+s17], $0x20, s22, s17, $0xb8;
	[tilespmem:$0x16C00] =	vst v63  }
0x294: {  	s25 =	sadd.s32 $0x780, s16  }
0x295: {  	[tilespmem:s31], [sflag:$0x2] =	stream.indirect.gather [hbm4b:s4+s17], $0x20, s25, s17, $0xb8;
	[tilespmem:$0x16C00] =	vst v63  }
0x296: {  	_ =	swait.ge [sflag:s0], $0x1000  }
0x297: {  	[sflag:s0] =	ssyncset.done $0x0  }
0x298: {  	[sflag:s0] =	ssyncadd.s32 $0xFFFFF000  }
0x299: {  	_ =	swait.ge [sflag:s0], $0x1000  }
0x29a: {  	[sflag:s0] =	ssyncset.done $0x0  }
0x29b: {  	[sflag:s0] =	ssyncadd.s32 $0xFFFFF000  }
0x29c: {  	_ =	swait.ge [sflag:s0], $0x1000  }
0x29d: {  	[sflag:s0] =	ssyncset.done $0x0  }
0x29e: {  	[sflag:s0] =	ssyncadd.s32 $0xFFFFF000  }
0x29f: {  	_ =	swait.ge [sflag:s0], $0x1000  }
0x2a0: {  	[sflag:s0] =	ssyncset.done $0x0  }
0x2a1: {  	[sflag:s0] =	ssyncadd.s32 $0xFFFFF000  }
0x2a2: {  	_ =	swait.ge [sflag:s23], $0x4000  }
0x2a3: {  	[sflag:s23] =	ssyncset.done $0x0  }
0x2a4: {  	s15 =	simm.s32 $0x0;
	s1 =	simm.s32 $0x8400;
	[sflag:s23] =	ssyncadd.s32 $0xFFFFC000  }
0x2a5: {  	v8 =	vmov s15;
	v9 =	vld [tilespmem:s1+$0xFFFFE000]  }
0x2a6: {  	v8 =	vand.u32 $0x7F, v8  }
0x2a7: {  	v10 =	vadd.s32 v0, v8;
	_ =	sdelay $0x2  }
0x2a8: {  	v9 =	vmul.f32 $5.656854150e+00, v9;
	_ =	sdelay $0x1  }
0x2a9: {  	[tilespmem:v10+s2+$0x0] =	vst.idx.msk $0xffff, v9  }
0x2aa: {  	v9 =	vld [tilespmem:s1+$0xFFFFE010];
	_ =	sdelay $0x1  }
0x2ab: {  	v10 =	vadd.s32 v1, v8;
	_ =	sdelay $0x2  }
0x2ac: {  	v9 =	vmul.f32 $5.656854150e+00, v9;
	_ =	sdelay $0x1  }
0x2ad: {  	[tilespmem:v10+s2+$0x0] =	vst.idx.msk $0xffff, v9  }
0x2ae: {  	v9 =	vld [tilespmem:s1+$0xFFFFF000];
	_ =	sdelay $0x1  }
0x2af: {  	v10 =	vadd.s32 v2, v8;
	_ =	sdelay $0x2  }
0x2b0: {  	v9 =	vmul.f32 $5.656854150e+00, v9;
	_ =	sdelay $0x1  }
0x2b1: {  	[tilespmem:v10+s2+$0x0] =	vst.idx.msk $0xffff, v9  }
0x2b2: {  	v9 =	vld [tilespmem:s1+$0xFFFFF010];
	_ =	sdelay $0x1  }
0x2b3: {  	v10 =	vadd.s32 v3, v8;
	_ =	sdelay $0x2  }
0x2b4: {  	v9 =	vmul.f32 $5.656854150e+00, v9;
	_ =	sdelay $0x1  }
0x2b5: {  	[tilespmem:v10+s2+$0x0] =	vst.idx.msk $0xffff, v9  }
0x2b6: {  	v9 =	vld [tilespmem:s1+$0x0];
	_ =	sdelay $0x1  }
0x2b7: {  	v10 =	vadd.s32 v4, v8;
	_ =	sdelay $0x2  }
0x2b8: {  	v9 =	vmul.f32 $5.656854150e+00, v9;
	_ =	sdelay $0x1  }
0x2b9: {  	[tilespmem:v10+s2+$0x0] =	vst.idx.msk $0xffff, v9  }
0x2ba: {  	v9 =	vld [tilespmem:s1+$0x10];
	_ =	sdelay $0x1  }
0x2bb: {  	v10 =	vadd.s32 v5, v8;
	_ =	sdelay $0x2  }
0x2bc: {  	v9 =	vmul.f32 $5.656854150e+00, v9;
	_ =	sdelay $0x1  }
0x2bd: {  	[tilespmem:v10+s2+$0x0] =	vst.idx.msk $0xffff, v9  }
0x2be: {  	v9 =	vld [tilespmem:s1+$0x1000];
	_ =	sdelay $0x1  }
0x2bf: {  	v10 =	vadd.s32 v6, v8;
	_ =	sdelay $0x2  }
0x2c0: {  	v9 =	vmul.f32 $5.656854150e+00, v9;
	_ =	sdelay $0x1  }
0x2c1: {  	[tilespmem:v10+s2+$0x0] =	vst.idx.msk $0xffff, v9  }
0x2c2: {  	v9 =	vld [tilespmem:s1+$0x1010];
	_ =	sdelay $0x1  }
0x2c3: {  	v8 =	vadd.s32 v7, v8;
	_ =	sdelay $0x2  }
0x2c4: {  	s15 =	simm.s32 $0x1;
	v9 =	vmul.f32 $5.656854150e+00, v9  }
.LBB2_52:
0x2c5: {  	p0 =	sne.s32 s15, $0x7F  }
0x2c6: {  	s1 =	sadd.s32 $0x20, s1;
	s16 =	smov.u32 s15;
	s15 =	sadd.s32 $0x1, s15;
	[tilespmem:v8+s2+$0x0] =	vst.idx.msk $0xffff, v9  }
0x2c7: {  	v8 =	vmov s16;
	v9 =	vld [tilespmem:s1+$0xFFFFE000]  }
0x2c8: {  	v8 =	vand.u32 $0x7F, v8  }
0x2c9: {  	v10 =	vadd.s32 v0, v8;
	_ =	sdelay $0x2  }
0x2ca: {  	v9 =	vmul.f32 $5.656854150e+00, v9;
	_ =	sdelay $0x1  }
0x2cb: {  	[tilespmem:v10+s2+$0x0] =	vst.idx.msk $0xffff, v9  }
0x2cc: {  	v9 =	vld [tilespmem:s1+$0xFFFFE010];
	_ =	sdelay $0x1  }
0x2cd: {  	v10 =	vadd.s32 v1, v8;
	_ =	sdelay $0x2  }
0x2ce: {  	v9 =	vmul.f32 $5.656854150e+00, v9;
	_ =	sdelay $0x1  }
0x2cf: {  	[tilespmem:v10+s2+$0x0] =	vst.idx.msk $0xffff, v9  }
0x2d0: {  	v9 =	vld [tilespmem:s1+$0xFFFFF000];
	_ =	sdelay $0x1  }
0x2d1: {  	v10 =	vadd.s32 v2, v8;
	_ =	sdelay $0x2  }
0x2d2: {  	v9 =	vmul.f32 $5.656854150e+00, v9;
	_ =	sdelay $0x1  }
0x2d3: {  	[tilespmem:v10+s2+$0x0] =	vst.idx.msk $0xffff, v9  }
0x2d4: {  	v9 =	vld [tilespmem:s1+$0xFFFFF010];
	_ =	sdelay $0x1  }
0x2d5: {  	v10 =	vadd.s32 v3, v8;
	_ =	sdelay $0x2  }
0x2d6: {  	v9 =	vmul.f32 $5.656854150e+00, v9;
	_ =	sdelay $0x1  }
0x2d7: {  	[tilespmem:v10+s2+$0x0] =	vst.idx.msk $0xffff, v9  }
0x2d8: {  	v9 =	vld [tilespmem:s1+$0x0];
	_ =	sdelay $0x1  }
0x2d9: {  	v10 =	vadd.s32 v4, v8;
	_ =	sdelay $0x2  }
0x2da: {  	v9 =	vmul.f32 $5.656854150e+00, v9;
	_ =	sdelay $0x1  }
0x2db: {  	[tilespmem:v10+s2+$0x0] =	vst.idx.msk $0xffff, v9  }
0x2dc: {  	v9 =	vld [tilespmem:s1+$0x10];
	_ =	sdelay $0x1  }
0x2dd: {  	v10 =	vadd.s32 v5, v8;
	_ =	sdelay $0x2  }
0x2de: {  	v9 =	vmul.f32 $5.656854150e+00, v9;
	_ =	sdelay $0x1  }
0x2df: {  	[tilespmem:v10+s2+$0x0] =	vst.idx.msk $0xffff, v9  }
0x2e0: {  	v9 =	vld [tilespmem:s1+$0x1000];
	_ =	sdelay $0x1  }
0x2e1: {  	v10 =	vadd.s32 v6, v8;
	_ =	sdelay $0x2  }
0x2e2: {  	v9 =	vmul.f32 $5.656854150e+00, v9;
	_ =	sdelay $0x1  }
0x2e3: {  	[tilespmem:v10+s2+$0x0] =	vst.idx.msk $0xffff, v9  }
0x2e4: {  	v9 =	vld [tilespmem:s1+$0x1010]  }
.Ltmp25:
0x2e5: {  	(pc) =	sbr.rel @p0 .LBB2_52-.Ltmp25, $2  }
0x2e6: {  	v8 =	vadd.s32 v7, v8;
	_ =	sdelay $0x2  }
0x2e7: {  	v9 =	vmul.f32 $5.656854150e+00, v9  }
0x2e8: {  	_ =	sdelay $0x2  }
0x2e9: {  	s1 =	simm.s32 $0xE400  }
0x2ea: {  	s15 =	simm.s32 $0x10;
	s18 =	sadd.s32 $0x0, s13;
	s16 =	simm.s32 $0xE488;
	[tilespmem:v8+s2+$0x0] =	vst.idx.msk $0xffff, v9  }
.LBB2_54:
0x2eb: {  	[hbm4b:s18+s3] =	stream.linear.scatter [tilespmem:s1], [sflag:$0x3], $0x80, $0x38;
	[tilespmem:$0x16C00] =	vst v63  }
0x2ec: {  	s18 =	smov.u32 s15;
	s1 =	smov.u32 s16;
	p0 =	sne.s32 s15, $0x1F0  }
.Ltmp26:
0x2ed: {  	s15 =	sadd.s32 $0x10, s15;
	(pc) =	sbr.rel @p0 .LBB2_54-.Ltmp26, $2  }
0x2ee: {  	_ =	sdelay $0x2  }
0x2ef: {  	s16 =	sadd.s32 $0x88, s16;
	s18 =	sadd.s32 s18, s13  }
0x2f0: {  	[hbm4b:s18+s3] =	stream.linear.scatter [tilespmem:s1], [sflag:$0x3], $0x80, $0x38;
	[tilespmem:$0x16C00] =	vst v63  }
0x2f1: {  	s1 =	sadd.s32 $0x4000, s13;
	s15 =	simm.s32 $0xF500  }
0x2f2: {  	s16 =	simm.s32 $0x10;
	s18 =	simm.s32 $0xF588;
	s19 =	sadd.s32 $0x0, s1  }
.LBB2_56:
0x2f3: {  	[hbm4b:s19+s3] =	stream.linear.scatter [tilespmem:s15], [sflag:$0x3], $0x80, $0x38;
	[tilespmem:$0x16C00] =	vst v63  }
0x2f4: {  	s19 =	smov.u32 s16;
	s15 =	smov.u32 s18;
	p0 =	sne.s32 s16, $0x1F0  }
.Ltmp27:
0x2f5: {  	s16 =	sadd.s32 $0x10, s16;
	(pc) =	sbr.rel @p0 .LBB2_56-.Ltmp27, $2  }
0x2f6: {  	_ =	sdelay $0x2  }
0x2f7: {  	s18 =	sadd.s32 $0x88, s18;
	s19 =	sadd.s32 s19, s1  }
0x2f8: {  	[hbm4b:s19+s3] =	stream.linear.scatter [tilespmem:s15], [sflag:$0x3], $0x80, $0x38;
	[tilespmem:$0x16C00] =	vst v63  }
0x2f9: {  	s1 =	sadd.s32 $0x8000, s13;
	s15 =	simm.s32 $0x10600  }
0x2fa: {  	s16 =	simm.s32 $0x10;
	s18 =	simm.s32 $0x10688;
	s19 =	sadd.s32 $0x0, s1  }
.LBB2_58:
0x2fb: {  	[hbm4b:s19+s3] =	stream.linear.scatter [tilespmem:s15], [sflag:$0x3], $0x80, $0x38;
	[tilespmem:$0x16C00] =	vst v63  }
0x2fc: {  	s19 =	smov.u32 s16;
	s15 =	smov.u32 s18;
	p0 =	sne.s32 s16, $0x1F0  }
.Ltmp28:
0x2fd: {  	s16 =	sadd.s32 $0x10, s16;
	(pc) =	sbr.rel @p0 .LBB2_58-.Ltmp28, $2  }
0x2fe: {  	_ =	sdelay $0x2  }
0x2ff: {  	s18 =	sadd.s32 $0x88, s18;
	s19 =	sadd.s32 s19, s1  }
0x300: {  	[hbm4b:s19+s3] =	stream.linear.scatter [tilespmem:s15], [sflag:$0x3], $0x80, $0x38;
	[tilespmem:$0x16C00] =	vst v63  }
0x301: {  	s1 =	sadd.s32 $0xC000, s13;
	s15 =	simm.s32 $0x11700  }
0x302: {  	s16 =	simm.s32 $0x10;
	s18 =	simm.s32 $0x11788;
	s19 =	sadd.s32 $0x0, s1  }
.LBB2_60:
0x303: {  	[hbm4b:s19+s3] =	stream.linear.scatter [tilespmem:s15], [sflag:$0x3], $0x80, $0x38;
	[tilespmem:$0x16C00] =	vst v63  }
0x304: {  	s19 =	smov.u32 s16;
	s15 =	smov.u32 s18;
	p0 =	sne.s32 s16, $0x1F0  }
.Ltmp29:
0x305: {  	s16 =	sadd.s32 $0x10, s16;
	(pc) =	sbr.rel @p0 .LBB2_60-.Ltmp29, $2  }
0x306: {  	_ =	sdelay $0x2  }
0x307: {  	s18 =	sadd.s32 $0x88, s18;
	s19 =	sadd.s32 s19, s1  }
0x308: {  	[hbm4b:s19+s3] =	stream.linear.scatter [tilespmem:s15], [sflag:$0x3], $0x80, $0x38;
	[tilespmem:$0x16C00] =	vst v63  }
0x309: {  	_ =	swait.ge [sflag:s30], $0x1000  }
0x30a: {  	[sflag:s30] =	ssyncset.done $0x0  }
0x30b: {  	[sflag:s30] =	ssyncadd.s32 $0xFFFFF000  }
0x30c: {  	_ =	swait.ge [sflag:s30], $0x1000  }
0x30d: {  	[sflag:s30] =	ssyncset.done $0x0  }
0x30e: {  	[sflag:s30] =	ssyncadd.s32 $0xFFFFF000  }
0x30f: {  	_ =	swait.ge [sflag:s30], $0x1000  }
0x310: {  	[sflag:s30] =	ssyncset.done $0x0  }
0x311: {  	[sflag:s30] =	ssyncadd.s32 $0xFFFFF000  }
0x312: {  	_ =	swait.ge [sflag:s30], $0x1000  }
0x313: {  	[sflag:s30] =	ssyncset.done $0x0  }
0x314: {  	[sflag:s30] =	ssyncadd.s32 $0xFFFFF000  }
0x315: {  	_ =	swait.ge [sflag:s28], $0x4000  }
0x316: {  	[sflag:s28] =	ssyncset.done $0x0  }
0x317: {  	s1 =	simm.s32 $0x0;
	s25 =	simm.s32 $0x0;
	[sflag:s28] =	ssyncadd.s32 $0xFFFFC000  }
0x318: {  	v8 =	vmov s1;
	v9 =	vld [tilespmem:s25+$0xA400]  }
0x319: {  	v8 =	vand.u32 $0x7F, v8  }
0x31a: {  	v10 =	vadd.s32 v0, v8;
	_ =	sdelay $0x2  }
0x31b: {  	v9 =	vmul.f32 $5.656854150e+00, v9;
	_ =	sdelay $0x1  }
0x31c: {  	[tilespmem:v10+s20+$0x0] =	vst.idx.msk $0xffff, v9  }
0x31d: {  	v9 =	vld [tilespmem:s25+$0xA410];
	_ =	sdelay $0x1  }
0x31e: {  	v10 =	vadd.s32 v1, v8;
	_ =	sdelay $0x2  }
0x31f: {  	v9 =	vmul.f32 $5.656854150e+00, v9;
	_ =	sdelay $0x1  }
0x320: {  	[tilespmem:v10+s20+$0x0] =	vst.idx.msk $0xffff, v9  }
0x321: {  	v9 =	vld [tilespmem:s25+$0xB400];
	_ =	sdelay $0x1  }
0x322: {  	v10 =	vadd.s32 v2, v8;
	_ =	sdelay $0x2  }
0x323: {  	v9 =	vmul.f32 $5.656854150e+00, v9;
	_ =	sdelay $0x1  }
0x324: {  	[tilespmem:v10+s20+$0x0] =	vst.idx.msk $0xffff, v9  }
0x325: {  	v9 =	vld [tilespmem:s25+$0xB410];
	_ =	sdelay $0x1  }
0x326: {  	v10 =	vadd.s32 v3, v8;
	_ =	sdelay $0x2  }
0x327: {  	v9 =	vmul.f32 $5.656854150e+00, v9;
	_ =	sdelay $0x1  }
0x328: {  	[tilespmem:v10+s20+$0x0] =	vst.idx.msk $0xffff, v9  }
0x329: {  	v9 =	vld [tilespmem:s25+$0xC400];
	_ =	sdelay $0x1  }
0x32a: {  	v10 =	vadd.s32 v4, v8;
	_ =	sdelay $0x2  }
0x32b: {  	v9 =	vmul.f32 $5.656854150e+00, v9;
	_ =	sdelay $0x1  }
0x32c: {  	[tilespmem:v10+s20+$0x0] =	vst.idx.msk $0xffff, v9  }
0x32d: {  	v9 =	vld [tilespmem:s25+$0xC410];
	_ =	sdelay $0x1  }
0x32e: {  	v10 =	vadd.s32 v5, v8;
	_ =	sdelay $0x2  }
0x32f: {  	v9 =	vmul.f32 $5.656854150e+00, v9;
	_ =	sdelay $0x1  }
0x330: {  	[tilespmem:v10+s20+$0x0] =	vst.idx.msk $0xffff, v9  }
0x331: {  	v9 =	vld [tilespmem:s25+$0xD400];
	_ =	sdelay $0x1  }
0x332: {  	v10 =	vadd.s32 v6, v8;
	_ =	sdelay $0x2  }
0x333: {  	v9 =	vmul.f32 $5.656854150e+00, v9;
	_ =	sdelay $0x1  }
0x334: {  	[tilespmem:v10+s20+$0x0] =	vst.idx.msk $0xffff, v9  }
0x335: {  	v9 =	vld [tilespmem:s25+$0xD410];
	_ =	sdelay $0x1  }
0x336: {  	v8 =	vadd.s32 v7, v8;
	_ =	sdelay $0x2  }
0x337: {  	s15 =	simm.s32 $0x80;
	s19 =	simm.s32 $0x100;
	v9 =	vmul.f32 $5.656854150e+00, v9  }
.LBB2_62:
0x338: {  	s18 =	sshra.s32 s15, $0x2  }
0x339: {  	s1 =	sadd.s32 $0x1, s1;
	s15 =	smov.u32 s19;
	s16 =	sadd.s32 $0x80, s19;
	[tilespmem:v8+s20+$0x0] =	vst.idx.msk $0xffff, v9  }
0x33a: {  	p0 =	sne.s32 s19, $0x3F80;
	v8 =	vmov s1;
	v9 =	vld [tilespmem:s18+$0xA400]  }
0x33b: {  	v8 =	vand.u32 $0x7F, v8  }
0x33c: {  	v10 =	vadd.s32 v0, v8;
	_ =	sdelay $0x2  }
0x33d: {  	v9 =	vmul.f32 $5.656854150e+00, v9;
	_ =	sdelay $0x1  }
0x33e: {  	[tilespmem:v10+s20+$0x0] =	vst.idx.msk $0xffff, v9  }
0x33f: {  	v9 =	vld [tilespmem:s18+$0xA410];
	_ =	sdelay $0x1  }
0x340: {  	v10 =	vadd.s32 v1, v8;
	_ =	sdelay $0x2  }
0x341: {  	v9 =	vmul.f32 $5.656854150e+00, v9;
	_ =	sdelay $0x1  }
0x342: {  	[tilespmem:v10+s20+$0x0] =	vst.idx.msk $0xffff, v9  }
0x343: {  	v9 =	vld [tilespmem:s18+$0xB400];
	_ =	sdelay $0x1  }
0x344: {  	v10 =	vadd.s32 v2, v8;
	_ =	sdelay $0x2  }
0x345: {  	v9 =	vmul.f32 $5.656854150e+00, v9;
	_ =	sdelay $0x1  }
0x346: {  	[tilespmem:v10+s20+$0x0] =	vst.idx.msk $0xffff, v9  }
0x347: {  	v9 =	vld [tilespmem:s18+$0xB410];
	_ =	sdelay $0x1  }
0x348: {  	v10 =	vadd.s32 v3, v8;
	_ =	sdelay $0x2  }
0x349: {  	v9 =	vmul.f32 $5.656854150e+00, v9;
	_ =	sdelay $0x1  }
0x34a: {  	[tilespmem:v10+s20+$0x0] =	vst.idx.msk $0xffff, v9  }
0x34b: {  	v9 =	vld [tilespmem:s18+$0xC400];
	_ =	sdelay $0x1  }
0x34c: {  	v10 =	vadd.s32 v4, v8;
	_ =	sdelay $0x2  }
0x34d: {  	v9 =	vmul.f32 $5.656854150e+00, v9;
	_ =	sdelay $0x1  }
0x34e: {  	[tilespmem:v10+s20+$0x0] =	vst.idx.msk $0xffff, v9  }
0x34f: {  	v9 =	vld [tilespmem:s18+$0xC410];
	_ =	sdelay $0x1  }
0x350: {  	v10 =	vadd.s32 v5, v8;
	_ =	sdelay $0x2  }
0x351: {  	v9 =	vmul.f32 $5.656854150e+00, v9;
	_ =	sdelay $0x1  }
0x352: {  	[tilespmem:v10+s20+$0x0] =	vst.idx.msk $0xffff, v9  }
0x353: {  	v9 =	vld [tilespmem:s18+$0xD400];
	_ =	sdelay $0x1  }
0x354: {  	v10 =	vadd.s32 v6, v8;
	_ =	sdelay $0x2  }
0x355: {  	v9 =	vmul.f32 $5.656854150e+00, v9;
	_ =	sdelay $0x1  }
0x356: {  	[tilespmem:v10+s20+$0x0] =	vst.idx.msk $0xffff, v9  }
0x357: {  	v9 =	vld [tilespmem:s18+$0xD410]  }
.Ltmp30:
0x358: {  	(pc) =	sbr.rel @p0 .LBB2_62-.Ltmp30, $2  }
0x359: {  	v8 =	vadd.s32 v7, v8;
	_ =	sdelay $0x2  }
0x35a: {  	s19 =	smov.u32 s16;
	v9 =	vmul.f32 $5.656854150e+00, v9  }
0x35b: {  	_ =	sdelay $0x3  }
0x35c: {  	s15 =	sshra.s32 s15, $0x2;
	s1 =	sadd.s32 $0x1, s1;
	[tilespmem:v8+s20+$0x0] =	vst.idx.msk $0xffff, v9  }
0x35d: {  	v8 =	vmov s1;
	v9 =	vld [tilespmem:s15+$0xA400]  }
0x35e: {  	v8 =	vand.u32 $0x7F, v8  }
0x35f: {  	v10 =	vadd.s32 v0, v8;
	_ =	sdelay $0x2  }
0x360: {  	v9 =	vmul.f32 $5.656854150e+00, v9;
	_ =	sdelay $0x1  }
0x361: {  	[tilespmem:v10+s20+$0x0] =	vst.idx.msk $0xffff, v9  }
0x362: {  	v9 =	vld [tilespmem:s15+$0xA410];
	_ =	sdelay $0x1  }
0x363: {  	v58 =	vadd.s32 v1, v8;
	_ =	sdelay $0x2  }
0x364: {  	v9 =	vmul.f32 $5.656854150e+00, v9;
	_ =	sdelay $0x1  }
0x365: {  	[tilespmem:v58+s20+$0x0] =	vst.idx.msk $0xffff, v9  }
0x366: {  	v9 =	vld [tilespmem:s15+$0xB400];
	_ =	sdelay $0x1  }
0x367: {  	v59 =	vadd.s32 v2, v8;
	_ =	sdelay $0x2  }
0x368: {  	v9 =	vmul.f32 $5.656854150e+00, v9;
	_ =	sdelay $0x1  }
0x369: {  	[tilespmem:v59+s20+$0x0] =	vst.idx.msk $0xffff, v9  }
0x36a: {  	v9 =	vld [tilespmem:s15+$0xB410];
	_ =	sdelay $0x1  }
0x36b: {  	v60 =	vadd.s32 v3, v8;
	_ =	sdelay $0x2  }
0x36c: {  	v9 =	vmul.f32 $5.656854150e+00, v9;
	_ =	sdelay $0x1  }
0x36d: {  	[tilespmem:v60+s20+$0x0] =	vst.idx.msk $0xffff, v9  }
0x36e: {  	v9 =	vld [tilespmem:s15+$0xC400];
	_ =	sdelay $0x1  }
0x36f: {  	v61 =	vadd.s32 v4, v8;
	_ =	sdelay $0x2  }
0x370: {  	v9 =	vmul.f32 $5.656854150e+00, v9;
	_ =	sdelay $0x1  }
0x371: {  	[tilespmem:v61+s20+$0x0] =	vst.idx.msk $0xffff, v9  }
0x372: {  	v9 =	vld [tilespmem:s15+$0xC410];
	_ =	sdelay $0x1  }
0x373: {  	v62 =	vadd.s32 v5, v8;
	_ =	sdelay $0x2  }
0x374: {  	v9 =	vmul.f32 $5.656854150e+00, v9;
	_ =	sdelay $0x1  }
0x375: {  	[tilespmem:v62+s20+$0x0] =	vst.idx.msk $0xffff, v9  }
0x376: {  	v9 =	vld [tilespmem:s15+$0xD400];
	_ =	sdelay $0x1  }
0x377: {  	v63 =	vadd.s32 v6, v8;
	_ =	sdelay $0x2  }
0x378: {  	v9 =	vmul.f32 $5.656854150e+00, v9;
	_ =	sdelay $0x1  }
0x379: {  	[tilespmem:v63+s20+$0x0] =	vst.idx.msk $0xffff, v9  }
0x37a: {  	v9 =	vld [tilespmem:s15+$0xD410];
	_ =	sdelay $0x1  }
0x37b: {  	v8 =	vadd.s32 v7, v8;
	_ =	sdelay $0x2  }
0x37c: {  	v9 =	vmul.f32 $5.656854150e+00, v9  }
0x37d: {  	s18 =	sadd.s32 $0x0, s14  }
0x37e: {  	s16 =	simm.s32 $0x12888;
	s1 =	simm.s32 $0x12800;
	s15 =	simm.s32 $0x10;
	[tilespmem:v8+s20+$0x0] =	vst.idx.msk $0xffff, v9  }
.LBB2_64:
0x37f: {  	[hbm4b:s18+s3] =	stream.linear.scatter [tilespmem:s1], [sflag:$0x4], $0x80, $0x38;
	[tilespmem:$0x16C00] =	vst v63  }
0x380: {  	s18 =	smov.u32 s15;
	s1 =	smov.u32 s16;
	p0 =	sne.s32 s15, $0x1F0  }
.Ltmp31:
0x381: {  	s15 =	sadd.s32 $0x10, s15;
	(pc) =	sbr.rel @p0 .LBB2_64-.Ltmp31, $2  }
0x382: {  	_ =	sdelay $0x2  }
0x383: {  	s16 =	sadd.s32 $0x88, s16;
	s18 =	sadd.s32 s18, s14  }
0x384: {  	[hbm4b:s18+s3] =	stream.linear.scatter [tilespmem:s1], [sflag:$0x4], $0x80, $0x38;
	[tilespmem:$0x16C00] =	vst v63  }
0x385: {  	s1 =	sadd.s32 $0x4000, s14;
	s15 =	simm.s32 $0x13900  }
0x386: {  	s16 =	simm.s32 $0x10;
	s18 =	simm.s32 $0x13988;
	s19 =	sadd.s32 $0x0, s1  }
.LBB2_66:
0x387: {  	[hbm4b:s19+s3] =	stream.linear.scatter [tilespmem:s15], [sflag:$0x4], $0x80, $0x38;
	[tilespmem:$0x16C00] =	vst v63  }
0x388: {  	s19 =	smov.u32 s16;
	s15 =	smov.u32 s18;
	p0 =	sne.s32 s16, $0x1F0  }
.Ltmp32:
0x389: {  	s16 =	sadd.s32 $0x10, s16;
	(pc) =	sbr.rel @p0 .LBB2_66-.Ltmp32, $2  }
0x38a: {  	_ =	sdelay $0x2  }
0x38b: {  	s18 =	sadd.s32 $0x88, s18;
	s19 =	sadd.s32 s19, s1  }
0x38c: {  	[hbm4b:s19+s3] =	stream.linear.scatter [tilespmem:s15], [sflag:$0x4], $0x80, $0x38;
	[tilespmem:$0x16C00] =	vst v63  }
0x38d: {  	s1 =	sadd.s32 $0x8000, s14;
	s15 =	simm.s32 $0x14A00  }
0x38e: {  	s16 =	simm.s32 $0x10;
	s18 =	simm.s32 $0x14A88;
	s19 =	sadd.s32 $0x0, s1  }
.LBB2_68:
0x38f: {  	[hbm4b:s19+s3] =	stream.linear.scatter [tilespmem:s15], [sflag:$0x4], $0x80, $0x38;
	[tilespmem:$0x16C00] =	vst v63  }
0x390: {  	s19 =	smov.u32 s16;
	s15 =	smov.u32 s18;
	p0 =	sne.s32 s16, $0x1F0  }
.Ltmp33:
0x391: {  	s16 =	sadd.s32 $0x10, s16;
	(pc) =	sbr.rel @p0 .LBB2_68-.Ltmp33, $2  }
0x392: {  	_ =	sdelay $0x2  }
0x393: {  	s18 =	sadd.s32 $0x88, s18;
	s19 =	sadd.s32 s19, s1  }
0x394: {  	[hbm4b:s19+s3] =	stream.linear.scatter [tilespmem:s15], [sflag:$0x4], $0x80, $0x38;
	[tilespmem:$0x16C00] =	vst v63  }
0x395: {  	s1 =	sadd.s32 $0xC000, s14;
	s15 =	simm.s32 $0x15B00  }
0x396: {  	s16 =	simm.s32 $0x10;
	s18 =	simm.s32 $0x15B88;
	s19 =	sadd.s32 $0x0, s1  }
.LBB2_70:
0x397: {  	[hbm4b:s19+s3] =	stream.linear.scatter [tilespmem:s15], [sflag:$0x4], $0x80, $0x38;
	[tilespmem:$0x16C00] =	vst v63  }
0x398: {  	s19 =	smov.u32 s16;
	s15 =	smov.u32 s18;
	p0 =	sne.s32 s16, $0x1F0  }
.Ltmp34:
0x399: {  	s16 =	sadd.s32 $0x10, s16;
	(pc) =	sbr.rel @p0 .LBB2_70-.Ltmp34, $2  }
0x39a: {  	_ =	sdelay $0x2  }
0x39b: {  	s18 =	sadd.s32 $0x88, s18;
	s19 =	sadd.s32 s19, s1  }
0x39c: {  	[hbm4b:s19+s3] =	stream.linear.scatter [tilespmem:s15], [sflag:$0x4], $0x80, $0x38;
	[tilespmem:$0x16C00] =	vst v63  }
0x39d: {  	_ =	swait.ge [sflag:s23], $0x4000  }
0x39e: {  	[sflag:s23] =	ssyncset.done $0x0  }
0x39f: {  	[sflag:s23] =	ssyncadd.s32 $0xFFFFC000  }
0x3a0: {  	_ =	swait.ge [sflag:s28], $0x4000  }
0x3a1: {  	s25 =	rddreg [dreg:$0x4]  }
0x3a2: {  	s1 =	rddreg [dreg:$0x3];
	s15 =	sadd.s32 $0x1, s25  }
0x3a3: {  	p0 =	sne.s32 s15, s1  }
.Ltmp35:
0x3a4: {  	_ = 	snop;
	(pc) =	sbr.rel @p0 .LBB2_1-.Ltmp35, $3  }
0x3a5: {  	_ =	sdelay $0x1  }
0x3a6: {  	[sflag:s28] =	ssyncset.done $0x0  }
0x3a7: {  	s18 =	simm.s32 $0x5;
	[sflag:s28] =	ssyncadd.s32 $0xFFFFC000  }
0x3a8: {  	_ =	sfence.sel $0x180000  }
0x3a9: {  	[bflag:$0x0] =	sbarrier.arrive $0xFFFF  }
0x3aa: {  	_ =	strace $0x90000047  }
0x3ab: {  	s0 =	stileid.u32;
	[bflag:$0x2] =	sbarrier.arrive $0xFFFF  }
0x3ac: {  	p0 =	sne.s32 s0, $0x0;
	s0 =	rddreg [dreg:$0x2]  }
0x3ad: {  	s0 =	sadd.s32 @!p0 $0x100000, s0  }
0x3ae: {  	[sflag:s0] =	ssyncadd.tile.s32 @!p0 $0x1;
	_ =	shalt  }
.Lfunc_end2:
_tile_overlayer_lowered:
.L_overlay_start_2:
0x3af: {  	(tag) =	ssettag $0x2  }
0x3b0: {  	s0 =	rddreg [dreg:$0x0];
	s2 =	stileid.u32  }
0x3b1: {  	s1 =	rddreg [dreg:$0x1];
	p0 =	sne.s32 s2, $0x0  }
0x3b2: {  	s3 =	rddreg [dreg:$0x2];
	[bflag:$0x3] =	sbarrier.arrive $0xFFFF;
	s2 =	simm.s32 @!p0 $0x1C05  }
0x3b3: {  	[timem:s3], [sflag:s2] =	dma.local @!p0 [hbm:s0], s1  }
0x3b4: {  	s0 =	simm.s32 @!p0 $0x5  }
0x3b5: {  	_ =	swait.ge @!p0 [sflag:s0], s1  }
0x3b6: {  	s1 =	ssub.s32 @!p0 $0x0, s1;
	[sflag:s0] =	ssyncset.done @!p0 $0x0  }
0x3b7: {  	[sflag:s0] =	ssyncadd.s32 @!p0 s1  }
0x3b8: {  	[bflag:$0x3] =	sbarrier.arrive $0xFFFF  }
0x3b9: {  	_ =	shalt  }

</sc_bundles>
